<compile_context>
chip_gen: v7x
topology: tpu7x:2x2x1
jax: 0.10.2.dev20260603
libtpu: 0.0.44.dev20260713+nightly
codegen_flags: <defaults>
</compile_context>

<pallas_src>
import jax
import jax.numpy as jnp
from jax import lax
from jax.experimental import pallas as pl
from jax.experimental.pallas import tpu as pltpu
from jax.experimental.pallas import tpu_sc as plsc

N = 10000
NP = 10240
E = 320000
EP = 327680
D = 128
K = 128
ET = EP // 32
CHUNKS = ET // K
PAD_DST = N + 16


def _tc_front_body(nh_ref, wt_ref, wsd_ref, c3_ref, ehr_ref, v_ref,
                   z_ref, sd_ref, t2_ref):
    z = jnp.dot(nh_ref[...], wt_ref[...], preferred_element_type=jnp.float32)
    z_ref[...] = z
    sd_ref[...] = (jnp.dot(z, wsd_ref[...], preferred_element_type=jnp.float32)
                   + c3_ref[...])
    t2_ref[...] = jnp.dot(ehr_ref[...], v_ref[...],
                          preferred_element_type=jnp.float32)


def _tc_front(node_h, w_fc_t, w_sd, c3b, edge_hr, v_blk):
    nb = 1024
    eb = 4096
    return pl.pallas_call(
        _tc_front_body,
        grid=(10,),
        in_specs=[
            pl.BlockSpec((nb, D), lambda i: (i, 0)),
            pl.BlockSpec((D, D), lambda i: (0, 0)),
            pl.BlockSpec((D, 2), lambda i: (0, 0)),
            pl.BlockSpec((1, 2), lambda i: (0, 0)),
            pl.BlockSpec((eb, D), lambda i: (i, 0)),
            pl.BlockSpec((D, 8), lambda i: (0, 0)),
        ],
        out_specs=[
            pl.BlockSpec((nb, D), lambda i: (i, 0)),
            pl.BlockSpec((nb, 2), lambda i: (i, 0)),
            pl.BlockSpec((eb, 8), lambda i: (i, 0)),
        ],
        out_shape=[
            jax.ShapeDtypeStruct((NP, D), jnp.float32),
            jax.ShapeDtypeStruct((NP, 2), jnp.float32),
            jax.ShapeDtypeStruct((EP // 8, 8), jnp.float32),
        ],
    )(node_h, w_fc_t, w_sd, c3b, edge_hr, v_blk)


def _sc_scores_body(s_hbm, d_hbm, t_hbm, src_hbm, dst_hbm, z1_hbm,
                    exp_hbm, den_hbm,
                    s_loc, d_loc, src_a, dst_a, t_a, eb0, eb1, db0, db1,
                    den_sh, sx0, sx1, sw0, sw1):
    cid = lax.axis_index("c")
    sid = lax.axis_index("s")
    cb0 = (sid * 2 + cid) * CHUNKS
    exb = (eb0, eb1)
    dstb = (db0, db1)
    sexp = (sx0, sx1)
    swr = (sw0, sw1)

    pltpu.sync_copy(s_hbm, s_loc)
    pltpu.sync_copy(d_hbm, d_loc)
    pltpu.sync_copy(src_hbm.at[pl.ds(cb0, CHUNKS), :], src_a)
    pltpu.sync_copy(dst_hbm.at[pl.ds(cb0, CHUNKS), :], dst_a)
    pltpu.sync_copy(t_hbm.at[pl.ds(cb0, CHUNKS), :], t_a)
    pltpu.sync_copy(z1_hbm.at[pl.ds(sid * 640, 640)],
                    den_sh.at[pl.ds(sid * 640, 640)])
    plsc.subcore_barrier()

    def process(c, u):
        base = (cb0 + c) * K
        @pl.when(c >= 2)
        def _():
            pltpu.make_async_copy(exb[u], den_sh.at[dstb[u]], sexp[u]).wait()
            pltpu.make_async_copy(exb[u], exp_hbm.at[pl.ds(base, K)],
                                  swr[u]).wait()
        for g in range(K // 16):
            sl = pl.ds(g * 16, 16)
            dst16 = dst_a[c, sl]
            s16 = plsc.load_gather(s_loc, [src_a[c, sl]])
            d16 = plsc.load_gather(d_loc, [dst16])
            a = s16 + d16 + t_a[c, sl]
            e = jnp.maximum(a, 0.01 * a)
            ex = jnp.exp(e)
            gid = base + g * 16 + lax.iota(jnp.int32, 16)
            exb[u][sl] = jnp.where(gid < E, ex, 0.0)
            dstb[u][sl] = dst16
        pltpu.async_copy(exb[u], den_sh.at[dstb[u]], sexp[u], add=True)
        pltpu.async_copy(exb[u], exp_hbm.at[pl.ds(base, K)], swr[u])

    def macro(j, carry):
        process(j * 2, 0)
        process(j * 2 + 1, 1)
        return carry

    lax.fori_loop(0, CHUNKS // 2, macro, 0)
    for c in (CHUNKS - 2, CHUNKS - 1):
        u = c % 2
        base = (cb0 + c) * K
        pltpu.make_async_copy(exb[u], den_sh.at[dstb[u]], sexp[u]).wait()
        pltpu.make_async_copy(exb[u], exp_hbm.at[pl.ds(base, K)],
                              swr[u]).wait()
    plsc.subcore_barrier()
    pltpu.sync_copy(den_sh.at[pl.ds(sid * 640, 640)],
                    den_hbm.at[cid, pl.ds(sid * 640, 640)])


def _sc_scores(s_p, d_p, t2d, src2d, dst2d, zeros1):
    mesh = plsc.VectorSubcoreMesh(core_axis_name="c", subcore_axis_name="s")
    return pl.kernel(
        _sc_scores_body,
        out_type=[
            jax.ShapeDtypeStruct((EP,), jnp.float32),
            jax.ShapeDtypeStruct((2, NP), jnp.float32),
        ],
        mesh=mesh,
        compiler_params=pltpu.CompilerParams(needs_layout_passes=False),
        scratch_types=[
            pltpu.VMEM((NP,), jnp.float32),
            pltpu.VMEM((NP,), jnp.float32),
            pltpu.VMEM((CHUNKS, K), jnp.int32),
            pltpu.VMEM((CHUNKS, K), jnp.int32),
            pltpu.VMEM((CHUNKS, K), jnp.float32),
            pltpu.VMEM((K,), jnp.float32),
            pltpu.VMEM((K,), jnp.float32),
            pltpu.VMEM((K,), jnp.int32),
            pltpu.VMEM((K,), jnp.int32),
            pltpu.VMEM_SHARED((NP,), jnp.float32),
            pltpu.SemaphoreType.DMA,
            pltpu.SemaphoreType.DMA,
            pltpu.SemaphoreType.DMA,
            pltpu.SemaphoreType.DMA,
        ],
    )(s_p, d_p, t2d, src2d, dst2d, zeros1)


def _sc_aggr_body(z_hbm, exp_hbm, src_hbm, dst_hbm, z2_hbm,
                  h_hbm,
                  src_a, d0, d1, e0, e1, g0, g1, h_sh,
                  si0, si1, sw0, sw1, sc0, sc1):
    cid = lax.axis_index("c")
    sid = lax.axis_index("s")
    cb0 = (cid * 16 + sid) * CHUNKS
    dds, exs, gb = (d0, d1), (e0, e1), (g0, g1)
    sidx, srow, ssca = (si0, si1), (sw0, sw1), (sc0, sc1)
    i16 = lambda v: jnp.zeros((16,), jnp.int32) + v

    pltpu.sync_copy(src_hbm.at[pl.ds(cb0, CHUNKS), :], src_a)
    pltpu.sync_copy(z2_hbm.at[pl.ds(sid * 640, 640), :],
                    h_sh.at[pl.ds(sid * 640, 640), :])
    plsc.subcore_barrier()

    pltpu.async_copy(dst_hbm.at[cb0], d0, si0)
    pltpu.async_copy(exp_hbm.at[cb0], e0, si0)
    pltpu.async_copy(z_hbm.at[src_a.at[0]], g0, sw0)

    def process(c, u):
        u1 = 1 - u

        @pl.when(c + 1 < CHUNKS)
        def _():
            @pl.when(c >= 1)
            def _():
                pltpu.make_async_copy(gb[u1], h_sh.at[dds[u1]],
                                      ssca[u1]).wait()
            pltpu.async_copy(dst_hbm.at[cb0 + c + 1], dds[u1], sidx[u1])
            pltpu.async_copy(exp_hbm.at[cb0 + c + 1], exs[u1], sidx[u1])
            pltpu.async_copy(z_hbm.at[src_a.at[c + 1]], gb[u1], srow[u1])

        pltpu.make_async_copy(z_hbm.at[src_a.at[c]], gb[u], srow[u]).wait()
        pltpu.make_async_copy(dst_hbm.at[cb0 + c], dds[u], sidx[u]).wait()
        pltpu.make_async_copy(exp_hbm.at[cb0 + c], exs[u], sidx[u]).wait()

        def edge_scale(e4, carry2):
            for v in range(8):
                ei = e4 * 8 + v
                al = plsc.load_gather(exs[u], [i16(ei)])
                for col in range(D // 16):
                    csl = pl.ds(col * 16, 16)
                    gb[u][ei, csl] = gb[u][ei, csl] * al
            return carry2

        lax.fori_loop(0, K // 8, edge_scale, 0)
        pltpu.async_copy(gb[u], h_sh.at[dds[u]], ssca[u], add=True)

    def macro(j, carry):
        process(j * 2, 0)
        process(j * 2 + 1, 1)
        return carry

    lax.fori_loop(0, CHUNKS // 2, macro, 0)
    for u in range(2):
        pltpu.make_async_copy(gb[u], h_sh.at[dds[u]], ssca[u]).wait()
    plsc.subcore_barrier()
    pltpu.sync_copy(h_sh.at[pl.ds(sid * 640, 640), :],
                    h_hbm.at[cid, pl.ds(sid * 640, 640), :])


def _sc_aggr(z, exp2d, src2d, dst2d, zeros2):
    mesh = plsc.VectorSubcoreMesh(core_axis_name="c", subcore_axis_name="s")
    return pl.kernel(
        _sc_aggr_body,
        out_type=jax.ShapeDtypeStruct((2, NP, D), jnp.float32),
        mesh=mesh,
        compiler_params=pltpu.CompilerParams(needs_layout_passes=False),
        scratch_types=(
            [
                pltpu.VMEM((CHUNKS, K), jnp.int32),
                pltpu.VMEM((K,), jnp.int32),
                pltpu.VMEM((K,), jnp.int32),
                pltpu.VMEM((K,), jnp.float32),
                pltpu.VMEM((K,), jnp.float32),
                pltpu.VMEM((K, D), jnp.float32),
                pltpu.VMEM((K, D), jnp.float32),
                pltpu.VMEM_SHARED((NP, D), jnp.float32),
            ]
            + [pltpu.SemaphoreType.DMA] * 6
        ),
    )(z, exp2d, src2d, dst2d, zeros2)


def _tc_blend_body(nh_ref, hp_ref, den_ref, o_ref):
    dt = den_ref[0] + den_ref[1]
    recip = jnp.where(dt > 0, 1.0 / dt, 0.0)
    o_ref[...] = (0.5 * nh_ref[...]
                  + 0.5 * (hp_ref[0] + hp_ref[1]) * recip[:, None])


def _tc_blend(node_h, h_part, den_part):
    nb = 1024
    return pl.pallas_call(
        _tc_blend_body,
        grid=(10,),
        in_specs=[
            pl.BlockSpec((nb, D), lambda i: (i, 0)),
            pl.BlockSpec((2, nb, D), lambda i: (0, i, 0)),
            pl.BlockSpec((2, nb), lambda i: (0, i)),
        ],
        out_specs=pl.BlockSpec((nb, D), lambda i: (i, 0)),
        out_shape=jax.ShapeDtypeStruct((N, D), jnp.float32),
    )(node_h, h_part, den_part)


def kernel(node_h, edge_index, edge_h, W_fc, W_edge, b_edge, W_attn):
    f32 = jnp.float32
    src = edge_index[0].astype(jnp.int32)
    dst = edge_index[1].astype(jnp.int32)

    w1 = W_attn[0, :D]
    w2 = W_attn[0, D:2 * D]
    w3 = W_attn[0, 2 * D:]
    v3 = W_edge.T @ w3
    c3 = jnp.dot(b_edge, w3)
    c3b = jnp.stack([c3, jnp.zeros((), f32)]).reshape(1, 2)

    edge_hr = jnp.pad(edge_h, ((0, EP - E), (0, 0))).reshape(EP // 8, D)
    v_blk = jnp.zeros((D, 8), f32).at[jnp.arange(D), jnp.arange(D) // 16].set(
        jnp.tile(v3, 8))
    w_sd = jnp.stack([w1, w2], axis=1)

    z, sd, t2 = _tc_front(node_h, W_fc.T, w_sd, c3b, edge_hr, v_blk)

    s_p = sd[:, 0]
    d_p = sd[:, 1]
    t_p = t2.reshape(EP)
    src_p = jnp.pad(src, (0, EP - E))
    dst_p = jnp.pad(dst, (0, EP - E), constant_values=PAD_DST)
    zeros1 = jnp.zeros((NP,), f32)
    zeros2 = jnp.zeros((NP, D), f32)

    src2d = src_p.reshape(EP // K, K)
    dst2d = dst_p.reshape(EP // K, K)
    exp_p, den_p = _sc_scores(s_p, d_p, t_p.reshape(EP // K, K), src2d,
                              dst2d, zeros1)
    h_p = _sc_aggr(z, exp_p.reshape(EP // K, K), src2d, dst2d, zeros2)
    return _tc_blend(node_h, h_p, den_p)

# --- scband reference (transcript-rebuilt; emitter-appended) ---
"""Pipeline reference for scband-edge-gat-44538810859689 (READ-ONLY COPY).

The authoritative reference and input builder live on the scoring server;
editing this copy changes nothing except your own understanding.
"""

import jax, jax.numpy as jnp
import numpy as np

N_NODES = 10000
N_EDGES = 320000
D_NODE = 128
D_EDGE = 16
LAMDA = 0.5


def setup_inputs(seed: int = 0) -> dict:
    key = jax.random.key(seed)
    k1, k2, k3, k4, k5, k6, k7 = jax.random.split(key, 7)
    node_h = jax.random.normal(k1, (N_NODES, D_NODE), dtype=jnp.float32)
    edge_index = jax.random.randint(k2, (2, N_EDGES), 0, N_NODES, dtype=jnp.int64)
    edge_h = jax.random.normal(k3, (N_EDGES, D_EDGE), dtype=jnp.float32)
    # learned params (PyTorch Linear stores weight as [out, in])
    W_fc = jax.random.normal(k4, (D_NODE, D_NODE), dtype=jnp.float32) * 0.05
    W_edge = jax.random.normal(k5, (D_EDGE, D_EDGE), dtype=jnp.float32) * 0.1
    b_edge = jax.random.normal(k6, (D_EDGE,), dtype=jnp.float32) * 0.1
    W_attn = jax.random.normal(k7, (1, 2 * D_NODE + D_EDGE), dtype=jnp.float32) * 0.05
    return {"node_h": node_h, "edge_index": edge_index, "edge_h": edge_h,
            "W_fc": W_fc, "W_edge": W_edge, "b_edge": b_edge, "W_attn": W_attn}


def _leaky_relu(x, negative_slope=0.01):
    return jnp.where(x >= 0, x, negative_slope * x)


def reference(node_h, edge_index, edge_h, W_fc, W_edge, b_edge, W_attn):
    n_nodes = node_h.shape[0]
    src = edge_index[0]
    dst = edge_index[1]

    # z = self.fc(node_h)
    z = node_h @ W_fc.T
    # edge_z = self.edge_fc(edge_h)
    edge_z = edge_h @ W_edge.T + b_edge

    # edge_attention: cat([src z, dst z, edge embed]) -> attn_fc -> leaky_relu
    z_src = jnp.take(z, src, axis=0)
    z_dst = jnp.take(z, dst, axis=0)
    z2 = jnp.concatenate([z_src, z_dst, edge_z], axis=1)
    a = z2 @ W_attn.T  # [E, 1]
    e = _leaky_relu(a).squeeze(-1)  # [E]

    # reduce: softmax over incoming edges per destination node (segment softmax)
    e_max = jax.ops.segment_max(e, dst, num_segments=n_nodes)
    e_exp = jnp.exp(e - jnp.take(e_max, dst, axis=0))
    denom = jax.ops.segment_sum(e_exp, dst, num_segments=n_nodes)
    alpha = e_exp / jnp.take(denom, dst, axis=0)

    # h = sum(alpha * z_src) per dst node; nodes with no in-edges get 0 (DGL semantics)
    h = jax.ops.segment_sum(alpha[:, None] * z_src, dst, num_segments=n_nodes)

    final_out = (1.0 - LAMDA) * node_h + LAMDA * h
    return final_out

if __name__ == "__main__":
    import jax
    _d = setup_inputs()
    print(jax.jit(kernel)(*tuple(_d.values())))

</pallas_src>

<mosaic_0001>
#map = affine_map<(d0, d1) -> (0)>
#map1 = affine_map<(d0, d1) -> (0, 0)>
module attributes {stable_mosaic.version = 14 : i64} {
  func.func @_sc_scores_body(%arg0: i32, %arg1: i32, %arg2: memref<10240xf32, #tpu.memory_space<hbm>>, %arg3: memref<10240xf32, #tpu.memory_space<hbm>>, %arg4: memref<2560x128xf32, #tpu.memory_space<hbm>>, %arg5: memref<2560x128xi32, #tpu.memory_space<hbm>>, %arg6: memref<2560x128xi32, #tpu.memory_space<hbm>>, %arg7: memref<10240xf32, #tpu.memory_space<hbm>>, %arg8: memref<327680xf32, #tpu.memory_space<hbm>>, %arg9: memref<2x10240xf32, #tpu.memory_space<hbm>>, %arg10: memref<10240xf32, #tpu.memory_space<vmem>>, %arg11: memref<10240xf32, #tpu.memory_space<vmem>>, %arg12: memref<80x128xi32, #tpu.memory_space<vmem>>, %arg13: memref<80x128xi32, #tpu.memory_space<vmem>>, %arg14: memref<80x128xf32, #tpu.memory_space<vmem>>, %arg15: memref<128xf32, #tpu.memory_space<vmem>>, %arg16: memref<128xf32, #tpu.memory_space<vmem>>, %arg17: memref<128xi32, #tpu.memory_space<vmem>>, %arg18: memref<128xi32, #tpu.memory_space<vmem>>, %arg19: memref<10240xf32, #tpu.memory_space<vmem_shared>>, %arg20: memref<!tpu.dma_semaphore, #tpu.memory_space<semaphore_mem>>, %arg21: memref<!tpu.dma_semaphore, #tpu.memory_space<semaphore_mem>>, %arg22: memref<!tpu.dma_semaphore, #tpu.memory_space<semaphore_mem>>, %arg23: memref<!tpu.dma_semaphore, #tpu.memory_space<semaphore_mem>>) attributes {dimension_semantics = [#tpu.dimension_semantics<core_parallel>, #tpu.dimension_semantics<subcore_parallel>], iteration_bounds = array<i64: 2, 16>, scalar_prefetch = 0 : i64, scratch_operands = 14 : i64, tpu.core_type = #tpu.core_type<sc_vector_subcore>, window_params = [{transform_indices = #map}, {transform_indices = #map}, {transform_indices = #map1}, {transform_indices = #map1}, {transform_indices = #map1}, {transform_indices = #map}, {transform_indices = #map}, {transform_indices = #map1}]} {
    %mul3A = arith.constant 2 : i32
    %mul3A_0 = arith.muli %arg1, %mul3A : i32
    %add3A = arith.addi %mul3A_0, %arg0 : i32
    %mul3A_1 = arith.constant 80 : i32
    %mul3A_2 = arith.muli %add3A, %mul3A_1 : i32
    "tpu.region"() ({
      %run_scoped3A = tpu.sem_alloc : memref<!tpu.dma_semaphore, #tpu.memory_space<semaphore_mem>>
      tpu.enqueue_dma source(%arg2 : memref<10240xf32, #tpu.memory_space<hbm>>) target(%arg10 : memref<10240xf32, #tpu.memory_space<vmem>>) target_semaphore(%run_scoped3A : memref<!tpu.dma_semaphore, #tpu.memory_space<semaphore_mem>>)
      tpu.wait_dma2 semaphore(%run_scoped3A : memref<!tpu.dma_semaphore, #tpu.memory_space<semaphore_mem>>) src(%arg2 : memref<10240xf32, #tpu.memory_space<hbm>>) dst(%arg10 : memref<10240xf32, #tpu.memory_space<vmem>>)
      tpu.yield
    }) : () -> ()
    "tpu.region"() ({
      %run_scoped3A = tpu.sem_alloc : memref<!tpu.dma_semaphore, #tpu.memory_space<semaphore_mem>>
      tpu.enqueue_dma source(%arg3 : memref<10240xf32, #tpu.memory_space<hbm>>) target(%arg11 : memref<10240xf32, #tpu.memory_space<vmem>>) target_semaphore(%run_scoped3A : memref<!tpu.dma_semaphore, #tpu.memory_space<semaphore_mem>>)
      tpu.wait_dma2 semaphore(%run_scoped3A : memref<!tpu.dma_semaphore, #tpu.memory_space<semaphore_mem>>) src(%arg3 : memref<10240xf32, #tpu.memory_space<hbm>>) dst(%arg11 : memref<10240xf32, #tpu.memory_space<vmem>>)
      tpu.yield
    }) : () -> ()
    "tpu.region"() ({
      %run_scoped3A = tpu.sem_alloc : memref<!tpu.dma_semaphore, #tpu.memory_space<semaphore_mem>>
      %dma_start3A = arith.constant 0 : i32
      %dma_start3A_32 = tpu.memref_slice %arg5[%mul3A_2, %dma_start3A] : memref<2560x128xi32, #tpu.memory_space<hbm>> -> memref<80x128xi32, #tpu.memory_space<hbm>>
      %dma_start3A_33 = arith.constant 0 : i32
      %dma_start3A_34 = tpu.memref_slice %arg5[%mul3A_2, %dma_start3A_33] : memref<2560x128xi32, #tpu.memory_space<hbm>> -> memref<80x128xi32, #tpu.memory_space<hbm>>
      tpu.enqueue_dma source(%dma_start3A_34 : memref<80x128xi32, #tpu.memory_space<hbm>>) target(%arg12 : memref<80x128xi32, #tpu.memory_space<vmem>>) target_semaphore(%run_scoped3A : memref<!tpu.dma_semaphore, #tpu.memory_space<semaphore_mem>>)
      %dma_wait3A_35 = arith.constant 0 : i32
      %dma_wait3A_36 = tpu.memref_slice %arg5[%mul3A_2, %dma_wait3A_35] : memref<2560x128xi32, #tpu.memory_space<hbm>> -> memref<80x128xi32, #tpu.memory_space<hbm>>
      %dma_wait3A_37 = arith.constant 0 : i32
      %dma_wait3A_38 = tpu.memref_slice %arg5[%mul3A_2, %dma_wait3A_37] : memref<2560x128xi32, #tpu.memory_space<hbm>> -> memref<80x128xi32, #tpu.memory_space<hbm>>
      tpu.wait_dma2 semaphore(%run_scoped3A : memref<!tpu.dma_semaphore, #tpu.memory_space<semaphore_mem>>) src(%dma_wait3A_38 : memref<80x128xi32, #tpu.memory_space<hbm>>) dst(%arg12 : memref<80x128xi32, #tpu.memory_space<vmem>>)
      tpu.yield
    }) : () -> ()
    "tpu.region"() ({
      %run_scoped3A = tpu.sem_alloc : memref<!tpu.dma_semaphore, #tpu.memory_space<semaphore_mem>>
      %dma_start3A = arith.constant 0 : i32
      %dma_start3A_32 = tpu.memref_slice %arg6[%mul3A_2, %dma_start3A] : memref<2560x128xi32, #tpu.memory_space<hbm>> -> memref<80x128xi32, #tpu.memory_space<hbm>>
      %dma_start3A_33 = arith.constant 0 : i32
      %dma_start3A_34 = tpu.memref_slice %arg6[%mul3A_2, %dma_start3A_33] : memref<2560x128xi32, #tpu.memory_space<hbm>> -> memref<80x128xi32, #tpu.memory_space<hbm>>
      tpu.enqueue_dma source(%dma_start3A_34 : memref<80x128xi32, #tpu.memory_space<hbm>>) target(%arg13 : memref<80x128xi32, #tpu.memory_space<vmem>>) target_semaphore(%run_scoped3A : memref<!tpu.dma_semaphore, #tpu.memory_space<semaphore_mem>>)
      %dma_wait3A_35 = arith.constant 0 : i32
      %dma_wait3A_36 = tpu.memref_slice %arg6[%mul3A_2, %dma_wait3A_35] : memref<2560x128xi32, #tpu.memory_space<hbm>> -> memref<80x128xi32, #tpu.memory_space<hbm>>
      %dma_wait3A_37 = arith.constant 0 : i32
      %dma_wait3A_38 = tpu.memref_slice %arg6[%mul3A_2, %dma_wait3A_37] : memref<2560x128xi32, #tpu.memory_space<hbm>> -> memref<80x128xi32, #tpu.memory_space<hbm>>
      tpu.wait_dma2 semaphore(%run_scoped3A : memref<!tpu.dma_semaphore, #tpu.memory_space<semaphore_mem>>) src(%dma_wait3A_38 : memref<80x128xi32, #tpu.memory_space<hbm>>) dst(%arg13 : memref<80x128xi32, #tpu.memory_space<vmem>>)
      tpu.yield
    }) : () -> ()
    "tpu.region"() ({
      %run_scoped3A = tpu.sem_alloc : memref<!tpu.dma_semaphore, #tpu.memory_space<semaphore_mem>>
      %dma_start3A = arith.constant 0 : i32
      %dma_start3A_32 = tpu.memref_slice %arg4[%mul3A_2, %dma_start3A] : memref<2560x128xf32, #tpu.memory_space<hbm>> -> memref<80x128xf32, #tpu.memory_space<hbm>>
      %dma_start3A_33 = arith.constant 0 : i32
      %dma_start3A_34 = tpu.memref_slice %arg4[%mul3A_2, %dma_start3A_33] : memref<2560x128xf32, #tpu.memory_space<hbm>> -> memref<80x128xf32, #tpu.memory_space<hbm>>
      tpu.enqueue_dma source(%dma_start3A_34 : memref<80x128xf32, #tpu.memory_space<hbm>>) target(%arg14 : memref<80x128xf32, #tpu.memory_space<vmem>>) target_semaphore(%run_scoped3A : memref<!tpu.dma_semaphore, #tpu.memory_space<semaphore_mem>>)
      %dma_wait3A_35 = arith.constant 0 : i32
      %dma_wait3A_36 = tpu.memref_slice %arg4[%mul3A_2, %dma_wait3A_35] : memref<2560x128xf32, #tpu.memory_space<hbm>> -> memref<80x128xf32, #tpu.memory_space<hbm>>
      %dma_wait3A_37 = arith.constant 0 : i32
      %dma_wait3A_38 = tpu.memref_slice %arg4[%mul3A_2, %dma_wait3A_37] : memref<2560x128xf32, #tpu.memory_space<hbm>> -> memref<80x128xf32, #tpu.memory_space<hbm>>
      tpu.wait_dma2 semaphore(%run_scoped3A : memref<!tpu.dma_semaphore, #tpu.memory_space<semaphore_mem>>) src(%dma_wait3A_38 : memref<80x128xf32, #tpu.memory_space<hbm>>) dst(%arg14 : memref<80x128xf32, #tpu.memory_space<vmem>>)
      tpu.yield
    }) : () -> ()
    %mul3A_3 = arith.constant 640 : i32
    %mul3A_4 = arith.muli %arg1, %mul3A_3 : i32
    %mul3A_5 = arith.constant 640 : i32
    %mul3A_6 = arith.muli %arg1, %mul3A_5 : i32
    "tpu.region"() ({
      %run_scoped3A = tpu.sem_alloc : memref<!tpu.dma_semaphore, #tpu.memory_space<semaphore_mem>>
      %dma_start3A = tpu.memref_slice %arg19[%mul3A_6] : memref<10240xf32, #tpu.memory_space<vmem_shared>> -> memref<640xf32, #tpu.memory_space<vmem_shared>>
      %dma_start3A_32 = tpu.memref_slice %arg7[%mul3A_4] : memref<10240xf32, #tpu.memory_space<hbm>> -> memref<640xf32, #tpu.memory_space<hbm>>
      tpu.enqueue_dma source(%dma_start3A_32 : memref<640xf32, #tpu.memory_space<hbm>>) target(%dma_start3A : memref<640xf32, #tpu.memory_space<vmem_shared>>) target_semaphore(%run_scoped3A : memref<!tpu.dma_semaphore, #tpu.memory_space<semaphore_mem>>)
      %dma_wait3A_33 = tpu.memref_slice %arg19[%mul3A_6] : memref<10240xf32, #tpu.memory_space<vmem_shared>> -> memref<640xf32, #tpu.memory_space<vmem_shared>>
      %dma_wait3A_34 = tpu.memref_slice %arg7[%mul3A_4] : memref<10240xf32, #tpu.memory_space<hbm>> -> memref<640xf32, #tpu.memory_space<hbm>>
      tpu.wait_dma2 semaphore(%run_scoped3A : memref<!tpu.dma_semaphore, #tpu.memory_space<semaphore_mem>>) src(%dma_wait3A_34 : memref<640xf32, #tpu.memory_space<hbm>>) dst(%dma_wait3A_33 : memref<640xf32, #tpu.memory_space<vmem_shared>>)
      tpu.yield
    }) : () -> ()
    %barrier3A = arith.constant 0 : index
    tpu.barrier barrier_id(%barrier3A)
    %scan3A = arith.constant 0 : i32
    %scan3A_7 = arith.constant 0 : i32
    %scan3A_8 = arith.constant 40 : i32
    %scan3A_9 = arith.addi %scan3A_7, %scan3A_8 : i32
    %scan3A_10 = arith.constant 1 : i32
    scf.for %scan3A_32 = %scan3A_7 to %scan3A_9 step %scan3A_10  : i32 {
      %mul3A_33 = arith.constant 2 : i32
      %mul3A_34 = arith.muli %scan3A_32, %mul3A_33 : i32
      %add3A_35 = arith.addi %mul3A_2, %mul3A_34 : i32
      %mul3A_36 = arith.constant 128 : i32
      %mul3A_37 = arith.muli %add3A_35, %mul3A_36 : i32
      %ge3A = arith.constant 2 : i32
      %ge3A_38 = arith.cmpi sge, %mul3A_34, %ge3A : i32
      %convert_element_type3A = arith.extui %ge3A_38 : i1 to i32
      %cond3A = arith.constant 0 : i32
      %cond3A_39 = arith.cmpi ne, %convert_element_type3A, %cond3A : i32
      scf.if %cond3A_39 {
        %dma_wait3A_577 = arith.constant 0 : i32
        %dma_wait3A_578 = tpu.memref_slice %arg19[%dma_wait3A_577] : memref<10240xf32, #tpu.memory_space<vmem_shared>> -> memref<10240xf32, #tpu.memory_space<vmem_shared>>
        tpu.wait_indirect_dma semaphore(%arg20 : memref<!tpu.dma_semaphore, #tpu.memory_space<semaphore_mem>>) src(%arg15 : memref<128xf32, #tpu.memory_space<vmem>>) dst(%dma_wait3A_578 : memref<10240xf32, #tpu.memory_space<vmem_shared>>)
        %dma_wait3A_579 = tpu.memref_slice %arg8[%mul3A_37] : memref<327680xf32, #tpu.memory_space<hbm>> -> memref<128xf32, #tpu.memory_space<hbm>>
        %dma_wait3A_580 = tpu.memref_slice %arg8[%mul3A_37] : memref<327680xf32, #tpu.memory_space<hbm>> -> memref<128xf32, #tpu.memory_space<hbm>>
        tpu.wait_dma2 semaphore(%arg22 : memref<!tpu.dma_semaphore, #tpu.memory_space<semaphore_mem>>) src(%arg15 : memref<128xf32, #tpu.memory_space<vmem>>) dst(%dma_wait3A_580 : memref<128xf32, #tpu.memory_space<hbm>>)
      } else {
      }
      %get3A = arith.index_cast %mul3A_34 : i32 to index
      %get3A_40 = arith.constant 0 : index
      %get3A_41 = tpu.vector_load %arg13[%get3A, %get3A_40] {strides = array<i32>} : memref<80x128xi32, #tpu.memory_space<vmem>>, vector<16xi32>,
      %get3A_42 = arith.index_cast %mul3A_34 : i32 to index
      %get3A_43 = arith.constant 0 : index
      %get3A_44 = tpu.vector_load %arg12[%get3A_42, %get3A_43] {strides = array<i32>} : memref<80x128xi32, #tpu.memory_space<vmem>>, vector<16xi32>,
      %gather3A = tpu.vector_load_idx %arg10[%get3A_44] : memref<10240xf32, #tpu.memory_space<vmem>>[vector<16xi32>], vector<16xf32>,
      %gather3A_45 = tpu.vector_load_idx %arg11[%get3A_41] : memref<10240xf32, #tpu.memory_space<vmem>>[vector<16xi32>], vector<16xf32>,
      %add3A_46 = arith.addf %gather3A, %gather3A_45 : vector<16xf32>
      %get3A_47 = arith.index_cast %mul3A_34 : i32 to index
      %get3A_48 = arith.constant 0 : index
      %get3A_49 = tpu.vector_load %arg14[%get3A_47, %get3A_48] {strides = array<i32>} : memref<80x128xf32, #tpu.memory_space<vmem>>, vector<16xf32>,
      %add3A_50 = arith.addf %add3A_46, %get3A_49 : vector<16xf32>
      %mul3A_51 = arith.constant 0.00999999977 : f32
      %mul3A_52 = vector.broadcast %mul3A_51 : f32 to vector<16xf32>
      %mul3A_53 = arith.mulf %mul3A_52, %add3A_50 : vector<16xf32>
      %max3A = arith.maximumf %add3A_50, %mul3A_53 : vector<16xf32>
      %exp3A = math.exp %max3A : vector<16xf32>
      %add3A_54 = arith.constant 0 : i32
      %add3A_55 = arith.addi %mul3A_37, %add3A_54 : i32
      %iota3A = tpu.iota {dimensions = array<i32: 0>} : vector<16xi32>
      %add3A_56 = vector.broadcast %add3A_55 : i32 to vector<16xi32>
      %add3A_57 = arith.addi %add3A_56, %iota3A : vector<16xi32>
      %lt3A = arith.constant 320000 : i32
      %lt3A_58 = vector.broadcast %lt3A : i32 to vector<16xi32>
      %lt3A_59 = arith.cmpi slt, %add3A_57, %lt3A_58 : vector<16xi32>
      %jit3A = arith.constant 0.000000e+00 : f32
      %broadcast_in_dim3A = vector.broadcast %jit3A : f32 to vector<16xf32>
      %select_n3A = arith.select %lt3A_59, %exp3A, %broadcast_in_dim3A : vector<16xi1>, vector<16xf32>
      %swap3A = arith.constant 0 : index
      %swap3A_60 = tpu.vector_load %arg15[%swap3A] {strides = array<i32>} : memref<128xf32, #tpu.memory_space<vmem>>, vector<16xf32>,
      tpu.vector_store %arg15[%swap3A], %select_n3A {strides = array<i32>} : memref<128xf32, #tpu.memory_space<vmem>>, vector<16xf32>,
      %swap3A_61 = arith.constant 0 : index
      %swap3A_62 = tpu.vector_load %arg17[%swap3A_61] {strides = array<i32>} : memref<128xi32, #tpu.memory_space<vmem>>, vector<16xi32>,
      tpu.vector_store %arg17[%swap3A_61], %get3A_41 {strides = array<i32>} : memref<128xi32, #tpu.memory_space<vmem>>, vector<16xi32>,
      %get3A_63 = arith.index_cast %mul3A_34 : i32 to index
      %get3A_64 = arith.constant 16 : index
      %get3A_65 = tpu.vector_load %arg13[%get3A_63, %get3A_64] {strides = array<i32>} : memref<80x128xi32, #tpu.memory_space<vmem>>, vector<16xi32>,
      %get3A_66 = arith.index_cast %mul3A_34 : i32 to index
      %get3A_67 = arith.constant 16 : index
      %get3A_68 = tpu.vector_load %arg12[%get3A_66, %get3A_67] {strides = array<i32>} : memref<80x128xi32, #tpu.memory_space<vmem>>, vector<16xi32>,
      %gather3A_69 = tpu.vector_load_idx %arg10[%get3A_68] : memref<10240xf32, #tpu.memory_space<vmem>>[vector<16xi32>], vector<16xf32>,
      %gather3A_70 = tpu.vector_load_idx %arg11[%get3A_65] : memref<10240xf32, #tpu.memory_space<vmem>>[vector<16xi32>], vector<16xf32>,
      %add3A_71 = arith.addf %gather3A_69, %gather3A_70 : vector<16xf32>
      %get3A_72 = arith.index_cast %mul3A_34 : i32 to index
      %get3A_73 = arith.constant 16 : index
      %get3A_74 = tpu.vector_load %arg14[%get3A_72, %get3A_73] {strides = array<i32>} : memref<80x128xf32, #tpu.memory_space<vmem>>, vector<16xf32>,
      %add3A_75 = arith.addf %add3A_71, %get3A_74 : vector<16xf32>
      %mul3A_76 = arith.constant 0.00999999977 : f32
      %mul3A_77 = vector.broadcast %mul3A_76 : f32 to vector<16xf32>
      %mul3A_78 = arith.mulf %mul3A_77, %add3A_75 : vector<16xf32>
      %max3A_79 = arith.maximumf %add3A_75, %mul3A_78 : vector<16xf32>
      %exp3A_80 = math.exp %max3A_79 : vector<16xf32>
      %add3A_81 = arith.constant 16 : i32
      %add3A_82 = arith.addi %mul3A_37, %add3A_81 : i32
      %iota3A_83 = tpu.iota {dimensions = array<i32: 0>} : vector<16xi32>
      %add3A_84 = vector.broadcast %add3A_82 : i32 to vector<16xi32>
      %add3A_85 = arith.addi %add3A_84, %iota3A_83 : vector<16xi32>
      %lt3A_86 = arith.constant 320000 : i32
      %lt3A_87 = vector.broadcast %lt3A_86 : i32 to vector<16xi32>
      %lt3A_88 = arith.cmpi slt, %add3A_85, %lt3A_87 : vector<16xi32>
      %jit3A_89 = arith.constant 0.000000e+00 : f32
      %broadcast_in_dim3A_90 = vector.broadcast %jit3A_89 : f32 to vector<16xf32>
      %select_n3A_91 = arith.select %lt3A_88, %exp3A_80, %broadcast_in_dim3A_90 : vector<16xi1>, vector<16xf32>
      %swap3A_92 = arith.constant 16 : index
      %swap3A_93 = tpu.vector_load %arg15[%swap3A_92] {strides = array<i32>} : memref<128xf32, #tpu.memory_space<vmem>>, vector<16xf32>,
      tpu.vector_store %arg15[%swap3A_92], %select_n3A_91 {strides = array<i32>} : memref<128xf32, #tpu.memory_space<vmem>>, vector<16xf32>,
      %swap3A_94 = arith.constant 16 : index
      %swap3A_95 = tpu.vector_load %arg17[%swap3A_94] {strides = array<i32>} : memref<128xi32, #tpu.memory_space<vmem>>, vector<16xi32>,
      tpu.vector_store %arg17[%swap3A_94], %get3A_65 {strides = array<i32>} : memref<128xi32, #tpu.memory_space<vmem>>, vector<16xi32>,
      %get3A_96 = arith.index_cast %mul3A_34 : i32 to index
      %get3A_97 = arith.constant 32 : index
      %get3A_98 = tpu.vector_load %arg13[%get3A_96, %get3A_97] {strides = array<i32>} : memref<80x128xi32, #tpu.memory_space<vmem>>, vector<16xi32>,
      %get3A_99 = arith.index_cast %mul3A_34 : i32 to index
      %get3A_100 = arith.constant 32 : index
      %get3A_101 = tpu.vector_load %arg12[%get3A_99, %get3A_100] {strides = array<i32>} : memref<80x128xi32, #tpu.memory_space<vmem>>, vector<16xi32>,
      %gather3A_102 = tpu.vector_load_idx %arg10[%get3A_101] : memref<10240xf32, #tpu.memory_space<vmem>>[vector<16xi32>], vector<16xf32>,
      %gather3A_103 = tpu.vector_load_idx %arg11[%get3A_98] : memref<10240xf32, #tpu.memory_space<vmem>>[vector<16xi32>], vector<16xf32>,
      %add3A_104 = arith.addf %gather3A_102, %gather3A_103 : vector<16xf32>
      %get3A_105 = arith.index_cast %mul3A_34 : i32 to index
      %get3A_106 = arith.constant 32 : index
      %get3A_107 = tpu.vector_load %arg14[%get3A_105, %get3A_106] {strides = array<i32>} : memref<80x128xf32, #tpu.memory_space<vmem>>, vector<16xf32>,
      %add3A_108 = arith.addf %add3A_104, %get3A_107 : vector<16xf32>
      %mul3A_109 = arith.constant 0.00999999977 : f32
      %mul3A_110 = vector.broadcast %mul3A_109 : f32 to vector<16xf32>
      %mul3A_111 = arith.mulf %mul3A_110, %add3A_108 : vector<16xf32>
      %max3A_112 = arith.maximumf %add3A_108, %mul3A_111 : vector<16xf32>
      %exp3A_113 = math.exp %max3A_112 : vector<16xf32>
      %add3A_114 = arith.constant 32 : i32
      %add3A_115 = arith.addi %mul3A_37, %add3A_114 : i32
      %iota3A_116 = tpu.iota {dimensions = array<i32: 0>} : vector<16xi32>
      %add3A_117 = vector.broadcast %add3A_115 : i32 to vector<16xi32>
      %add3A_118 = arith.addi %add3A_117, %iota3A_116 : vector<16xi32>
      %lt3A_119 = arith.constant 320000 : i32
      %lt3A_120 = vector.broadcast %lt3A_119 : i32 to vector<16xi32>
      %lt3A_121 = arith.cmpi slt, %add3A_118, %lt3A_120 : vector<16xi32>
      %jit3A_122 = arith.constant 0.000000e+00 : f32
      %broadcast_in_dim3A_123 = vector.broadcast %jit3A_122 : f32 to vector<16xf32>
      %select_n3A_124 = arith.select %lt3A_121, %exp3A_113, %broadcast_in_dim3A_123 : vector<16xi1>, vector<16xf32>
      %swap3A_125 = arith.constant 32 : index
      %swap3A_126 = tpu.vector_load %arg15[%swap3A_125] {strides = array<i32>} : memref<128xf32, #tpu.memory_space<vmem>>, vector<16xf32>,
      tpu.vector_store %arg15[%swap3A_125], %select_n3A_124 {strides = array<i32>} : memref<128xf32, #tpu.memory_space<vmem>>, vector<16xf32>,
      %swap3A_127 = arith.constant 32 : index
      %swap3A_128 = tpu.vector_load %arg17[%swap3A_127] {strides = array<i32>} : memref<128xi32, #tpu.memory_space<vmem>>, vector<16xi32>,
      tpu.vector_store %arg17[%swap3A_127], %get3A_98 {strides = array<i32>} : memref<128xi32, #tpu.memory_space<vmem>>, vector<16xi32>,
      %get3A_129 = arith.index_cast %mul3A_34 : i32 to index
      %get3A_130 = arith.constant 48 : index
      %get3A_131 = tpu.vector_load %arg13[%get3A_129, %get3A_130] {strides = array<i32>} : memref<80x128xi32, #tpu.memory_space<vmem>>, vector<16xi32>,
      %get3A_132 = arith.index_cast %mul3A_34 : i32 to index
      %get3A_133 = arith.constant 48 : index
      %get3A_134 = tpu.vector_load %arg12[%get3A_132, %get3A_133] {strides = array<i32>} : memref<80x128xi32, #tpu.memory_space<vmem>>, vector<16xi32>,
      %gather3A_135 = tpu.vector_load_idx %arg10[%get3A_134] : memref<10240xf32, #tpu.memory_space<vmem>>[vector<16xi32>], vector<16xf32>,
      %gather3A_136 = tpu.vector_load_idx %arg11[%get3A_131] : memref<10240xf32, #tpu.memory_space<vmem>>[vector<16xi32>], vector<16xf32>,
      %add3A_137 = arith.addf %gather3A_135, %gather3A_136 : vector<16xf32>
      %get3A_138 = arith.index_cast %mul3A_34 : i32 to index
      %get3A_139 = arith.constant 48 : index
      %get3A_140 = tpu.vector_load %arg14[%get3A_138, %get3A_139] {strides = array<i32>} : memref<80x128xf32, #tpu.memory_space<vmem>>, vector<16xf32>,
      %add3A_141 = arith.addf %add3A_137, %get3A_140 : vector<16xf32>
      %mul3A_142 = arith.constant 0.00999999977 : f32
      %mul3A_143 = vector.broadcast %mul3A_142 : f32 to vector<16xf32>
      %mul3A_144 = arith.mulf %mul3A_143, %add3A_141 : vector<16xf32>
      %max3A_145 = arith.maximumf %add3A_141, %mul3A_144 : vector<16xf32>
      %exp3A_146 = math.exp %max3A_145 : vector<16xf32>
      %add3A_147 = arith.constant 48 : i32
      %add3A_148 = arith.addi %mul3A_37, %add3A_147 : i32
      %iota3A_149 = tpu.iota {dimensions = array<i32: 0>} : vector<16xi32>
      %add3A_150 = vector.broadcast %add3A_148 : i32 to vector<16xi32>
      %add3A_151 = arith.addi %add3A_150, %iota3A_149 : vector<16xi32>
      %lt3A_152 = arith.constant 320000 : i32
      %lt3A_153 = vector.broadcast %lt3A_152 : i32 to vector<16xi32>
      %lt3A_154 = arith.cmpi slt, %add3A_151, %lt3A_153 : vector<16xi32>
      %jit3A_155 = arith.constant 0.000000e+00 : f32
      %broadcast_in_dim3A_156 = vector.broadcast %jit3A_155 : f32 to vector<16xf32>
      %select_n3A_157 = arith.select %lt3A_154, %exp3A_146, %broadcast_in_dim3A_156 : vector<16xi1>, vector<16xf32>
      %swap3A_158 = arith.constant 48 : index
      %swap3A_159 = tpu.vector_load %arg15[%swap3A_158] {strides = array<i32>} : memref<128xf32, #tpu.memory_space<vmem>>, vector<16xf32>,
      tpu.vector_store %arg15[%swap3A_158], %select_n3A_157 {strides = array<i32>} : memref<128xf32, #tpu.memory_space<vmem>>, vector<16xf32>,
      %swap3A_160 = arith.constant 48 : index
      %swap3A_161 = tpu.vector_load %arg17[%swap3A_160] {strides = array<i32>} : memref<128xi32, #tpu.memory_space<vmem>>, vector<16xi32>,
      tpu.vector_store %arg17[%swap3A_160], %get3A_131 {strides = array<i32>} : memref<128xi32, #tpu.memory_space<vmem>>, vector<16xi32>,
      %get3A_162 = arith.index_cast %mul3A_34 : i32 to index
      %get3A_163 = arith.constant 64 : index
      %get3A_164 = tpu.vector_load %arg13[%get3A_162, %get3A_163] {strides = array<i32>} : memref<80x128xi32, #tpu.memory_space<vmem>>, vector<16xi32>,
      %get3A_165 = arith.index_cast %mul3A_34 : i32 to index
      %get3A_166 = arith.constant 64 : index
      %get3A_167 = tpu.vector_load %arg12[%get3A_165, %get3A_166] {strides = array<i32>} : memref<80x128xi32, #tpu.memory_space<vmem>>, vector<16xi32>,
      %gather3A_168 = tpu.vector_load_idx %arg10[%get3A_167] : memref<10240xf32, #tpu.memory_space<vmem>>[vector<16xi32>], vector<16xf32>,
      %gather3A_169 = tpu.vector_load_idx %arg11[%get3A_164] : memref<10240xf32, #tpu.memory_space<vmem>>[vector<16xi32>], vector<16xf32>,
      %add3A_170 = arith.addf %gather3A_168, %gather3A_169 : vector<16xf32>
      %get3A_171 = arith.index_cast %mul3A_34 : i32 to index
      %get3A_172 = arith.constant 64 : index
      %get3A_173 = tpu.vector_load %arg14[%get3A_171, %get3A_172] {strides = array<i32>} : memref<80x128xf32, #tpu.memory_space<vmem>>, vector<16xf32>,
      %add3A_174 = arith.addf %add3A_170, %get3A_173 : vector<16xf32>
      %mul3A_175 = arith.constant 0.00999999977 : f32
      %mul3A_176 = vector.broadcast %mul3A_175 : f32 to vector<16xf32>
      %mul3A_177 = arith.mulf %mul3A_176, %add3A_174 : vector<16xf32>
      %max3A_178 = arith.maximumf %add3A_174, %mul3A_177 : vector<16xf32>
      %exp3A_179 = math.exp %max3A_178 : vector<16xf32>
      %add3A_180 = arith.constant 64 : i32
      %add3A_181 = arith.addi %mul3A_37, %add3A_180 : i32
      %iota3A_182 = tpu.iota {dimensions = array<i32: 0>} : vector<16xi32>
      %add3A_183 = vector.broadcast %add3A_181 : i32 to vector<16xi32>
      %add3A_184 = arith.addi %add3A_183, %iota3A_182 : vector<16xi32>
      %lt3A_185 = arith.constant 320000 : i32
      %lt3A_186 = vector.broadcast %lt3A_185 : i32 to vector<16xi32>
      %lt3A_187 = arith.cmpi slt, %add3A_184, %lt3A_186 : vector<16xi32>
      %jit3A_188 = arith.constant 0.000000e+00 : f32
      %broadcast_in_dim3A_189 = vector.broadcast %jit3A_188 : f32 to vector<16xf32>
      %select_n3A_190 = arith.select %lt3A_187, %exp3A_179, %broadcast_in_dim3A_189 : vector<16xi1>, vector<16xf32>
      %swap3A_191 = arith.constant 64 : index
      %swap3A_192 = tpu.vector_load %arg15[%swap3A_191] {strides = array<i32>} : memref<128xf32, #tpu.memory_space<vmem>>, vector<16xf32>,
      tpu.vector_store %arg15[%swap3A_191], %select_n3A_190 {strides = array<i32>} : memref<128xf32, #tpu.memory_space<vmem>>, vector<16xf32>,
      %swap3A_193 = arith.constant 64 : index
      %swap3A_194 = tpu.vector_load %arg17[%swap3A_193] {strides = array<i32>} : memref<128xi32, #tpu.memory_space<vmem>>, vector<16xi32>,
      tpu.vector_store %arg17[%swap3A_193], %get3A_164 {strides = array<i32>} : memref<128xi32, #tpu.memory_space<vmem>>, vector<16xi32>,
      %get3A_195 = arith.index_cast %mul3A_34 : i32 to index
      %get3A_196 = arith.constant 80 : index
      %get3A_197 = tpu.vector_load %arg13[%get3A_195, %get3A_196] {strides = array<i32>} : memref<80x128xi32, #tpu.memory_space<vmem>>, vector<16xi32>,
      %get3A_198 = arith.index_cast %mul3A_34 : i32 to index
      %get3A_199 = arith.constant 80 : index
      %get3A_200 = tpu.vector_load %arg12[%get3A_198, %get3A_199] {strides = array<i32>} : memref<80x128xi32, #tpu.memory_space<vmem>>, vector<16xi32>,
      %gather3A_201 = tpu.vector_load_idx %arg10[%get3A_200] : memref<10240xf32, #tpu.memory_space<vmem>>[vector<16xi32>], vector<16xf32>,
      %gather3A_202 = tpu.vector_load_idx %arg11[%get3A_197] : memref<10240xf32, #tpu.memory_space<vmem>>[vector<16xi32>], vector<16xf32>,
      %add3A_203 = arith.addf %gather3A_201, %gather3A_202 : vector<16xf32>
      %get3A_204 = arith.index_cast %mul3A_34 : i32 to index
      %get3A_205 = arith.constant 80 : index
      %get3A_206 = tpu.vector_load %arg14[%get3A_204, %get3A_205] {strides = array<i32>} : memref<80x128xf32, #tpu.memory_space<vmem>>, vector<16xf32>,
      %add3A_207 = arith.addf %add3A_203, %get3A_206 : vector<16xf32>
      %mul3A_208 = arith.constant 0.00999999977 : f32
      %mul3A_209 = vector.broadcast %mul3A_208 : f32 to vector<16xf32>
      %mul3A_210 = arith.mulf %mul3A_209, %add3A_207 : vector<16xf32>
      %max3A_211 = arith.maximumf %add3A_207, %mul3A_210 : vector<16xf32>
      %exp3A_212 = math.exp %max3A_211 : vector<16xf32>
      %add3A_213 = arith.constant 80 : i32
      %add3A_214 = arith.addi %mul3A_37, %add3A_213 : i32
      %iota3A_215 = tpu.iota {dimensions = array<i32: 0>} : vector<16xi32>
      %add3A_216 = vector.broadcast %add3A_214 : i32 to vector<16xi32>
      %add3A_217 = arith.addi %add3A_216, %iota3A_215 : vector<16xi32>
      %lt3A_218 = arith.constant 320000 : i32
      %lt3A_219 = vector.broadcast %lt3A_218 : i32 to vector<16xi32>
      %lt3A_220 = arith.cmpi slt, %add3A_217, %lt3A_219 : vector<16xi32>
      %jit3A_221 = arith.constant 0.000000e+00 : f32
      %broadcast_in_dim3A_222 = vector.broadcast %jit3A_221 : f32 to vector<16xf32>
      %select_n3A_223 = arith.select %lt3A_220, %exp3A_212, %broadcast_in_dim3A_222 : vector<16xi1>, vector<16xf32>
      %swap3A_224 = arith.constant 80 : index
      %swap3A_225 = tpu.vector_load %arg15[%swap3A_224] {strides = array<i32>} : memref<128xf32, #tpu.memory_space<vmem>>, vector<16xf32>,
      tpu.vector_store %arg15[%swap3A_224], %select_n3A_223 {strides = array<i32>} : memref<128xf32, #tpu.memory_space<vmem>>, vector<16xf32>,
      %swap3A_226 = arith.constant 80 : index
      %swap3A_227 = tpu.vector_load %arg17[%swap3A_226] {strides = array<i32>} : memref<128xi32, #tpu.memory_space<vmem>>, vector<16xi32>,
      tpu.vector_store %arg17[%swap3A_226], %get3A_197 {strides = array<i32>} : memref<128xi32, #tpu.memory_space<vmem>>, vector<16xi32>,
      %get3A_228 = arith.index_cast %mul3A_34 : i32 to index
      %get3A_229 = arith.constant 96 : index
      %get3A_230 = tpu.vector_load %arg13[%get3A_228, %get3A_229] {strides = array<i32>} : memref<80x128xi32, #tpu.memory_space<vmem>>, vector<16xi32>,
      %get3A_231 = arith.index_cast %mul3A_34 : i32 to index
      %get3A_232 = arith.constant 96 : index
      %get3A_233 = tpu.vector_load %arg12[%get3A_231, %get3A_232] {strides = array<i32>} : memref<80x128xi32, #tpu.memory_space<vmem>>, vector<16xi32>,
      %gather3A_234 = tpu.vector_load_idx %arg10[%get3A_233] : memref<10240xf32, #tpu.memory_space<vmem>>[vector<16xi32>], vector<16xf32>,
      %gather3A_235 = tpu.vector_load_idx %arg11[%get3A_230] : memref<10240xf32, #tpu.memory_space<vmem>>[vector<16xi32>], vector<16xf32>,
      %add3A_236 = arith.addf %gather3A_234, %gather3A_235 : vector<16xf32>
      %get3A_237 = arith.index_cast %mul3A_34 : i32 to index
      %get3A_238 = arith.constant 96 : index
      %get3A_239 = tpu.vector_load %arg14[%get3A_237, %get3A_238] {strides = array<i32>} : memref<80x128xf32, #tpu.memory_space<vmem>>, vector<16xf32>,
      %add3A_240 = arith.addf %add3A_236, %get3A_239 : vector<16xf32>
      %mul3A_241 = arith.constant 0.00999999977 : f32
      %mul3A_242 = vector.broadcast %mul3A_241 : f32 to vector<16xf32>
      %mul3A_243 = arith.mulf %mul3A_242, %add3A_240 : vector<16xf32>
      %max3A_244 = arith.maximumf %add3A_240, %mul3A_243 : vector<16xf32>
      %exp3A_245 = math.exp %max3A_244 : vector<16xf32>
      %add3A_246 = arith.constant 96 : i32
      %add3A_247 = arith.addi %mul3A_37, %add3A_246 : i32
      %iota3A_248 = tpu.iota {dimensions = array<i32: 0>} : vector<16xi32>
      %add3A_249 = vector.broadcast %add3A_247 : i32 to vector<16xi32>
      %add3A_250 = arith.addi %add3A_249, %iota3A_248 : vector<16xi32>
      %lt3A_251 = arith.constant 320000 : i32
      %lt3A_252 = vector.broadcast %lt3A_251 : i32 to vector<16xi32>
      %lt3A_253 = arith.cmpi slt, %add3A_250, %lt3A_252 : vector<16xi32>
      %jit3A_254 = arith.constant 0.000000e+00 : f32
      %broadcast_in_dim3A_255 = vector.broadcast %jit3A_254 : f32 to vector<16xf32>
      %select_n3A_256 = arith.select %lt3A_253, %exp3A_245, %broadcast_in_dim3A_255 : vector<16xi1>, vector<16xf32>
      %swap3A_257 = arith.constant 96 : index
      %swap3A_258 = tpu.vector_load %arg15[%swap3A_257] {strides = array<i32>} : memref<128xf32, #tpu.memory_space<vmem>>, vector<16xf32>,
      tpu.vector_store %arg15[%swap3A_257], %select_n3A_256 {strides = array<i32>} : memref<128xf32, #tpu.memory_space<vmem>>, vector<16xf32>,
      %swap3A_259 = arith.constant 96 : index
      %swap3A_260 = tpu.vector_load %arg17[%swap3A_259] {strides = array<i32>} : memref<128xi32, #tpu.memory_space<vmem>>, vector<16xi32>,
      tpu.vector_store %arg17[%swap3A_259], %get3A_230 {strides = array<i32>} : memref<128xi32, #tpu.memory_space<vmem>>, vector<16xi32>,
      %get3A_261 = arith.index_cast %mul3A_34 : i32 to index
      %get3A_262 = arith.constant 112 : index
      %get3A_263 = tpu.vector_load %arg13[%get3A_261, %get3A_262] {strides = array<i32>} : memref<80x128xi32, #tpu.memory_space<vmem>>, vector<16xi32>,
      %get3A_264 = arith.index_cast %mul3A_34 : i32 to index
      %get3A_265 = arith.constant 112 : index
      %get3A_266 = tpu.vector_load %arg12[%get3A_264, %get3A_265] {strides = array<i32>} : memref<80x128xi32, #tpu.memory_space<vmem>>, vector<16xi32>,
      %gather3A_267 = tpu.vector_load_idx %arg10[%get3A_266] : memref<10240xf32, #tpu.memory_space<vmem>>[vector<16xi32>], vector<16xf32>,
      %gather3A_268 = tpu.vector_load_idx %arg11[%get3A_263] : memref<10240xf32, #tpu.memory_space<vmem>>[vector<16xi32>], vector<16xf32>,
      %add3A_269 = arith.addf %gather3A_267, %gather3A_268 : vector<16xf32>
      %get3A_270 = arith.index_cast %mul3A_34 : i32 to index
      %get3A_271 = arith.constant 112 : index
      %get3A_272 = tpu.vector_load %arg14[%get3A_270, %get3A_271] {strides = array<i32>} : memref<80x128xf32, #tpu.memory_space<vmem>>, vector<16xf32>,
      %add3A_273 = arith.addf %add3A_269, %get3A_272 : vector<16xf32>
      %mul3A_274 = arith.constant 0.00999999977 : f32
      %mul3A_275 = vector.broadcast %mul3A_274 : f32 to vector<16xf32>
      %mul3A_276 = arith.mulf %mul3A_275, %add3A_273 : vector<16xf32>
      %max3A_277 = arith.maximumf %add3A_273, %mul3A_276 : vector<16xf32>
      %exp3A_278 = math.exp %max3A_277 : vector<16xf32>
      %add3A_279 = arith.constant 112 : i32
      %add3A_280 = arith.addi %mul3A_37, %add3A_279 : i32
      %iota3A_281 = tpu.iota {dimensions = array<i32: 0>} : vector<16xi32>
      %add3A_282 = vector.broadcast %add3A_280 : i32 to vector<16xi32>
      %add3A_283 = arith.addi %add3A_282, %iota3A_281 : vector<16xi32>
      %lt3A_284 = arith.constant 320000 : i32
      %lt3A_285 = vector.broadcast %lt3A_284 : i32 to vector<16xi32>
      %lt3A_286 = arith.cmpi slt, %add3A_283, %lt3A_285 : vector<16xi32>
      %jit3A_287 = arith.constant 0.000000e+00 : f32
      %broadcast_in_dim3A_288 = vector.broadcast %jit3A_287 : f32 to vector<16xf32>
      %select_n3A_289 = arith.select %lt3A_286, %exp3A_278, %broadcast_in_dim3A_288 : vector<16xi1>, vector<16xf32>
      %swap3A_290 = arith.constant 112 : index
      %swap3A_291 = tpu.vector_load %arg15[%swap3A_290] {strides = array<i32>} : memref<128xf32, #tpu.memory_space<vmem>>, vector<16xf32>,
      tpu.vector_store %arg15[%swap3A_290], %select_n3A_289 {strides = array<i32>} : memref<128xf32, #tpu.memory_space<vmem>>, vector<16xf32>,
      %swap3A_292 = arith.constant 112 : index
      %swap3A_293 = tpu.vector_load %arg17[%swap3A_292] {strides = array<i32>} : memref<128xi32, #tpu.memory_space<vmem>>, vector<16xi32>,
      tpu.vector_store %arg17[%swap3A_292], %get3A_263 {strides = array<i32>} : memref<128xi32, #tpu.memory_space<vmem>>, vector<16xi32>,
      %dma_start3A = arith.constant 0 : i32
      %dma_start3A_294 = tpu.memref_slice %arg19[%dma_start3A] : memref<10240xf32, #tpu.memory_space<vmem_shared>> -> memref<10240xf32, #tpu.memory_space<vmem_shared>>
      tpu.enqueue_indirect_dma source(%arg15 : memref<128xf32, #tpu.memory_space<vmem>>) target(%dma_start3A_294 : memref<10240xf32, #tpu.memory_space<vmem_shared>>) offsets(%arg17 : memref<128xi32, #tpu.memory_space<vmem>>) semaphore(%arg20 : memref<!tpu.dma_semaphore, #tpu.memory_space<semaphore_mem>>) {add = true}
      %dma_start3A_295 = tpu.memref_slice %arg8[%mul3A_37] : memref<327680xf32, #tpu.memory_space<hbm>> -> memref<128xf32, #tpu.memory_space<hbm>>
      %dma_start3A_296 = tpu.memref_slice %arg8[%mul3A_37] : memref<327680xf32, #tpu.memory_space<hbm>> -> memref<128xf32, #tpu.memory_space<hbm>>
      tpu.enqueue_dma source(%arg15 : memref<128xf32, #tpu.memory_space<vmem>>) target(%dma_start3A_296 : memref<128xf32, #tpu.memory_space<hbm>>) target_semaphore(%arg22 : memref<!tpu.dma_semaphore, #tpu.memory_space<semaphore_mem>>)
      %mul3A_297 = arith.constant 2 : i32
      %mul3A_298 = arith.muli %scan3A_32, %mul3A_297 : i32
      %add3A_299 = arith.constant 1 : i32
      %add3A_300 = arith.addi %mul3A_298, %add3A_299 : i32
      %add3A_301 = arith.addi %mul3A_2, %add3A_300 : i32
      %mul3A_302 = arith.constant 128 : i32
      %mul3A_303 = arith.muli %add3A_301, %mul3A_302 : i32
      %ge3A_304 = arith.constant 2 : i32
      %ge3A_305 = arith.cmpi sge, %add3A_300, %ge3A_304 : i32
      %convert_element_type3A_306 = arith.extui %ge3A_305 : i1 to i32
      %cond3A_307 = arith.constant 0 : i32
      %cond3A_308 = arith.cmpi ne, %convert_element_type3A_306, %cond3A_307 : i32
      scf.if %cond3A_308 {
        %dma_wait3A_577 = arith.constant 0 : i32
        %dma_wait3A_578 = tpu.memref_slice %arg19[%dma_wait3A_577] : memref<10240xf32, #tpu.memory_space<vmem_shared>> -> memref<10240xf32, #tpu.memory_space<vmem_shared>>
        tpu.wait_indirect_dma semaphore(%arg21 : memref<!tpu.dma_semaphore, #tpu.memory_space<semaphore_mem>>) src(%arg16 : memref<128xf32, #tpu.memory_space<vmem>>) dst(%dma_wait3A_578 : memref<10240xf32, #tpu.memory_space<vmem_shared>>)
        %dma_wait3A_579 = tpu.memref_slice %arg8[%mul3A_303] : memref<327680xf32, #tpu.memory_space<hbm>> -> memref<128xf32, #tpu.memory_space<hbm>>
        %dma_wait3A_580 = tpu.memref_slice %arg8[%mul3A_303] : memref<327680xf32, #tpu.memory_space<hbm>> -> memref<128xf32, #tpu.memory_space<hbm>>
        tpu.wait_dma2 semaphore(%arg23 : memref<!tpu.dma_semaphore, #tpu.memory_space<semaphore_mem>>) src(%arg16 : memref<128xf32, #tpu.memory_space<vmem>>) dst(%dma_wait3A_580 : memref<128xf32, #tpu.memory_space<hbm>>)
      } else {
      }
      %get3A_309 = arith.index_cast %add3A_300 : i32 to index
      %get3A_310 = arith.constant 0 : index
      %get3A_311 = tpu.vector_load %arg13[%get3A_309, %get3A_310] {strides = array<i32>} : memref<80x128xi32, #tpu.memory_space<vmem>>, vector<16xi32>,
      %get3A_312 = arith.index_cast %add3A_300 : i32 to index
      %get3A_313 = arith.constant 0 : index
      %get3A_314 = tpu.vector_load %arg12[%get3A_312, %get3A_313] {strides = array<i32>} : memref<80x128xi32, #tpu.memory_space<vmem>>, vector<16xi32>,
      %gather3A_315 = tpu.vector_load_idx %arg10[%get3A_314] : memref<10240xf32, #tpu.memory_space<vmem>>[vector<16xi32>], vector<16xf32>,
      %gather3A_316 = tpu.vector_load_idx %arg11[%get3A_311] : memref<10240xf32, #tpu.memory_space<vmem>>[vector<16xi32>], vector<16xf32>,
      %add3A_317 = arith.addf %gather3A_315, %gather3A_316 : vector<16xf32>
      %get3A_318 = arith.index_cast %add3A_300 : i32 to index
      %get3A_319 = arith.constant 0 : index
      %get3A_320 = tpu.vector_load %arg14[%get3A_318, %get3A_319] {strides = array<i32>} : memref<80x128xf32, #tpu.memory_space<vmem>>, vector<16xf32>,
      %add3A_321 = arith.addf %add3A_317, %get3A_320 : vector<16xf32>
      %mul3A_322 = arith.constant 0.00999999977 : f32
      %mul3A_323 = vector.broadcast %mul3A_322 : f32 to vector<16xf32>
      %mul3A_324 = arith.mulf %mul3A_323, %add3A_321 : vector<16xf32>
      %max3A_325 = arith.maximumf %add3A_321, %mul3A_324 : vector<16xf32>
      %exp3A_326 = math.exp %max3A_325 : vector<16xf32>
      %add3A_327 = arith.constant 0 : i32
      %add3A_328 = arith.addi %mul3A_303, %add3A_327 : i32
      %iota3A_329 = tpu.iota {dimensions = array<i32: 0>} : vector<16xi32>
      %add3A_330 = vector.broadcast %add3A_328 : i32 to vector<16xi32>
      %add3A_331 = arith.addi %add3A_330, %iota3A_329 : vector<16xi32>
      %lt3A_332 = arith.constant 320000 : i32
      %lt3A_333 = vector.broadcast %lt3A_332 : i32 to vector<16xi32>
      %lt3A_334 = arith.cmpi slt, %add3A_331, %lt3A_333 : vector<16xi32>
      %jit3A_335 = arith.constant 0.000000e+00 : f32
      %broadcast_in_dim3A_336 = vector.broadcast %jit3A_335 : f32 to vector<16xf32>
      %select_n3A_337 = arith.select %lt3A_334, %exp3A_326, %broadcast_in_dim3A_336 : vector<16xi1>, vector<16xf32>
      %swap3A_338 = arith.constant 0 : index
      %swap3A_339 = tpu.vector_load %arg16[%swap3A_338] {strides = array<i32>} : memref<128xf32, #tpu.memory_space<vmem>>, vector<16xf32>,
      tpu.vector_store %arg16[%swap3A_338], %select_n3A_337 {strides = array<i32>} : memref<128xf32, #tpu.memory_space<vmem>>, vector<16xf32>,
      %swap3A_340 = arith.constant 0 : index
      %swap3A_341 = tpu.vector_load %arg18[%swap3A_340] {strides = array<i32>} : memref<128xi32, #tpu.memory_space<vmem>>, vector<16xi32>,
      tpu.vector_store %arg18[%swap3A_340], %get3A_311 {strides = array<i32>} : memref<128xi32, #tpu.memory_space<vmem>>, vector<16xi32>,
      %get3A_342 = arith.index_cast %add3A_300 : i32 to index
      %get3A_343 = arith.constant 16 : index
      %get3A_344 = tpu.vector_load %arg13[%get3A_342, %get3A_343] {strides = array<i32>} : memref<80x128xi32, #tpu.memory_space<vmem>>, vector<16xi32>,
      %get3A_345 = arith.index_cast %add3A_300 : i32 to index
      %get3A_346 = arith.constant 16 : index
      %get3A_347 = tpu.vector_load %arg12[%get3A_345, %get3A_346] {strides = array<i32>} : memref<80x128xi32, #tpu.memory_space<vmem>>, vector<16xi32>,
      %gather3A_348 = tpu.vector_load_idx %arg10[%get3A_347] : memref<10240xf32, #tpu.memory_space<vmem>>[vector<16xi32>], vector<16xf32>,
      %gather3A_349 = tpu.vector_load_idx %arg11[%get3A_344] : memref<10240xf32, #tpu.memory_space<vmem>>[vector<16xi32>], vector<16xf32>,
      %add3A_350 = arith.addf %gather3A_348, %gather3A_349 : vector<16xf32>
      %get3A_351 = arith.index_cast %add3A_300 : i32 to index
      %get3A_352 = arith.constant 16 : index
      %get3A_353 = tpu.vector_load %arg14[%get3A_351, %get3A_352] {strides = array<i32>} : memref<80x128xf32, #tpu.memory_space<vmem>>, vector<16xf32>,
      %add3A_354 = arith.addf %add3A_350, %get3A_353 : vector<16xf32>
      %mul3A_355 = arith.constant 0.00999999977 : f32
      %mul3A_356 = vector.broadcast %mul3A_355 : f32 to vector<16xf32>
      %mul3A_357 = arith.mulf %mul3A_356, %add3A_354 : vector<16xf32>
      %max3A_358 = arith.maximumf %add3A_354, %mul3A_357 : vector<16xf32>
      %exp3A_359 = math.exp %max3A_358 : vector<16xf32>
      %add3A_360 = arith.constant 16 : i32
      %add3A_361 = arith.addi %mul3A_303, %add3A_360 : i32
      %iota3A_362 = tpu.iota {dimensions = array<i32: 0>} : vector<16xi32>
      %add3A_363 = vector.broadcast %add3A_361 : i32 to vector<16xi32>
      %add3A_364 = arith.addi %add3A_363, %iota3A_362 : vector<16xi32>
      %lt3A_365 = arith.constant 320000 : i32
      %lt3A_366 = vector.broadcast %lt3A_365 : i32 to vector<16xi32>
      %lt3A_367 = arith.cmpi slt, %add3A_364, %lt3A_366 : vector<16xi32>
      %jit3A_368 = arith.constant 0.000000e+00 : f32
      %broadcast_in_dim3A_369 = vector.broadcast %jit3A_368 : f32 to vector<16xf32>
      %select_n3A_370 = arith.select %lt3A_367, %exp3A_359, %broadcast_in_dim3A_369 : vector<16xi1>, vector<16xf32>
      %swap3A_371 = arith.constant 16 : index
      %swap3A_372 = tpu.vector_load %arg16[%swap3A_371] {strides = array<i32>} : memref<128xf32, #tpu.memory_space<vmem>>, vector<16xf32>,
      tpu.vector_store %arg16[%swap3A_371], %select_n3A_370 {strides = array<i32>} : memref<128xf32, #tpu.memory_space<vmem>>, vector<16xf32>,
      %swap3A_373 = arith.constant 16 : index
      %swap3A_374 = tpu.vector_load %arg18[%swap3A_373] {strides = array<i32>} : memref<128xi32, #tpu.memory_space<vmem>>, vector<16xi32>,
      tpu.vector_store %arg18[%swap3A_373], %get3A_344 {strides = array<i32>} : memref<128xi32, #tpu.memory_space<vmem>>, vector<16xi32>,
      %get3A_375 = arith.index_cast %add3A_300 : i32 to index
      %get3A_376 = arith.constant 32 : index
      %get3A_377 = tpu.vector_load %arg13[%get3A_375, %get3A_376] {strides = array<i32>} : memref<80x128xi32, #tpu.memory_space<vmem>>, vector<16xi32>,
      %get3A_378 = arith.index_cast %add3A_300 : i32 to index
      %get3A_379 = arith.constant 32 : index
      %get3A_380 = tpu.vector_load %arg12[%get3A_378, %get3A_379] {strides = array<i32>} : memref<80x128xi32, #tpu.memory_space<vmem>>, vector<16xi32>,
      %gather3A_381 = tpu.vector_load_idx %arg10[%get3A_380] : memref<10240xf32, #tpu.memory_space<vmem>>[vector<16xi32>], vector<16xf32>,
      %gather3A_382 = tpu.vector_load_idx %arg11[%get3A_377] : memref<10240xf32, #tpu.memory_space<vmem>>[vector<16xi32>], vector<16xf32>,
      %add3A_383 = arith.addf %gather3A_381, %gather3A_382 : vector<16xf32>
      %get3A_384 = arith.index_cast %add3A_300 : i32 to index
      %get3A_385 = arith.constant 32 : index
      %get3A_386 = tpu.vector_load %arg14[%get3A_384, %get3A_385] {strides = array<i32>} : memref<80x128xf32, #tpu.memory_space<vmem>>, vector<16xf32>,
      %add3A_387 = arith.addf %add3A_383, %get3A_386 : vector<16xf32>
      %mul3A_388 = arith.constant 0.00999999977 : f32
      %mul3A_389 = vector.broadcast %mul3A_388 : f32 to vector<16xf32>
      %mul3A_390 = arith.mulf %mul3A_389, %add3A_387 : vector<16xf32>
      %max3A_391 = arith.maximumf %add3A_387, %mul3A_390 : vector<16xf32>
      %exp3A_392 = math.exp %max3A_391 : vector<16xf32>
      %add3A_393 = arith.constant 32 : i32
      %add3A_394 = arith.addi %mul3A_303, %add3A_393 : i32
      %iota3A_395 = tpu.iota {dimensions = array<i32: 0>} : vector<16xi32>
      %add3A_396 = vector.broadcast %add3A_394 : i32 to vector<16xi32>
      %add3A_397 = arith.addi %add3A_396, %iota3A_395 : vector<16xi32>
      %lt3A_398 = arith.constant 320000 : i32
      %lt3A_399 = vector.broadcast %lt3A_398 : i32 to vector<16xi32>
      %lt3A_400 = arith.cmpi slt, %add3A_397, %lt3A_399 : vector<16xi32>
      %jit3A_401 = arith.constant 0.000000e+00 : f32
      %broadcast_in_dim3A_402 = vector.broadcast %jit3A_401 : f32 to vector<16xf32>
      %select_n3A_403 = arith.select %lt3A_400, %exp3A_392, %broadcast_in_dim3A_402 : vector<16xi1>, vector<16xf32>
      %swap3A_404 = arith.constant 32 : index
      %swap3A_405 = tpu.vector_load %arg16[%swap3A_404] {strides = array<i32>} : memref<128xf32, #tpu.memory_space<vmem>>, vector<16xf32>,
      tpu.vector_store %arg16[%swap3A_404], %select_n3A_403 {strides = array<i32>} : memref<128xf32, #tpu.memory_space<vmem>>, vector<16xf32>,
      %swap3A_406 = arith.constant 32 : index
      %swap3A_407 = tpu.vector_load %arg18[%swap3A_406] {strides = array<i32>} : memref<128xi32, #tpu.memory_space<vmem>>, vector<16xi32>,
      tpu.vector_store %arg18[%swap3A_406], %get3A_377 {strides = array<i32>} : memref<128xi32, #tpu.memory_space<vmem>>, vector<16xi32>,
      %get3A_408 = arith.index_cast %add3A_300 : i32 to index
      %get3A_409 = arith.constant 48 : index
      %get3A_410 = tpu.vector_load %arg13[%get3A_408, %get3A_409] {strides = array<i32>} : memref<80x128xi32, #tpu.memory_space<vmem>>, vector<16xi32>,
      %get3A_411 = arith.index_cast %add3A_300 : i32 to index
      %get3A_412 = arith.constant 48 : index
      %get3A_413 = tpu.vector_load %arg12[%get3A_411, %get3A_412] {strides = array<i32>} : memref<80x128xi32, #tpu.memory_space<vmem>>, vector<16xi32>,
      %gather3A_414 = tpu.vector_load_idx %arg10[%get3A_413] : memref<10240xf32, #tpu.memory_space<vmem>>[vector<16xi32>], vector<16xf32>,
      %gather3A_415 = tpu.vector_load_idx %arg11[%get3A_410] : memref<10240xf32, #tpu.memory_space<vmem>>[vector<16xi32>], vector<16xf32>,
      %add3A_416 = arith.addf %gather3A_414, %gather3A_415 : vector<16xf32>
      %get3A_417 = arith.index_cast %add3A_300 : i32 to index
      %get3A_418 = arith.constant 48 : index
      %get3A_419 = tpu.vector_load %arg14[%get3A_417, %get3A_418] {strides = array<i32>} : memref<80x128xf32, #tpu.memory_space<vmem>>, vector<16xf32>,
      %add3A_420 = arith.addf %add3A_416, %get3A_419 : vector<16xf32>
      %mul3A_421 = arith.constant 0.00999999977 : f32
      %mul3A_422 = vector.broadcast %mul3A_421 : f32 to vector<16xf32>
      %mul3A_423 = arith.mulf %mul3A_422, %add3A_420 : vector<16xf32>
      %max3A_424 = arith.maximumf %add3A_420, %mul3A_423 : vector<16xf32>
      %exp3A_425 = math.exp %max3A_424 : vector<16xf32>
      %add3A_426 = arith.constant 48 : i32
      %add3A_427 = arith.addi %mul3A_303, %add3A_426 : i32
      %iota3A_428 = tpu.iota {dimensions = array<i32: 0>} : vector<16xi32>
      %add3A_429 = vector.broadcast %add3A_427 : i32 to vector<16xi32>
      %add3A_430 = arith.addi %add3A_429, %iota3A_428 : vector<16xi32>
      %lt3A_431 = arith.constant 320000 : i32
      %lt3A_432 = vector.broadcast %lt3A_431 : i32 to vector<16xi32>
      %lt3A_433 = arith.cmpi slt, %add3A_430, %lt3A_432 : vector<16xi32>
      %jit3A_434 = arith.constant 0.000000e+00 : f32
      %broadcast_in_dim3A_435 = vector.broadcast %jit3A_434 : f32 to vector<16xf32>
      %select_n3A_436 = arith.select %lt3A_433, %exp3A_425, %broadcast_in_dim3A_435 : vector<16xi1>, vector<16xf32>
      %swap3A_437 = arith.constant 48 : index
      %swap3A_438 = tpu.vector_load %arg16[%swap3A_437] {strides = array<i32>} : memref<128xf32, #tpu.memory_space<vmem>>, vector<16xf32>,
      tpu.vector_store %arg16[%swap3A_437], %select_n3A_436 {strides = array<i32>} : memref<128xf32, #tpu.memory_space<vmem>>, vector<16xf32>,
      %swap3A_439 = arith.constant 48 : index
      %swap3A_440 = tpu.vector_load %arg18[%swap3A_439] {strides = array<i32>} : memref<128xi32, #tpu.memory_space<vmem>>, vector<16xi32>,
      tpu.vector_store %arg18[%swap3A_439], %get3A_410 {strides = array<i32>} : memref<128xi32, #tpu.memory_space<vmem>>, vector<16xi32>,
      %get3A_441 = arith.index_cast %add3A_300 : i32 to index
      %get3A_442 = arith.constant 64 : index
      %get3A_443 = tpu.vector_load %arg13[%get3A_441, %get3A_442] {strides = array<i32>} : memref<80x128xi32, #tpu.memory_space<vmem>>, vector<16xi32>,
      %get3A_444 = arith.index_cast %add3A_300 : i32 to index
      %get3A_445 = arith.constant 64 : index
      %get3A_446 = tpu.vector_load %arg12[%get3A_444, %get3A_445] {strides = array<i32>} : memref<80x128xi32, #tpu.memory_space<vmem>>, vector<16xi32>,
      %gather3A_447 = tpu.vector_load_idx %arg10[%get3A_446] : memref<10240xf32, #tpu.memory_space<vmem>>[vector<16xi32>], vector<16xf32>,
      %gather3A_448 = tpu.vector_load_idx %arg11[%get3A_443] : memref<10240xf32, #tpu.memory_space<vmem>>[vector<16xi32>], vector<16xf32>,
      %add3A_449 = arith.addf %gather3A_447, %gather3A_448 : vector<16xf32>
      %get3A_450 = arith.index_cast %add3A_300 : i32 to index
      %get3A_451 = arith.constant 64 : index
      %get3A_452 = tpu.vector_load %arg14[%get3A_450, %get3A_451] {strides = array<i32>} : memref<80x128xf32, #tpu.memory_space<vmem>>, vector<16xf32>,
      %add3A_453 = arith.addf %add3A_449, %get3A_452 : vector<16xf32>
      %mul3A_454 = arith.constant 0.00999999977 : f32
      %mul3A_455 = vector.broadcast %mul3A_454 : f32 to vector<16xf32>
      %mul3A_456 = arith.mulf %mul3A_455, %add3A_453 : vector<16xf32>
      %max3A_457 = arith.maximumf %add3A_453, %mul3A_456 : vector<16xf32>
      %exp3A_458 = math.exp %max3A_457 : vector<16xf32>
      %add3A_459 = arith.constant 64 : i32
      %add3A_460 = arith.addi %mul3A_303, %add3A_459 : i32
      %iota3A_461 = tpu.iota {dimensions = array<i32: 0>} : vector<16xi32>
      %add3A_462 = vector.broadcast %add3A_460 : i32 to vector<16xi32>
      %add3A_463 = arith.addi %add3A_462, %iota3A_461 : vector<16xi32>
      %lt3A_464 = arith.constant 320000 : i32
      %lt3A_465 = vector.broadcast %lt3A_464 : i32 to vector<16xi32>
      %lt3A_466 = arith.cmpi slt, %add3A_463, %lt3A_465 : vector<16xi32>
      %jit3A_467 = arith.constant 0.000000e+00 : f32
      %broadcast_in_dim3A_468 = vector.broadcast %jit3A_467 : f32 to vector<16xf32>
      %select_n3A_469 = arith.select %lt3A_466, %exp3A_458, %broadcast_in_dim3A_468 : vector<16xi1>, vector<16xf32>
      %swap3A_470 = arith.constant 64 : index
      %swap3A_471 = tpu.vector_load %arg16[%swap3A_470] {strides = array<i32>} : memref<128xf32, #tpu.memory_space<vmem>>, vector<16xf32>,
      tpu.vector_store %arg16[%swap3A_470], %select_n3A_469 {strides = array<i32>} : memref<128xf32, #tpu.memory_space<vmem>>, vector<16xf32>,
      %swap3A_472 = arith.constant 64 : index
      %swap3A_473 = tpu.vector_load %arg18[%swap3A_472] {strides = array<i32>} : memref<128xi32, #tpu.memory_space<vmem>>, vector<16xi32>,
      tpu.vector_store %arg18[%swap3A_472], %get3A_443 {strides = array<i32>} : memref<128xi32, #tpu.memory_space<vmem>>, vector<16xi32>,
      %get3A_474 = arith.index_cast %add3A_300 : i32 to index
      %get3A_475 = arith.constant 80 : index
      %get3A_476 = tpu.vector_load %arg13[%get3A_474, %get3A_475] {strides = array<i32>} : memref<80x128xi32, #tpu.memory_space<vmem>>, vector<16xi32>,
      %get3A_477 = arith.index_cast %add3A_300 : i32 to index
      %get3A_478 = arith.constant 80 : index
      %get3A_479 = tpu.vector_load %arg12[%get3A_477, %get3A_478] {strides = array<i32>} : memref<80x128xi32, #tpu.memory_space<vmem>>, vector<16xi32>,
      %gather3A_480 = tpu.vector_load_idx %arg10[%get3A_479] : memref<10240xf32, #tpu.memory_space<vmem>>[vector<16xi32>], vector<16xf32>,
      %gather3A_481 = tpu.vector_load_idx %arg11[%get3A_476] : memref<10240xf32, #tpu.memory_space<vmem>>[vector<16xi32>], vector<16xf32>,
      %add3A_482 = arith.addf %gather3A_480, %gather3A_481 : vector<16xf32>
      %get3A_483 = arith.index_cast %add3A_300 : i32 to index
      %get3A_484 = arith.constant 80 : index
      %get3A_485 = tpu.vector_load %arg14[%get3A_483, %get3A_484] {strides = array<i32>} : memref<80x128xf32, #tpu.memory_space<vmem>>, vector<16xf32>,
      %add3A_486 = arith.addf %add3A_482, %get3A_485 : vector<16xf32>
      %mul3A_487 = arith.constant 0.00999999977 : f32
      %mul3A_488 = vector.broadcast %mul3A_487 : f32 to vector<16xf32>
      %mul3A_489 = arith.mulf %mul3A_488, %add3A_486 : vector<16xf32>
      %max3A_490 = arith.maximumf %add3A_486, %mul3A_489 : vector<16xf32>
      %exp3A_491 = math.exp %max3A_490 : vector<16xf32>
      %add3A_492 = arith.constant 80 : i32
      %add3A_493 = arith.addi %mul3A_303, %add3A_492 : i32
      %iota3A_494 = tpu.iota {dimensions = array<i32: 0>} : vector<16xi32>
      %add3A_495 = vector.broadcast %add3A_493 : i32 to vector<16xi32>
      %add3A_496 = arith.addi %add3A_495, %iota3A_494 : vector<16xi32>
      %lt3A_497 = arith.constant 320000 : i32
      %lt3A_498 = vector.broadcast %lt3A_497 : i32 to vector<16xi32>
      %lt3A_499 = arith.cmpi slt, %add3A_496, %lt3A_498 : vector<16xi32>
      %jit3A_500 = arith.constant 0.000000e+00 : f32
      %broadcast_in_dim3A_501 = vector.broadcast %jit3A_500 : f32 to vector<16xf32>
      %select_n3A_502 = arith.select %lt3A_499, %exp3A_491, %broadcast_in_dim3A_501 : vector<16xi1>, vector<16xf32>
      %swap3A_503 = arith.constant 80 : index
      %swap3A_504 = tpu.vector_load %arg16[%swap3A_503] {strides = array<i32>} : memref<128xf32, #tpu.memory_space<vmem>>, vector<16xf32>,
      tpu.vector_store %arg16[%swap3A_503], %select_n3A_502 {strides = array<i32>} : memref<128xf32, #tpu.memory_space<vmem>>, vector<16xf32>,
      %swap3A_505 = arith.constant 80 : index
      %swap3A_506 = tpu.vector_load %arg18[%swap3A_505] {strides = array<i32>} : memref<128xi32, #tpu.memory_space<vmem>>, vector<16xi32>,
      tpu.vector_store %arg18[%swap3A_505], %get3A_476 {strides = array<i32>} : memref<128xi32, #tpu.memory_space<vmem>>, vector<16xi32>,
      %get3A_507 = arith.index_cast %add3A_300 : i32 to index
      %get3A_508 = arith.constant 96 : index
      %get3A_509 = tpu.vector_load %arg13[%get3A_507, %get3A_508] {strides = array<i32>} : memref<80x128xi32, #tpu.memory_space<vmem>>, vector<16xi32>,
      %get3A_510 = arith.index_cast %add3A_300 : i32 to index
      %get3A_511 = arith.constant 96 : index
      %get3A_512 = tpu.vector_load %arg12[%get3A_510, %get3A_511] {strides = array<i32>} : memref<80x128xi32, #tpu.memory_space<vmem>>, vector<16xi32>,
      %gather3A_513 = tpu.vector_load_idx %arg10[%get3A_512] : memref<10240xf32, #tpu.memory_space<vmem>>[vector<16xi32>], vector<16xf32>,
      %gather3A_514 = tpu.vector_load_idx %arg11[%get3A_509] : memref<10240xf32, #tpu.memory_space<vmem>>[vector<16xi32>], vector<16xf32>,
      %add3A_515 = arith.addf %gather3A_513, %gather3A_514 : vector<16xf32>
      %get3A_516 = arith.index_cast %add3A_300 : i32 to index
      %get3A_517 = arith.constant 96 : index
      %get3A_518 = tpu.vector_load %arg14[%get3A_516, %get3A_517] {strides = array<i32>} : memref<80x128xf32, #tpu.memory_space<vmem>>, vector<16xf32>,
      %add3A_519 = arith.addf %add3A_515, %get3A_518 : vector<16xf32>
      %mul3A_520 = arith.constant 0.00999999977 : f32
      %mul3A_521 = vector.broadcast %mul3A_520 : f32 to vector<16xf32>
      %mul3A_522 = arith.mulf %mul3A_521, %add3A_519 : vector<16xf32>
      %max3A_523 = arith.maximumf %add3A_519, %mul3A_522 : vector<16xf32>
      %exp3A_524 = math.exp %max3A_523 : vector<16xf32>
      %add3A_525 = arith.constant 96 : i32
      %add3A_526 = arith.addi %mul3A_303, %add3A_525 : i32
      %iota3A_527 = tpu.iota {dimensions = array<i32: 0>} : vector<16xi32>
      %add3A_528 = vector.broadcast %add3A_526 : i32 to vector<16xi32>
      %add3A_529 = arith.addi %add3A_528, %iota3A_527 : vector<16xi32>
      %lt3A_530 = arith.constant 320000 : i32
      %lt3A_531 = vector.broadcast %lt3A_530 : i32 to vector<16xi32>
      %lt3A_532 = arith.cmpi slt, %add3A_529, %lt3A_531 : vector<16xi32>
      %jit3A_533 = arith.constant 0.000000e+00 : f32
      %broadcast_in_dim3A_534 = vector.broadcast %jit3A_533 : f32 to vector<16xf32>
      %select_n3A_535 = arith.select %lt3A_532, %exp3A_524, %broadcast_in_dim3A_534 : vector<16xi1>, vector<16xf32>
      %swap3A_536 = arith.constant 96 : index
      %swap3A_537 = tpu.vector_load %arg16[%swap3A_536] {strides = array<i32>} : memref<128xf32, #tpu.memory_space<vmem>>, vector<16xf32>,
      tpu.vector_store %arg16[%swap3A_536], %select_n3A_535 {strides = array<i32>} : memref<128xf32, #tpu.memory_space<vmem>>, vector<16xf32>,
      %swap3A_538 = arith.constant 96 : index
      %swap3A_539 = tpu.vector_load %arg18[%swap3A_538] {strides = array<i32>} : memref<128xi32, #tpu.memory_space<vmem>>, vector<16xi32>,
      tpu.vector_store %arg18[%swap3A_538], %get3A_509 {strides = array<i32>} : memref<128xi32, #tpu.memory_space<vmem>>, vector<16xi32>,
      %get3A_540 = arith.index_cast %add3A_300 : i32 to index
      %get3A_541 = arith.constant 112 : index
      %get3A_542 = tpu.vector_load %arg13[%get3A_540, %get3A_541] {strides = array<i32>} : memref<80x128xi32, #tpu.memory_space<vmem>>, vector<16xi32>,
      %get3A_543 = arith.index_cast %add3A_300 : i32 to index
      %get3A_544 = arith.constant 112 : index
      %get3A_545 = tpu.vector_load %arg12[%get3A_543, %get3A_544] {strides = array<i32>} : memref<80x128xi32, #tpu.memory_space<vmem>>, vector<16xi32>,
      %gather3A_546 = tpu.vector_load_idx %arg10[%get3A_545] : memref<10240xf32, #tpu.memory_space<vmem>>[vector<16xi32>], vector<16xf32>,
      %gather3A_547 = tpu.vector_load_idx %arg11[%get3A_542] : memref<10240xf32, #tpu.memory_space<vmem>>[vector<16xi32>], vector<16xf32>,
      %add3A_548 = arith.addf %gather3A_546, %gather3A_547 : vector<16xf32>
      %get3A_549 = arith.index_cast %add3A_300 : i32 to index
      %get3A_550 = arith.constant 112 : index
      %get3A_551 = tpu.vector_load %arg14[%get3A_549, %get3A_550] {strides = array<i32>} : memref<80x128xf32, #tpu.memory_space<vmem>>, vector<16xf32>,
      %add3A_552 = arith.addf %add3A_548, %get3A_551 : vector<16xf32>
      %mul3A_553 = arith.constant 0.00999999977 : f32
      %mul3A_554 = vector.broadcast %mul3A_553 : f32 to vector<16xf32>
      %mul3A_555 = arith.mulf %mul3A_554, %add3A_552 : vector<16xf32>
      %max3A_556 = arith.maximumf %add3A_552, %mul3A_555 : vector<16xf32>
      %exp3A_557 = math.exp %max3A_556 : vector<16xf32>
      %add3A_558 = arith.constant 112 : i32
      %add3A_559 = arith.addi %mul3A_303, %add3A_558 : i32
      %iota3A_560 = tpu.iota {dimensions = array<i32: 0>} : vector<16xi32>
      %add3A_561 = vector.broadcast %add3A_559 : i32 to vector<16xi32>
      %add3A_562 = arith.addi %add3A_561, %iota3A_560 : vector<16xi32>
      %lt3A_563 = arith.constant 320000 : i32
      %lt3A_564 = vector.broadcast %lt3A_563 : i32 to vector<16xi32>
      %lt3A_565 = arith.cmpi slt, %add3A_562, %lt3A_564 : vector<16xi32>
      %jit3A_566 = arith.constant 0.000000e+00 : f32
      %broadcast_in_dim3A_567 = vector.broadcast %jit3A_566 : f32 to vector<16xf32>
      %select_n3A_568 = arith.select %lt3A_565, %exp3A_557, %broadcast_in_dim3A_567 : vector<16xi1>, vector<16xf32>
      %swap3A_569 = arith.constant 112 : index
      %swap3A_570 = tpu.vector_load %arg16[%swap3A_569] {strides = array<i32>} : memref<128xf32, #tpu.memory_space<vmem>>, vector<16xf32>,
      tpu.vector_store %arg16[%swap3A_569], %select_n3A_568 {strides = array<i32>} : memref<128xf32, #tpu.memory_space<vmem>>, vector<16xf32>,
      %swap3A_571 = arith.constant 112 : index
      %swap3A_572 = tpu.vector_load %arg18[%swap3A_571] {strides = array<i32>} : memref<128xi32, #tpu.memory_space<vmem>>, vector<16xi32>,
      tpu.vector_store %arg18[%swap3A_571], %get3A_542 {strides = array<i32>} : memref<128xi32, #tpu.memory_space<vmem>>, vector<16xi32>,
      %dma_start3A_573 = arith.constant 0 : i32
      %dma_start3A_574 = tpu.memref_slice %arg19[%dma_start3A_573] : memref<10240xf32, #tpu.memory_space<vmem_shared>> -> memref<10240xf32, #tpu.memory_space<vmem_shared>>
      tpu.enqueue_indirect_dma source(%arg16 : memref<128xf32, #tpu.memory_space<vmem>>) target(%dma_start3A_574 : memref<10240xf32, #tpu.memory_space<vmem_shared>>) offsets(%arg18 : memref<128xi32, #tpu.memory_space<vmem>>) semaphore(%arg21 : memref<!tpu.dma_semaphore, #tpu.memory_space<semaphore_mem>>) {add = true}
      %dma_start3A_575 = tpu.memref_slice %arg8[%mul3A_303] : memref<327680xf32, #tpu.memory_space<hbm>> -> memref<128xf32, #tpu.memory_space<hbm>>
      %dma_start3A_576 = tpu.memref_slice %arg8[%mul3A_303] : memref<327680xf32, #tpu.memory_space<hbm>> -> memref<128xf32, #tpu.memory_space<hbm>>
      tpu.enqueue_dma source(%arg16 : memref<128xf32, #tpu.memory_space<vmem>>) target(%dma_start3A_576 : memref<128xf32, #tpu.memory_space<hbm>>) target_semaphore(%arg23 : memref<!tpu.dma_semaphore, #tpu.memory_space<semaphore_mem>>)
    }
    %scan3A_11 = arith.constant 40 : i32
    %add3A_12 = arith.constant 78 : i32
    %add3A_13 = arith.addi %mul3A_2, %add3A_12 : i32
    %mul3A_14 = arith.constant 128 : i32
    %mul3A_15 = arith.muli %add3A_13, %mul3A_14 : i32
    %dma_wait3A = arith.constant 0 : i32
    %dma_wait3A_16 = tpu.memref_slice %arg19[%dma_wait3A] : memref<10240xf32, #tpu.memory_space<vmem_shared>> -> memref<10240xf32, #tpu.memory_space<vmem_shared>>
    tpu.wait_indirect_dma semaphore(%arg20 : memref<!tpu.dma_semaphore, #tpu.memory_space<semaphore_mem>>) src(%arg15 : memref<128xf32, #tpu.memory_space<vmem>>) dst(%dma_wait3A_16 : memref<10240xf32, #tpu.memory_space<vmem_shared>>)
    %dma_wait3A_17 = tpu.memref_slice %arg8[%mul3A_15] : memref<327680xf32, #tpu.memory_space<hbm>> -> memref<128xf32, #tpu.memory_space<hbm>>
    %dma_wait3A_18 = tpu.memref_slice %arg8[%mul3A_15] : memref<327680xf32, #tpu.memory_space<hbm>> -> memref<128xf32, #tpu.memory_space<hbm>>
    tpu.wait_dma2 semaphore(%arg22 : memref<!tpu.dma_semaphore, #tpu.memory_space<semaphore_mem>>) src(%arg15 : memref<128xf32, #tpu.memory_space<vmem>>) dst(%dma_wait3A_18 : memref<128xf32, #tpu.memory_space<hbm>>)
    %add3A_19 = arith.constant 79 : i32
    %add3A_20 = arith.addi %mul3A_2, %add3A_19 : i32
    %mul3A_21 = arith.constant 128 : i32
    %mul3A_22 = arith.muli %add3A_20, %mul3A_21 : i32
    %dma_wait3A_23 = arith.constant 0 : i32
    %dma_wait3A_24 = tpu.memref_slice %arg19[%dma_wait3A_23] : memref<10240xf32, #tpu.memory_space<vmem_shared>> -> memref<10240xf32, #tpu.memory_space<vmem_shared>>
    tpu.wait_indirect_dma semaphore(%arg21 : memref<!tpu.dma_semaphore, #tpu.memory_space<semaphore_mem>>) src(%arg16 : memref<128xf32, #tpu.memory_space<vmem>>) dst(%dma_wait3A_24 : memref<10240xf32, #tpu.memory_space<vmem_shared>>)
    %dma_wait3A_25 = tpu.memref_slice %arg8[%mul3A_22] : memref<327680xf32, #tpu.memory_space<hbm>> -> memref<128xf32, #tpu.memory_space<hbm>>
    %dma_wait3A_26 = tpu.memref_slice %arg8[%mul3A_22] : memref<327680xf32, #tpu.memory_space<hbm>> -> memref<128xf32, #tpu.memory_space<hbm>>
    tpu.wait_dma2 semaphore(%arg23 : memref<!tpu.dma_semaphore, #tpu.memory_space<semaphore_mem>>) src(%arg16 : memref<128xf32, #tpu.memory_space<vmem>>) dst(%dma_wait3A_26 : memref<128xf32, #tpu.memory_space<hbm>>)
    %barrier3A_27 = arith.constant 0 : index
    tpu.barrier barrier_id(%barrier3A_27)
    %mul3A_28 = arith.constant 640 : i32
    %mul3A_29 = arith.muli %arg1, %mul3A_28 : i32
    %mul3A_30 = arith.constant 640 : i32
    %mul3A_31 = arith.muli %arg1, %mul3A_30 : i32
    "tpu.region"() ({
      %run_scoped3A = tpu.sem_alloc : memref<!tpu.dma_semaphore, #tpu.memory_space<semaphore_mem>>
      %dma_start3A = tpu.memref_slice %arg9[%arg0, %mul3A_31] : memref<2x10240xf32, #tpu.memory_space<hbm>> -> memref<1x640xf32, #tpu.memory_space<hbm>>
      %dma_start3A_32 = tpu.memref_squeeze %dma_start3A : memref<1x640xf32, #tpu.memory_space<hbm>> -> memref<640xf32, #tpu.memory_space<hbm>>
      %dma_start3A_33 = tpu.memref_slice %arg19[%mul3A_29] : memref<10240xf32, #tpu.memory_space<vmem_shared>> -> memref<640xf32, #tpu.memory_space<vmem_shared>>
      tpu.enqueue_dma source(%dma_start3A_33 : memref<640xf32, #tpu.memory_space<vmem_shared>>) target(%dma_start3A_32 : memref<640xf32, #tpu.memory_space<hbm>>) target_semaphore(%run_scoped3A : memref<!tpu.dma_semaphore, #tpu.memory_space<semaphore_mem>>)
      %dma_wait3A_34 = tpu.memref_slice %arg9[%arg0, %mul3A_31] : memref<2x10240xf32, #tpu.memory_space<hbm>> -> memref<1x640xf32, #tpu.memory_space<hbm>>
      %dma_wait3A_35 = tpu.memref_squeeze %dma_wait3A_34 : memref<1x640xf32, #tpu.memory_space<hbm>> -> memref<640xf32, #tpu.memory_space<hbm>>
      %dma_wait3A_36 = tpu.memref_slice %arg19[%mul3A_29] : memref<10240xf32, #tpu.memory_space<vmem_shared>> -> memref<640xf32, #tpu.memory_space<vmem_shared>>
      tpu.wait_dma2 semaphore(%run_scoped3A : memref<!tpu.dma_semaphore, #tpu.memory_space<semaphore_mem>>) src(%dma_wait3A_36 : memref<640xf32, #tpu.memory_space<vmem_shared>>) dst(%dma_wait3A_35 : memref<640xf32, #tpu.memory_space<hbm>>)
      tpu.yield
    }) : () -> ()
    return
  }
}

#map = affine_map<(d0, d1) -> (0, 0)>
#map1 = affine_map<(d0, d1) -> (0, 0, 0)>
module attributes {stable_mosaic.version = 14 : i64} {
  func.func @_sc_aggr_body(%arg0: i32, %arg1: i32, %arg2: memref<10240x128xf32, #tpu.memory_space<hbm>>, %arg3: memref<2560x128xf32, #tpu.memory_space<hbm>>, %arg4: memref<2560x128xi32, #tpu.memory_space<hbm>>, %arg5: memref<2560x128xi32, #tpu.memory_space<hbm>>, %arg6: memref<10240x128xf32, #tpu.memory_space<hbm>>, %arg7: memref<2x10240x128xf32, #tpu.memory_space<hbm>>, %arg8: memref<80x128xi32, #tpu.memory_space<vmem>>, %arg9: memref<128xi32, #tpu.memory_space<vmem>>, %arg10: memref<128xi32, #tpu.memory_space<vmem>>, %arg11: memref<128xf32, #tpu.memory_space<vmem>>, %arg12: memref<128xf32, #tpu.memory_space<vmem>>, %arg13: memref<128x128xf32, #tpu.memory_space<vmem>>, %arg14: memref<128x128xf32, #tpu.memory_space<vmem>>, %arg15: memref<10240x128xf32, #tpu.memory_space<vmem_shared>>, %arg16: memref<!tpu.dma_semaphore, #tpu.memory_space<semaphore_mem>>, %arg17: memref<!tpu.dma_semaphore, #tpu.memory_space<semaphore_mem>>, %arg18: memref<!tpu.dma_semaphore, #tpu.memory_space<semaphore_mem>>, %arg19: memref<!tpu.dma_semaphore, #tpu.memory_space<semaphore_mem>>, %arg20: memref<!tpu.dma_semaphore, #tpu.memory_space<semaphore_mem>>, %arg21: memref<!tpu.dma_semaphore, #tpu.memory_space<semaphore_mem>>) attributes {dimension_semantics = [#tpu.dimension_semantics<core_parallel>, #tpu.dimension_semantics<subcore_parallel>], iteration_bounds = array<i64: 2, 16>, scalar_prefetch = 0 : i64, scratch_operands = 14 : i64, tpu.core_type = #tpu.core_type<sc_vector_subcore>, window_params = [{transform_indices = #map}, {transform_indices = #map}, {transform_indices = #map}, {transform_indices = #map}, {transform_indices = #map}, {transform_indices = #map1}]} {
    %mul3A = arith.constant 16 : i32
    %mul3A_0 = arith.muli %arg0, %mul3A : i32
    %add3A = arith.addi %mul3A_0, %arg1 : i32
    %mul3A_1 = arith.constant 80 : i32
    %mul3A_2 = arith.muli %add3A, %mul3A_1 : i32
    "tpu.region"() ({
      %run_scoped3A = tpu.sem_alloc : memref<!tpu.dma_semaphore, #tpu.memory_space<semaphore_mem>>
      %dma_start3A_40 = arith.constant 0 : i32
      %dma_start3A_41 = tpu.memref_slice %arg4[%mul3A_2, %dma_start3A_40] : memref<2560x128xi32, #tpu.memory_space<hbm>> -> memref<80x128xi32, #tpu.memory_space<hbm>>
      %dma_start3A_42 = arith.constant 0 : i32
      %dma_start3A_43 = tpu.memref_slice %arg4[%mul3A_2, %dma_start3A_42] : memref<2560x128xi32, #tpu.memory_space<hbm>> -> memref<80x128xi32, #tpu.memory_space<hbm>>
      tpu.enqueue_dma source(%dma_start3A_43 : memref<80x128xi32, #tpu.memory_space<hbm>>) target(%arg8 : memref<80x128xi32, #tpu.memory_space<vmem>>) target_semaphore(%run_scoped3A : memref<!tpu.dma_semaphore, #tpu.memory_space<semaphore_mem>>)
      %dma_wait3A_44 = arith.constant 0 : i32
      %dma_wait3A_45 = tpu.memref_slice %arg4[%mul3A_2, %dma_wait3A_44] : memref<2560x128xi32, #tpu.memory_space<hbm>> -> memref<80x128xi32, #tpu.memory_space<hbm>>
      %dma_wait3A_46 = arith.constant 0 : i32
      %dma_wait3A_47 = tpu.memref_slice %arg4[%mul3A_2, %dma_wait3A_46] : memref<2560x128xi32, #tpu.memory_space<hbm>> -> memref<80x128xi32, #tpu.memory_space<hbm>>
      tpu.wait_dma2 semaphore(%run_scoped3A : memref<!tpu.dma_semaphore, #tpu.memory_space<semaphore_mem>>) src(%dma_wait3A_47 : memref<80x128xi32, #tpu.memory_space<hbm>>) dst(%arg8 : memref<80x128xi32, #tpu.memory_space<vmem>>)
      tpu.yield
    }) : () -> ()
    %mul3A_3 = arith.constant 640 : i32
    %mul3A_4 = arith.muli %arg1, %mul3A_3 : i32
    %mul3A_5 = arith.constant 640 : i32
    %mul3A_6 = arith.muli %arg1, %mul3A_5 : i32
    "tpu.region"() ({
      %run_scoped3A = tpu.sem_alloc : memref<!tpu.dma_semaphore, #tpu.memory_space<semaphore_mem>>
      %dma_start3A_40 = arith.constant 0 : i32
      %dma_start3A_41 = tpu.memref_slice %arg15[%mul3A_6, %dma_start3A_40] : memref<10240x128xf32, #tpu.memory_space<vmem_shared>> -> memref<640x128xf32, #tpu.memory_space<vmem_shared>>
      %dma_start3A_42 = arith.constant 0 : i32
      %dma_start3A_43 = tpu.memref_slice %arg6[%mul3A_4, %dma_start3A_42] : memref<10240x128xf32, #tpu.memory_space<hbm>> -> memref<640x128xf32, #tpu.memory_space<hbm>>
      tpu.enqueue_dma source(%dma_start3A_43 : memref<640x128xf32, #tpu.memory_space<hbm>>) target(%dma_start3A_41 : memref<640x128xf32, #tpu.memory_space<vmem_shared>>) target_semaphore(%run_scoped3A : memref<!tpu.dma_semaphore, #tpu.memory_space<semaphore_mem>>)
      %dma_wait3A_44 = arith.constant 0 : i32
      %dma_wait3A_45 = tpu.memref_slice %arg15[%mul3A_6, %dma_wait3A_44] : memref<10240x128xf32, #tpu.memory_space<vmem_shared>> -> memref<640x128xf32, #tpu.memory_space<vmem_shared>>
      %dma_wait3A_46 = arith.constant 0 : i32
      %dma_wait3A_47 = tpu.memref_slice %arg6[%mul3A_4, %dma_wait3A_46] : memref<10240x128xf32, #tpu.memory_space<hbm>> -> memref<640x128xf32, #tpu.memory_space<hbm>>
      tpu.wait_dma2 semaphore(%run_scoped3A : memref<!tpu.dma_semaphore, #tpu.memory_space<semaphore_mem>>) src(%dma_wait3A_47 : memref<640x128xf32, #tpu.memory_space<hbm>>) dst(%dma_wait3A_45 : memref<640x128xf32, #tpu.memory_space<vmem_shared>>)
      tpu.yield
    }) : () -> ()
    %barrier3A = arith.constant 0 : index
    tpu.barrier barrier_id(%barrier3A)
    %dma_start3A = arith.constant 0 : i32
    %dma_start3A_7 = tpu.memref_slice %arg5[%mul3A_2, %dma_start3A] : memref<2560x128xi32, #tpu.memory_space<hbm>> -> memref<1x128xi32, #tpu.memory_space<hbm>>
    %dma_start3A_8 = tpu.memref_squeeze %dma_start3A_7 : memref<1x128xi32, #tpu.memory_space<hbm>> -> memref<128xi32, #tpu.memory_space<hbm>>
    %dma_start3A_9 = arith.constant 0 : i32
    %dma_start3A_10 = tpu.memref_slice %arg5[%mul3A_2, %dma_start3A_9] : memref<2560x128xi32, #tpu.memory_space<hbm>> -> memref<1x128xi32, #tpu.memory_space<hbm>>
    %dma_start3A_11 = tpu.memref_squeeze %dma_start3A_10 : memref<1x128xi32, #tpu.memory_space<hbm>> -> memref<128xi32, #tpu.memory_space<hbm>>
    tpu.enqueue_dma source(%dma_start3A_11 : memref<128xi32, #tpu.memory_space<hbm>>) target(%arg9 : memref<128xi32, #tpu.memory_space<vmem>>) target_semaphore(%arg16 : memref<!tpu.dma_semaphore, #tpu.memory_space<semaphore_mem>>)
    %dma_start3A_12 = arith.constant 0 : i32
    %dma_start3A_13 = tpu.memref_slice %arg3[%mul3A_2, %dma_start3A_12] : memref<2560x128xf32, #tpu.memory_space<hbm>> -> memref<1x128xf32, #tpu.memory_space<hbm>>
    %dma_start3A_14 = tpu.memref_squeeze %dma_start3A_13 : memref<1x128xf32, #tpu.memory_space<hbm>> -> memref<128xf32, #tpu.memory_space<hbm>>
    %dma_start3A_15 = arith.constant 0 : i32
    %dma_start3A_16 = tpu.memref_slice %arg3[%mul3A_2, %dma_start3A_15] : memref<2560x128xf32, #tpu.memory_space<hbm>> -> memref<1x128xf32, #tpu.memory_space<hbm>>
    %dma_start3A_17 = tpu.memref_squeeze %dma_start3A_16 : memref<1x128xf32, #tpu.memory_space<hbm>> -> memref<128xf32, #tpu.memory_space<hbm>>
    tpu.enqueue_dma source(%dma_start3A_17 : memref<128xf32, #tpu.memory_space<hbm>>) target(%arg11 : memref<128xf32, #tpu.memory_space<vmem>>) target_semaphore(%arg16 : memref<!tpu.dma_semaphore, #tpu.memory_space<semaphore_mem>>)
    %dma_start3A_18 = arith.constant 0 : i32
    %dma_start3A_19 = arith.constant 0 : i32
    %dma_start3A_20 = tpu.memref_slice %arg8[%dma_start3A_18, %dma_start3A_19] : memref<80x128xi32, #tpu.memory_space<vmem>> -> memref<1x128xi32, #tpu.memory_space<vmem>>
    %dma_start3A_21 = tpu.memref_squeeze %dma_start3A_20 : memref<1x128xi32, #tpu.memory_space<vmem>> -> memref<128xi32, #tpu.memory_space<vmem>>
    %dma_start3A_22 = arith.constant 0 : i32
    %dma_start3A_23 = arith.constant 0 : i32
    %dma_start3A_24 = tpu.memref_slice %arg2[%dma_start3A_22, %dma_start3A_23] : memref<10240x128xf32, #tpu.memory_space<hbm>> -> memref<10240x128xf32, #tpu.memory_space<hbm>>
    tpu.enqueue_indirect_dma source(%dma_start3A_24 : memref<10240x128xf32, #tpu.memory_space<hbm>>) target(%arg13 : memref<128x128xf32, #tpu.memory_space<vmem>>) offsets(%dma_start3A_21 : memref<128xi32, #tpu.memory_space<vmem>>) semaphore(%arg18 : memref<!tpu.dma_semaphore, #tpu.memory_space<semaphore_mem>>)
    %scan3A = arith.constant 0 : i32
    %scan3A_25 = arith.constant 0 : i32
    %scan3A_26 = arith.constant 40 : i32
    %scan3A_27 = arith.addi %scan3A_25, %scan3A_26 : i32
    %scan3A_28 = arith.constant 1 : i32
    scf.for %scan3A_40 = %scan3A_25 to %scan3A_27 step %scan3A_28  : i32 {
      %mul3A_41 = arith.constant 2 : i32
      %mul3A_42 = arith.muli %scan3A_40, %mul3A_41 : i32
      %add3A_43 = arith.constant 1 : i32
      %add3A_44 = arith.addi %mul3A_42, %add3A_43 : i32
      %lt3A = arith.constant 80 : i32
      %lt3A_45 = arith.cmpi slt, %add3A_44, %lt3A : i32
      %convert_element_type3A = arith.extui %lt3A_45 : i1 to i32
      %cond3A = arith.constant 0 : i32
      %cond3A_46 = arith.cmpi ne, %convert_element_type3A, %cond3A : i32
      scf.if %cond3A_46 {
        %ge3A = arith.constant 1 : i32
        %ge3A_116 = arith.cmpi sge, %mul3A_42, %ge3A : i32
        %convert_element_type3A_117 = arith.extui %ge3A_116 : i1 to i32
        %cond3A_118 = arith.constant 0 : i32
        %cond3A_119 = arith.cmpi ne, %convert_element_type3A_117, %cond3A_118 : i32
        scf.if %cond3A_119 {
          %dma_wait3A_146 = arith.constant 0 : i32
          %dma_wait3A_147 = arith.constant 0 : i32
          %dma_wait3A_148 = tpu.memref_slice %arg15[%dma_wait3A_146, %dma_wait3A_147] : memref<10240x128xf32, #tpu.memory_space<vmem_shared>> -> memref<10240x128xf32, #tpu.memory_space<vmem_shared>>
          tpu.wait_indirect_dma semaphore(%arg21 : memref<!tpu.dma_semaphore, #tpu.memory_space<semaphore_mem>>) src(%arg14 : memref<128x128xf32, #tpu.memory_space<vmem>>) dst(%dma_wait3A_148 : memref<10240x128xf32, #tpu.memory_space<vmem_shared>>)
        } else {
        }
        %add3A_120 = arith.addi %mul3A_2, %mul3A_42 : i32
        %add3A_121 = arith.constant 1 : i32
        %add3A_122 = arith.addi %add3A_120, %add3A_121 : i32
        %dma_start3A_123 = arith.constant 0 : i32
        %dma_start3A_124 = tpu.memref_slice %arg5[%add3A_122, %dma_start3A_123] : memref<2560x128xi32, #tpu.memory_space<hbm>> -> memref<1x128xi32, #tpu.memory_space<hbm>>
        %dma_start3A_125 = tpu.memref_squeeze %dma_start3A_124 : memref<1x128xi32, #tpu.memory_space<hbm>> -> memref<128xi32, #tpu.memory_space<hbm>>
        %dma_start3A_126 = arith.constant 0 : i32
        %dma_start3A_127 = tpu.memref_slice %arg5[%add3A_122, %dma_start3A_126] : memref<2560x128xi32, #tpu.memory_space<hbm>> -> memref<1x128xi32, #tpu.memory_space<hbm>>
        %dma_start3A_128 = tpu.memref_squeeze %dma_start3A_127 : memref<1x128xi32, #tpu.memory_space<hbm>> -> memref<128xi32, #tpu.memory_space<hbm>>
        tpu.enqueue_dma source(%dma_start3A_128 : memref<128xi32, #tpu.memory_space<hbm>>) target(%arg10 : memref<128xi32, #tpu.memory_space<vmem>>) target_semaphore(%arg17 : memref<!tpu.dma_semaphore, #tpu.memory_space<semaphore_mem>>)
        %add3A_129 = arith.addi %mul3A_2, %mul3A_42 : i32
        %add3A_130 = arith.constant 1 : i32
        %add3A_131 = arith.addi %add3A_129, %add3A_130 : i32
        %dma_start3A_132 = arith.constant 0 : i32
        %dma_start3A_133 = tpu.memref_slice %arg3[%add3A_131, %dma_start3A_132] : memref<2560x128xf32, #tpu.memory_space<hbm>> -> memref<1x128xf32, #tpu.memory_space<hbm>>
        %dma_start3A_134 = tpu.memref_squeeze %dma_start3A_133 : memref<1x128xf32, #tpu.memory_space<hbm>> -> memref<128xf32, #tpu.memory_space<hbm>>
        %dma_start3A_135 = arith.constant 0 : i32
        %dma_start3A_136 = tpu.memref_slice %arg3[%add3A_131, %dma_start3A_135] : memref<2560x128xf32, #tpu.memory_space<hbm>> -> memref<1x128xf32, #tpu.memory_space<hbm>>
        %dma_start3A_137 = tpu.memref_squeeze %dma_start3A_136 : memref<1x128xf32, #tpu.memory_space<hbm>> -> memref<128xf32, #tpu.memory_space<hbm>>
        tpu.enqueue_dma source(%dma_start3A_137 : memref<128xf32, #tpu.memory_space<hbm>>) target(%arg12 : memref<128xf32, #tpu.memory_space<vmem>>) target_semaphore(%arg17 : memref<!tpu.dma_semaphore, #tpu.memory_space<semaphore_mem>>)
        %add3A_138 = arith.constant 1 : i32
        %add3A_139 = arith.addi %mul3A_42, %add3A_138 : i32
        %dma_start3A_140 = arith.constant 0 : i32
        %dma_start3A_141 = tpu.memref_slice %arg8[%add3A_139, %dma_start3A_140] : memref<80x128xi32, #tpu.memory_space<vmem>> -> memref<1x128xi32, #tpu.memory_space<vmem>>
        %dma_start3A_142 = tpu.memref_squeeze %dma_start3A_141 : memref<1x128xi32, #tpu.memory_space<vmem>> -> memref<128xi32, #tpu.memory_space<vmem>>
        %dma_start3A_143 = arith.constant 0 : i32
        %dma_start3A_144 = arith.constant 0 : i32
        %dma_start3A_145 = tpu.memref_slice %arg2[%dma_start3A_143, %dma_start3A_144] : memref<10240x128xf32, #tpu.memory_space<hbm>> -> memref<10240x128xf32, #tpu.memory_space<hbm>>
        tpu.enqueue_indirect_dma source(%dma_start3A_145 : memref<10240x128xf32, #tpu.memory_space<hbm>>) target(%arg14 : memref<128x128xf32, #tpu.memory_space<vmem>>) offsets(%dma_start3A_142 : memref<128xi32, #tpu.memory_space<vmem>>) semaphore(%arg19 : memref<!tpu.dma_semaphore, #tpu.memory_space<semaphore_mem>>)
      } else {
      }
      %dma_wait3A_47 = arith.constant 0 : i32
      %dma_wait3A_48 = tpu.memref_slice %arg8[%mul3A_42, %dma_wait3A_47] : memref<80x128xi32, #tpu.memory_space<vmem>> -> memref<1x128xi32, #tpu.memory_space<vmem>>
      %dma_wait3A_49 = tpu.memref_squeeze %dma_wait3A_48 : memref<1x128xi32, #tpu.memory_space<vmem>> -> memref<128xi32, #tpu.memory_space<vmem>>
      %dma_wait3A_50 = arith.constant 0 : i32
      %dma_wait3A_51 = arith.constant 0 : i32
      %dma_wait3A_52 = tpu.memref_slice %arg2[%dma_wait3A_50, %dma_wait3A_51] : memref<10240x128xf32, #tpu.memory_space<hbm>> -> memref<10240x128xf32, #tpu.memory_space<hbm>>
      tpu.wait_indirect_dma semaphore(%arg18 : memref<!tpu.dma_semaphore, #tpu.memory_space<semaphore_mem>>) src(%dma_wait3A_52 : memref<10240x128xf32, #tpu.memory_space<hbm>>) dst(%arg13 : memref<128x128xf32, #tpu.memory_space<vmem>>)
      %add3A_53 = arith.addi %mul3A_2, %mul3A_42 : i32
      %dma_wait3A_54 = arith.constant 0 : i32
      %dma_wait3A_55 = tpu.memref_slice %arg5[%add3A_53, %dma_wait3A_54] : memref<2560x128xi32, #tpu.memory_space<hbm>> -> memref<1x128xi32, #tpu.memory_space<hbm>>
      %dma_wait3A_56 = tpu.memref_squeeze %dma_wait3A_55 : memref<1x128xi32, #tpu.memory_space<hbm>> -> memref<128xi32, #tpu.memory_space<hbm>>
      %dma_wait3A_57 = arith.constant 0 : i32
      %dma_wait3A_58 = tpu.memref_slice %arg5[%add3A_53, %dma_wait3A_57] : memref<2560x128xi32, #tpu.memory_space<hbm>> -> memref<1x128xi32, #tpu.memory_space<hbm>>
      %dma_wait3A_59 = tpu.memref_squeeze %dma_wait3A_58 : memref<1x128xi32, #tpu.memory_space<hbm>> -> memref<128xi32, #tpu.memory_space<hbm>>
      tpu.wait_dma2 semaphore(%arg16 : memref<!tpu.dma_semaphore, #tpu.memory_space<semaphore_mem>>) src(%dma_wait3A_59 : memref<128xi32, #tpu.memory_space<hbm>>) dst(%arg9 : memref<128xi32, #tpu.memory_space<vmem>>)
      %add3A_60 = arith.addi %mul3A_2, %mul3A_42 : i32
      %dma_wait3A_61 = arith.constant 0 : i32
      %dma_wait3A_62 = tpu.memref_slice %arg3[%add3A_60, %dma_wait3A_61] : memref<2560x128xf32, #tpu.memory_space<hbm>> -> memref<1x128xf32, #tpu.memory_space<hbm>>
      %dma_wait3A_63 = tpu.memref_squeeze %dma_wait3A_62 : memref<1x128xf32, #tpu.memory_space<hbm>> -> memref<128xf32, #tpu.memory_space<hbm>>
      %dma_wait3A_64 = arith.constant 0 : i32
      %dma_wait3A_65 = tpu.memref_slice %arg3[%add3A_60, %dma_wait3A_64] : memref<2560x128xf32, #tpu.memory_space<hbm>> -> memref<1x128xf32, #tpu.memory_space<hbm>>
      %dma_wait3A_66 = tpu.memref_squeeze %dma_wait3A_65 : memref<1x128xf32, #tpu.memory_space<hbm>> -> memref<128xf32, #tpu.memory_space<hbm>>
      tpu.wait_dma2 semaphore(%arg16 : memref<!tpu.dma_semaphore, #tpu.memory_space<semaphore_mem>>) src(%dma_wait3A_66 : memref<128xf32, #tpu.memory_space<hbm>>) dst(%arg11 : memref<128xf32, #tpu.memory_space<vmem>>)
      %scan3A_67 = arith.constant 0 : i32
      %scan3A_68 = arith.constant 0 : i32
      %scan3A_69 = arith.constant 16 : i32
      %scan3A_70 = arith.addi %scan3A_68, %scan3A_69 : i32
      %scan3A_71 = arith.constant 1 : i32
      scf.for %scan3A_116 = %scan3A_68 to %scan3A_70 step %scan3A_71  : i32 {
        %mul3A_117 = arith.constant 8 : i32
        %mul3A_118 = arith.muli %scan3A_116, %mul3A_117 : i32
        %add3A_119 = arith.constant 0 : i32
        %add3A_120 = arith.addi %mul3A_118, %add3A_119 : i32
        %broadcast_in_dim3A = arith.constant 0 : i32
        %broadcast_in_dim3A_121 = vector.broadcast %broadcast_in_dim3A : i32 to vector<16xi32>
        %add3A_122 = vector.broadcast %add3A_120 : i32 to vector<16xi32>
        %add3A_123 = arith.addi %broadcast_in_dim3A_121, %add3A_122 : vector<16xi32>
        %gather3A = tpu.vector_load_idx %arg11[%add3A_123] : memref<128xf32, #tpu.memory_space<vmem>>[vector<16xi32>], vector<16xf32>,
        %get3A = arith.index_cast %add3A_120 : i32 to index
        %get3A_124 = arith.constant 0 : index
        %get3A_125 = tpu.vector_load %arg13[%get3A, %get3A_124] {strides = array<i32>} : memref<128x128xf32, #tpu.memory_space<vmem>>, vector<16xf32>,
        %mul3A_126 = arith.mulf %get3A_125, %gather3A : vector<16xf32>
        %swap3A = arith.index_cast %add3A_120 : i32 to index
        %swap3A_127 = arith.constant 0 : index
        %swap3A_128 = tpu.vector_load %arg13[%swap3A, %swap3A_127] {strides = array<i32>} : memref<128x128xf32, #tpu.memory_space<vmem>>, vector<16xf32>,
        tpu.vector_store %arg13[%swap3A, %swap3A_127], %mul3A_126 {strides = array<i32>} : memref<128x128xf32, #tpu.memory_space<vmem>>, vector<16xf32>,
        %get3A_129 = arith.index_cast %add3A_120 : i32 to index
        %get3A_130 = arith.constant 16 : index
        %get3A_131 = tpu.vector_load %arg13[%get3A_129, %get3A_130] {strides = array<i32>} : memref<128x128xf32, #tpu.memory_space<vmem>>, vector<16xf32>,
        %mul3A_132 = arith.mulf %get3A_131, %gather3A : vector<16xf32>
        %swap3A_133 = arith.index_cast %add3A_120 : i32 to index
        %swap3A_134 = arith.constant 16 : index
        %swap3A_135 = tpu.vector_load %arg13[%swap3A_133, %swap3A_134] {strides = array<i32>} : memref<128x128xf32, #tpu.memory_space<vmem>>, vector<16xf32>,
        tpu.vector_store %arg13[%swap3A_133, %swap3A_134], %mul3A_132 {strides = array<i32>} : memref<128x128xf32, #tpu.memory_space<vmem>>, vector<16xf32>,
        %get3A_136 = arith.index_cast %add3A_120 : i32 to index
        %get3A_137 = arith.constant 32 : index
        %get3A_138 = tpu.vector_load %arg13[%get3A_136, %get3A_137] {strides = array<i32>} : memref<128x128xf32, #tpu.memory_space<vmem>>, vector<16xf32>,
        %mul3A_139 = arith.mulf %get3A_138, %gather3A : vector<16xf32>
        %swap3A_140 = arith.index_cast %add3A_120 : i32 to index
        %swap3A_141 = arith.constant 32 : index
        %swap3A_142 = tpu.vector_load %arg13[%swap3A_140, %swap3A_141] {strides = array<i32>} : memref<128x128xf32, #tpu.memory_space<vmem>>, vector<16xf32>,
        tpu.vector_store %arg13[%swap3A_140, %swap3A_141], %mul3A_139 {strides = array<i32>} : memref<128x128xf32, #tpu.memory_space<vmem>>, vector<16xf32>,
        %get3A_143 = arith.index_cast %add3A_120 : i32 to index
        %get3A_144 = arith.constant 48 : index
        %get3A_145 = tpu.vector_load %arg13[%get3A_143, %get3A_144] {strides = array<i32>} : memref<128x128xf32, #tpu.memory_space<vmem>>, vector<16xf32>,
        %mul3A_146 = arith.mulf %get3A_145, %gather3A : vector<16xf32>
        %swap3A_147 = arith.index_cast %add3A_120 : i32 to index
        %swap3A_148 = arith.constant 48 : index
        %swap3A_149 = tpu.vector_load %arg13[%swap3A_147, %swap3A_148] {strides = array<i32>} : memref<128x128xf32, #tpu.memory_space<vmem>>, vector<16xf32>,
        tpu.vector_store %arg13[%swap3A_147, %swap3A_148], %mul3A_146 {strides = array<i32>} : memref<128x128xf32, #tpu.memory_space<vmem>>, vector<16xf32>,
        %get3A_150 = arith.index_cast %add3A_120 : i32 to index
        %get3A_151 = arith.constant 64 : index
        %get3A_152 = tpu.vector_load %arg13[%get3A_150, %get3A_151] {strides = array<i32>} : memref<128x128xf32, #tpu.memory_space<vmem>>, vector<16xf32>,
        %mul3A_153 = arith.mulf %get3A_152, %gather3A : vector<16xf32>
        %swap3A_154 = arith.index_cast %add3A_120 : i32 to index
        %swap3A_155 = arith.constant 64 : index
        %swap3A_156 = tpu.vector_load %arg13[%swap3A_154, %swap3A_155] {strides = array<i32>} : memref<128x128xf32, #tpu.memory_space<vmem>>, vector<16xf32>,
        tpu.vector_store %arg13[%swap3A_154, %swap3A_155], %mul3A_153 {strides = array<i32>} : memref<128x128xf32, #tpu.memory_space<vmem>>, vector<16xf32>,
        %get3A_157 = arith.index_cast %add3A_120 : i32 to index
        %get3A_158 = arith.constant 80 : index
        %get3A_159 = tpu.vector_load %arg13[%get3A_157, %get3A_158] {strides = array<i32>} : memref<128x128xf32, #tpu.memory_space<vmem>>, vector<16xf32>,
        %mul3A_160 = arith.mulf %get3A_159, %gather3A : vector<16xf32>
        %swap3A_161 = arith.index_cast %add3A_120 : i32 to index
        %swap3A_162 = arith.constant 80 : index
        %swap3A_163 = tpu.vector_load %arg13[%swap3A_161, %swap3A_162] {strides = array<i32>} : memref<128x128xf32, #tpu.memory_space<vmem>>, vector<16xf32>,
        tpu.vector_store %arg13[%swap3A_161, %swap3A_162], %mul3A_160 {strides = array<i32>} : memref<128x128xf32, #tpu.memory_space<vmem>>, vector<16xf32>,
        %get3A_164 = arith.index_cast %add3A_120 : i32 to index
        %get3A_165 = arith.constant 96 : index
        %get3A_166 = tpu.vector_load %arg13[%get3A_164, %get3A_165] {strides = array<i32>} : memref<128x128xf32, #tpu.memory_space<vmem>>, vector<16xf32>,
        %mul3A_167 = arith.mulf %get3A_166, %gather3A : vector<16xf32>
        %swap3A_168 = arith.index_cast %add3A_120 : i32 to index
        %swap3A_169 = arith.constant 96 : index
        %swap3A_170 = tpu.vector_load %arg13[%swap3A_168, %swap3A_169] {strides = array<i32>} : memref<128x128xf32, #tpu.memory_space<vmem>>, vector<16xf32>,
        tpu.vector_store %arg13[%swap3A_168, %swap3A_169], %mul3A_167 {strides = array<i32>} : memref<128x128xf32, #tpu.memory_space<vmem>>, vector<16xf32>,
        %get3A_171 = arith.index_cast %add3A_120 : i32 to index
        %get3A_172 = arith.constant 112 : index
        %get3A_173 = tpu.vector_load %arg13[%get3A_171, %get3A_172] {strides = array<i32>} : memref<128x128xf32, #tpu.memory_space<vmem>>, vector<16xf32>,
        %mul3A_174 = arith.mulf %get3A_173, %gather3A : vector<16xf32>
        %swap3A_175 = arith.index_cast %add3A_120 : i32 to index
        %swap3A_176 = arith.constant 112 : index
        %swap3A_177 = tpu.vector_load %arg13[%swap3A_175, %swap3A_176] {strides = array<i32>} : memref<128x128xf32, #tpu.memory_space<vmem>>, vector<16xf32>,
        tpu.vector_store %arg13[%swap3A_175, %swap3A_176], %mul3A_174 {strides = array<i32>} : memref<128x128xf32, #tpu.memory_space<vmem>>, vector<16xf32>,
        %mul3A_178 = arith.constant 8 : i32
        %mul3A_179 = arith.muli %scan3A_116, %mul3A_178 : i32
        %add3A_180 = arith.constant 1 : i32
        %add3A_181 = arith.addi %mul3A_179, %add3A_180 : i32
        %broadcast_in_dim3A_182 = arith.constant 0 : i32
        %broadcast_in_dim3A_183 = vector.broadcast %broadcast_in_dim3A_182 : i32 to vector<16xi32>
        %add3A_184 = vector.broadcast %add3A_181 : i32 to vector<16xi32>
        %add3A_185 = arith.addi %broadcast_in_dim3A_183, %add3A_184 : vector<16xi32>
        %gather3A_186 = tpu.vector_load_idx %arg11[%add3A_185] : memref<128xf32, #tpu.memory_space<vmem>>[vector<16xi32>], vector<16xf32>,
        %get3A_187 = arith.index_cast %add3A_181 : i32 to index
        %get3A_188 = arith.constant 0 : index
        %get3A_189 = tpu.vector_load %arg13[%get3A_187, %get3A_188] {strides = array<i32>} : memref<128x128xf32, #tpu.memory_space<vmem>>, vector<16xf32>,
        %mul3A_190 = arith.mulf %get3A_189, %gather3A_186 : vector<16xf32>
        %swap3A_191 = arith.index_cast %add3A_181 : i32 to index
        %swap3A_192 = arith.constant 0 : index
        %swap3A_193 = tpu.vector_load %arg13[%swap3A_191, %swap3A_192] {strides = array<i32>} : memref<128x128xf32, #tpu.memory_space<vmem>>, vector<16xf32>,
        tpu.vector_store %arg13[%swap3A_191, %swap3A_192], %mul3A_190 {strides = array<i32>} : memref<128x128xf32, #tpu.memory_space<vmem>>, vector<16xf32>,
        %get3A_194 = arith.index_cast %add3A_181 : i32 to index
        %get3A_195 = arith.constant 16 : index
        %get3A_196 = tpu.vector_load %arg13[%get3A_194, %get3A_195] {strides = array<i32>} : memref<128x128xf32, #tpu.memory_space<vmem>>, vector<16xf32>,
        %mul3A_197 = arith.mulf %get3A_196, %gather3A_186 : vector<16xf32>
        %swap3A_198 = arith.index_cast %add3A_181 : i32 to index
        %swap3A_199 = arith.constant 16 : index
        %swap3A_200 = tpu.vector_load %arg13[%swap3A_198, %swap3A_199] {strides = array<i32>} : memref<128x128xf32, #tpu.memory_space<vmem>>, vector<16xf32>,
        tpu.vector_store %arg13[%swap3A_198, %swap3A_199], %mul3A_197 {strides = array<i32>} : memref<128x128xf32, #tpu.memory_space<vmem>>, vector<16xf32>,
        %get3A_201 = arith.index_cast %add3A_181 : i32 to index
        %get3A_202 = arith.constant 32 : index
        %get3A_203 = tpu.vector_load %arg13[%get3A_201, %get3A_202] {strides = array<i32>} : memref<128x128xf32, #tpu.memory_space<vmem>>, vector<16xf32>,
        %mul3A_204 = arith.mulf %get3A_203, %gather3A_186 : vector<16xf32>
        %swap3A_205 = arith.index_cast %add3A_181 : i32 to index
        %swap3A_206 = arith.constant 32 : index
        %swap3A_207 = tpu.vector_load %arg13[%swap3A_205, %swap3A_206] {strides = array<i32>} : memref<128x128xf32, #tpu.memory_space<vmem>>, vector<16xf32>,
        tpu.vector_store %arg13[%swap3A_205, %swap3A_206], %mul3A_204 {strides = array<i32>} : memref<128x128xf32, #tpu.memory_space<vmem>>, vector<16xf32>,
        %get3A_208 = arith.index_cast %add3A_181 : i32 to index
        %get3A_209 = arith.constant 48 : index
        %get3A_210 = tpu.vector_load %arg13[%get3A_208, %get3A_209] {strides = array<i32>} : memref<128x128xf32, #tpu.memory_space<vmem>>, vector<16xf32>,
        %mul3A_211 = arith.mulf %get3A_210, %gather3A_186 : vector<16xf32>
        %swap3A_212 = arith.index_cast %add3A_181 : i32 to index
        %swap3A_213 = arith.constant 48 : index
        %swap3A_214 = tpu.vector_load %arg13[%swap3A_212, %swap3A_213] {strides = array<i32>} : memref<128x128xf32, #tpu.memory_space<vmem>>, vector<16xf32>,
        tpu.vector_store %arg13[%swap3A_212, %swap3A_213], %mul3A_211 {strides = array<i32>} : memref<128x128xf32, #tpu.memory_space<vmem>>, vector<16xf32>,
        %get3A_215 = arith.index_cast %add3A_181 : i32 to index
        %get3A_216 = arith.constant 64 : index
        %get3A_217 = tpu.vector_load %arg13[%get3A_215, %get3A_216] {strides = array<i32>} : memref<128x128xf32, #tpu.memory_space<vmem>>, vector<16xf32>,
        %mul3A_218 = arith.mulf %get3A_217, %gather3A_186 : vector<16xf32>
        %swap3A_219 = arith.index_cast %add3A_181 : i32 to index
        %swap3A_220 = arith.constant 64 : index
        %swap3A_221 = tpu.vector_load %arg13[%swap3A_219, %swap3A_220] {strides = array<i32>} : memref<128x128xf32, #tpu.memory_space<vmem>>, vector<16xf32>,
        tpu.vector_store %arg13[%swap3A_219, %swap3A_220], %mul3A_218 {strides = array<i32>} : memref<128x128xf32, #tpu.memory_space<vmem>>, vector<16xf32>,
        %get3A_222 = arith.index_cast %add3A_181 : i32 to index
        %get3A_223 = arith.constant 80 : index
        %get3A_224 = tpu.vector_load %arg13[%get3A_222, %get3A_223] {strides = array<i32>} : memref<128x128xf32, #tpu.memory_space<vmem>>, vector<16xf32>,
        %mul3A_225 = arith.mulf %get3A_224, %gather3A_186 : vector<16xf32>
        %swap3A_226 = arith.index_cast %add3A_181 : i32 to index
        %swap3A_227 = arith.constant 80 : index
        %swap3A_228 = tpu.vector_load %arg13[%swap3A_226, %swap3A_227] {strides = array<i32>} : memref<128x128xf32, #tpu.memory_space<vmem>>, vector<16xf32>,
        tpu.vector_store %arg13[%swap3A_226, %swap3A_227], %mul3A_225 {strides = array<i32>} : memref<128x128xf32, #tpu.memory_space<vmem>>, vector<16xf32>,
        %get3A_229 = arith.index_cast %add3A_181 : i32 to index
        %get3A_230 = arith.constant 96 : index
        %get3A_231 = tpu.vector_load %arg13[%get3A_229, %get3A_230] {strides = array<i32>} : memref<128x128xf32, #tpu.memory_space<vmem>>, vector<16xf32>,
        %mul3A_232 = arith.mulf %get3A_231, %gather3A_186 : vector<16xf32>
        %swap3A_233 = arith.index_cast %add3A_181 : i32 to index
        %swap3A_234 = arith.constant 96 : index
        %swap3A_235 = tpu.vector_load %arg13[%swap3A_233, %swap3A_234] {strides = array<i32>} : memref<128x128xf32, #tpu.memory_space<vmem>>, vector<16xf32>,
        tpu.vector_store %arg13[%swap3A_233, %swap3A_234], %mul3A_232 {strides = array<i32>} : memref<128x128xf32, #tpu.memory_space<vmem>>, vector<16xf32>,
        %get3A_236 = arith.index_cast %add3A_181 : i32 to index
        %get3A_237 = arith.constant 112 : index
        %get3A_238 = tpu.vector_load %arg13[%get3A_236, %get3A_237] {strides = array<i32>} : memref<128x128xf32, #tpu.memory_space<vmem>>, vector<16xf32>,
        %mul3A_239 = arith.mulf %get3A_238, %gather3A_186 : vector<16xf32>
        %swap3A_240 = arith.index_cast %add3A_181 : i32 to index
        %swap3A_241 = arith.constant 112 : index
        %swap3A_242 = tpu.vector_load %arg13[%swap3A_240, %swap3A_241] {strides = array<i32>} : memref<128x128xf32, #tpu.memory_space<vmem>>, vector<16xf32>,
        tpu.vector_store %arg13[%swap3A_240, %swap3A_241], %mul3A_239 {strides = array<i32>} : memref<128x128xf32, #tpu.memory_space<vmem>>, vector<16xf32>,
        %mul3A_243 = arith.constant 8 : i32
        %mul3A_244 = arith.muli %scan3A_116, %mul3A_243 : i32
        %add3A_245 = arith.constant 2 : i32
        %add3A_246 = arith.addi %mul3A_244, %add3A_245 : i32
        %broadcast_in_dim3A_247 = arith.constant 0 : i32
        %broadcast_in_dim3A_248 = vector.broadcast %broadcast_in_dim3A_247 : i32 to vector<16xi32>
        %add3A_249 = vector.broadcast %add3A_246 : i32 to vector<16xi32>
        %add3A_250 = arith.addi %broadcast_in_dim3A_248, %add3A_249 : vector<16xi32>
        %gather3A_251 = tpu.vector_load_idx %arg11[%add3A_250] : memref<128xf32, #tpu.memory_space<vmem>>[vector<16xi32>], vector<16xf32>,
        %get3A_252 = arith.index_cast %add3A_246 : i32 to index
        %get3A_253 = arith.constant 0 : index
        %get3A_254 = tpu.vector_load %arg13[%get3A_252, %get3A_253] {strides = array<i32>} : memref<128x128xf32, #tpu.memory_space<vmem>>, vector<16xf32>,
        %mul3A_255 = arith.mulf %get3A_254, %gather3A_251 : vector<16xf32>
        %swap3A_256 = arith.index_cast %add3A_246 : i32 to index
        %swap3A_257 = arith.constant 0 : index
        %swap3A_258 = tpu.vector_load %arg13[%swap3A_256, %swap3A_257] {strides = array<i32>} : memref<128x128xf32, #tpu.memory_space<vmem>>, vector<16xf32>,
        tpu.vector_store %arg13[%swap3A_256, %swap3A_257], %mul3A_255 {strides = array<i32>} : memref<128x128xf32, #tpu.memory_space<vmem>>, vector<16xf32>,
        %get3A_259 = arith.index_cast %add3A_246 : i32 to index
        %get3A_260 = arith.constant 16 : index
        %get3A_261 = tpu.vector_load %arg13[%get3A_259, %get3A_260] {strides = array<i32>} : memref<128x128xf32, #tpu.memory_space<vmem>>, vector<16xf32>,
        %mul3A_262 = arith.mulf %get3A_261, %gather3A_251 : vector<16xf32>
        %swap3A_263 = arith.index_cast %add3A_246 : i32 to index
        %swap3A_264 = arith.constant 16 : index
        %swap3A_265 = tpu.vector_load %arg13[%swap3A_263, %swap3A_264] {strides = array<i32>} : memref<128x128xf32, #tpu.memory_space<vmem>>, vector<16xf32>,
        tpu.vector_store %arg13[%swap3A_263, %swap3A_264], %mul3A_262 {strides = array<i32>} : memref<128x128xf32, #tpu.memory_space<vmem>>, vector<16xf32>,
        %get3A_266 = arith.index_cast %add3A_246 : i32 to index
        %get3A_267 = arith.constant 32 : index
        %get3A_268 = tpu.vector_load %arg13[%get3A_266, %get3A_267] {strides = array<i32>} : memref<128x128xf32, #tpu.memory_space<vmem>>, vector<16xf32>,
        %mul3A_269 = arith.mulf %get3A_268, %gather3A_251 : vector<16xf32>
        %swap3A_270 = arith.index_cast %add3A_246 : i32 to index
        %swap3A_271 = arith.constant 32 : index
        %swap3A_272 = tpu.vector_load %arg13[%swap3A_270, %swap3A_271] {strides = array<i32>} : memref<128x128xf32, #tpu.memory_space<vmem>>, vector<16xf32>,
        tpu.vector_store %arg13[%swap3A_270, %swap3A_271], %mul3A_269 {strides = array<i32>} : memref<128x128xf32, #tpu.memory_space<vmem>>, vector<16xf32>,
        %get3A_273 = arith.index_cast %add3A_246 : i32 to index
        %get3A_274 = arith.constant 48 : index
        %get3A_275 = tpu.vector_load %arg13[%get3A_273, %get3A_274] {strides = array<i32>} : memref<128x128xf32, #tpu.memory_space<vmem>>, vector<16xf32>,
        %mul3A_276 = arith.mulf %get3A_275, %gather3A_251 : vector<16xf32>
        %swap3A_277 = arith.index_cast %add3A_246 : i32 to index
        %swap3A_278 = arith.constant 48 : index
        %swap3A_279 = tpu.vector_load %arg13[%swap3A_277, %swap3A_278] {strides = array<i32>} : memref<128x128xf32, #tpu.memory_space<vmem>>, vector<16xf32>,
        tpu.vector_store %arg13[%swap3A_277, %swap3A_278], %mul3A_276 {strides = array<i32>} : memref<128x128xf32, #tpu.memory_space<vmem>>, vector<16xf32>,
        %get3A_280 = arith.index_cast %add3A_246 : i32 to index
        %get3A_281 = arith.constant 64 : index
        %get3A_282 = tpu.vector_load %arg13[%get3A_280, %get3A_281] {strides = array<i32>} : memref<128x128xf32, #tpu.memory_space<vmem>>, vector<16xf32>,
        %mul3A_283 = arith.mulf %get3A_282, %gather3A_251 : vector<16xf32>
        %swap3A_284 = arith.index_cast %add3A_246 : i32 to index
        %swap3A_285 = arith.constant 64 : index
        %swap3A_286 = tpu.vector_load %arg13[%swap3A_284, %swap3A_285] {strides = array<i32>} : memref<128x128xf32, #tpu.memory_space<vmem>>, vector<16xf32>,
        tpu.vector_store %arg13[%swap3A_284, %swap3A_285], %mul3A_283 {strides = array<i32>} : memref<128x128xf32, #tpu.memory_space<vmem>>, vector<16xf32>,
        %get3A_287 = arith.index_cast %add3A_246 : i32 to index
        %get3A_288 = arith.constant 80 : index
        %get3A_289 = tpu.vector_load %arg13[%get3A_287, %get3A_288] {strides = array<i32>} : memref<128x128xf32, #tpu.memory_space<vmem>>, vector<16xf32>,
        %mul3A_290 = arith.mulf %get3A_289, %gather3A_251 : vector<16xf32>
        %swap3A_291 = arith.index_cast %add3A_246 : i32 to index
        %swap3A_292 = arith.constant 80 : index
        %swap3A_293 = tpu.vector_load %arg13[%swap3A_291, %swap3A_292] {strides = array<i32>} : memref<128x128xf32, #tpu.memory_space<vmem>>, vector<16xf32>,
        tpu.vector_store %arg13[%swap3A_291, %swap3A_292], %mul3A_290 {strides = array<i32>} : memref<128x128xf32, #tpu.memory_space<vmem>>, vector<16xf32>,
        %get3A_294 = arith.index_cast %add3A_246 : i32 to index
        %get3A_295 = arith.constant 96 : index
        %get3A_296 = tpu.vector_load %arg13[%get3A_294, %get3A_295] {strides = array<i32>} : memref<128x128xf32, #tpu.memory_space<vmem>>, vector<16xf32>,
        %mul3A_297 = arith.mulf %get3A_296, %gather3A_251 : vector<16xf32>
        %swap3A_298 = arith.index_cast %add3A_246 : i32 to index
        %swap3A_299 = arith.constant 96 : index
        %swap3A_300 = tpu.vector_load %arg13[%swap3A_298, %swap3A_299] {strides = array<i32>} : memref<128x128xf32, #tpu.memory_space<vmem>>, vector<16xf32>,
        tpu.vector_store %arg13[%swap3A_298, %swap3A_299], %mul3A_297 {strides = array<i32>} : memref<128x128xf32, #tpu.memory_space<vmem>>, vector<16xf32>,
        %get3A_301 = arith.index_cast %add3A_246 : i32 to index
        %get3A_302 = arith.constant 112 : index
        %get3A_303 = tpu.vector_load %arg13[%get3A_301, %get3A_302] {strides = array<i32>} : memref<128x128xf32, #tpu.memory_space<vmem>>, vector<16xf32>,
        %mul3A_304 = arith.mulf %get3A_303, %gather3A_251 : vector<16xf32>
        %swap3A_305 = arith.index_cast %add3A_246 : i32 to index
        %swap3A_306 = arith.constant 112 : index
        %swap3A_307 = tpu.vector_load %arg13[%swap3A_305, %swap3A_306] {strides = array<i32>} : memref<128x128xf32, #tpu.memory_space<vmem>>, vector<16xf32>,
        tpu.vector_store %arg13[%swap3A_305, %swap3A_306], %mul3A_304 {strides = array<i32>} : memref<128x128xf32, #tpu.memory_space<vmem>>, vector<16xf32>,
        %mul3A_308 = arith.constant 8 : i32
        %mul3A_309 = arith.muli %scan3A_116, %mul3A_308 : i32
        %add3A_310 = arith.constant 3 : i32
        %add3A_311 = arith.addi %mul3A_309, %add3A_310 : i32
        %broadcast_in_dim3A_312 = arith.constant 0 : i32
        %broadcast_in_dim3A_313 = vector.broadcast %broadcast_in_dim3A_312 : i32 to vector<16xi32>
        %add3A_314 = vector.broadcast %add3A_311 : i32 to vector<16xi32>
        %add3A_315 = arith.addi %broadcast_in_dim3A_313, %add3A_314 : vector<16xi32>
        %gather3A_316 = tpu.vector_load_idx %arg11[%add3A_315] : memref<128xf32, #tpu.memory_space<vmem>>[vector<16xi32>], vector<16xf32>,
        %get3A_317 = arith.index_cast %add3A_311 : i32 to index
        %get3A_318 = arith.constant 0 : index
        %get3A_319 = tpu.vector_load %arg13[%get3A_317, %get3A_318] {strides = array<i32>} : memref<128x128xf32, #tpu.memory_space<vmem>>, vector<16xf32>,
        %mul3A_320 = arith.mulf %get3A_319, %gather3A_316 : vector<16xf32>
        %swap3A_321 = arith.index_cast %add3A_311 : i32 to index
        %swap3A_322 = arith.constant 0 : index
        %swap3A_323 = tpu.vector_load %arg13[%swap3A_321, %swap3A_322] {strides = array<i32>} : memref<128x128xf32, #tpu.memory_space<vmem>>, vector<16xf32>,
        tpu.vector_store %arg13[%swap3A_321, %swap3A_322], %mul3A_320 {strides = array<i32>} : memref<128x128xf32, #tpu.memory_space<vmem>>, vector<16xf32>,
        %get3A_324 = arith.index_cast %add3A_311 : i32 to index
        %get3A_325 = arith.constant 16 : index
        %get3A_326 = tpu.vector_load %arg13[%get3A_324, %get3A_325] {strides = array<i32>} : memref<128x128xf32, #tpu.memory_space<vmem>>, vector<16xf32>,
        %mul3A_327 = arith.mulf %get3A_326, %gather3A_316 : vector<16xf32>
        %swap3A_328 = arith.index_cast %add3A_311 : i32 to index
        %swap3A_329 = arith.constant 16 : index
        %swap3A_330 = tpu.vector_load %arg13[%swap3A_328, %swap3A_329] {strides = array<i32>} : memref<128x128xf32, #tpu.memory_space<vmem>>, vector<16xf32>,
        tpu.vector_store %arg13[%swap3A_328, %swap3A_329], %mul3A_327 {strides = array<i32>} : memref<128x128xf32, #tpu.memory_space<vmem>>, vector<16xf32>,
        %get3A_331 = arith.index_cast %add3A_311 : i32 to index
        %get3A_332 = arith.constant 32 : index
        %get3A_333 = tpu.vector_load %arg13[%get3A_331, %get3A_332] {strides = array<i32>} : memref<128x128xf32, #tpu.memory_space<vmem>>, vector<16xf32>,
        %mul3A_334 = arith.mulf %get3A_333, %gather3A_316 : vector<16xf32>
        %swap3A_335 = arith.index_cast %add3A_311 : i32 to index
        %swap3A_336 = arith.constant 32 : index
        %swap3A_337 = tpu.vector_load %arg13[%swap3A_335, %swap3A_336] {strides = array<i32>} : memref<128x128xf32, #tpu.memory_space<vmem>>, vector<16xf32>,
        tpu.vector_store %arg13[%swap3A_335, %swap3A_336], %mul3A_334 {strides = array<i32>} : memref<128x128xf32, #tpu.memory_space<vmem>>, vector<16xf32>,
        %get3A_338 = arith.index_cast %add3A_311 : i32 to index
        %get3A_339 = arith.constant 48 : index
        %get3A_340 = tpu.vector_load %arg13[%get3A_338, %get3A_339] {strides = array<i32>} : memref<128x128xf32, #tpu.memory_space<vmem>>, vector<16xf32>,
        %mul3A_341 = arith.mulf %get3A_340, %gather3A_316 : vector<16xf32>
        %swap3A_342 = arith.index_cast %add3A_311 : i32 to index
        %swap3A_343 = arith.constant 48 : index
        %swap3A_344 = tpu.vector_load %arg13[%swap3A_342, %swap3A_343] {strides = array<i32>} : memref<128x128xf32, #tpu.memory_space<vmem>>, vector<16xf32>,
        tpu.vector_store %arg13[%swap3A_342, %swap3A_343], %mul3A_341 {strides = array<i32>} : memref<128x128xf32, #tpu.memory_space<vmem>>, vector<16xf32>,
        %get3A_345 = arith.index_cast %add3A_311 : i32 to index
        %get3A_346 = arith.constant 64 : index
        %get3A_347 = tpu.vector_load %arg13[%get3A_345, %get3A_346] {strides = array<i32>} : memref<128x128xf32, #tpu.memory_space<vmem>>, vector<16xf32>,
        %mul3A_348 = arith.mulf %get3A_347, %gather3A_316 : vector<16xf32>
        %swap3A_349 = arith.index_cast %add3A_311 : i32 to index
        %swap3A_350 = arith.constant 64 : index
        %swap3A_351 = tpu.vector_load %arg13[%swap3A_349, %swap3A_350] {strides = array<i32>} : memref<128x128xf32, #tpu.memory_space<vmem>>, vector<16xf32>,
        tpu.vector_store %arg13[%swap3A_349, %swap3A_350], %mul3A_348 {strides = array<i32>} : memref<128x128xf32, #tpu.memory_space<vmem>>, vector<16xf32>,
        %get3A_352 = arith.index_cast %add3A_311 : i32 to index
        %get3A_353 = arith.constant 80 : index
        %get3A_354 = tpu.vector_load %arg13[%get3A_352, %get3A_353] {strides = array<i32>} : memref<128x128xf32, #tpu.memory_space<vmem>>, vector<16xf32>,
        %mul3A_355 = arith.mulf %get3A_354, %gather3A_316 : vector<16xf32>
        %swap3A_356 = arith.index_cast %add3A_311 : i32 to index
        %swap3A_357 = arith.constant 80 : index
        %swap3A_358 = tpu.vector_load %arg13[%swap3A_356, %swap3A_357] {strides = array<i32>} : memref<128x128xf32, #tpu.memory_space<vmem>>, vector<16xf32>,
        tpu.vector_store %arg13[%swap3A_356, %swap3A_357], %mul3A_355 {strides = array<i32>} : memref<128x128xf32, #tpu.memory_space<vmem>>, vector<16xf32>,
        %get3A_359 = arith.index_cast %add3A_311 : i32 to index
        %get3A_360 = arith.constant 96 : index
        %get3A_361 = tpu.vector_load %arg13[%get3A_359, %get3A_360] {strides = array<i32>} : memref<128x128xf32, #tpu.memory_space<vmem>>, vector<16xf32>,
        %mul3A_362 = arith.mulf %get3A_361, %gather3A_316 : vector<16xf32>
        %swap3A_363 = arith.index_cast %add3A_311 : i32 to index
        %swap3A_364 = arith.constant 96 : index
        %swap3A_365 = tpu.vector_load %arg13[%swap3A_363, %swap3A_364] {strides = array<i32>} : memref<128x128xf32, #tpu.memory_space<vmem>>, vector<16xf32>,
        tpu.vector_store %arg13[%swap3A_363, %swap3A_364], %mul3A_362 {strides = array<i32>} : memref<128x128xf32, #tpu.memory_space<vmem>>, vector<16xf32>,
        %get3A_366 = arith.index_cast %add3A_311 : i32 to index
        %get3A_367 = arith.constant 112 : index
        %get3A_368 = tpu.vector_load %arg13[%get3A_366, %get3A_367] {strides = array<i32>} : memref<128x128xf32, #tpu.memory_space<vmem>>, vector<16xf32>,
        %mul3A_369 = arith.mulf %get3A_368, %gather3A_316 : vector<16xf32>
        %swap3A_370 = arith.index_cast %add3A_311 : i32 to index
        %swap3A_371 = arith.constant 112 : index
        %swap3A_372 = tpu.vector_load %arg13[%swap3A_370, %swap3A_371] {strides = array<i32>} : memref<128x128xf32, #tpu.memory_space<vmem>>, vector<16xf32>,
        tpu.vector_store %arg13[%swap3A_370, %swap3A_371], %mul3A_369 {strides = array<i32>} : memref<128x128xf32, #tpu.memory_space<vmem>>, vector<16xf32>,
        %mul3A_373 = arith.constant 8 : i32
        %mul3A_374 = arith.muli %scan3A_116, %mul3A_373 : i32
        %add3A_375 = arith.constant 4 : i32
        %add3A_376 = arith.addi %mul3A_374, %add3A_375 : i32
        %broadcast_in_dim3A_377 = arith.constant 0 : i32
        %broadcast_in_dim3A_378 = vector.broadcast %broadcast_in_dim3A_377 : i32 to vector<16xi32>
        %add3A_379 = vector.broadcast %add3A_376 : i32 to vector<16xi32>
        %add3A_380 = arith.addi %broadcast_in_dim3A_378, %add3A_379 : vector<16xi32>
        %gather3A_381 = tpu.vector_load_idx %arg11[%add3A_380] : memref<128xf32, #tpu.memory_space<vmem>>[vector<16xi32>], vector<16xf32>,
        %get3A_382 = arith.index_cast %add3A_376 : i32 to index
        %get3A_383 = arith.constant 0 : index
        %get3A_384 = tpu.vector_load %arg13[%get3A_382, %get3A_383] {strides = array<i32>} : memref<128x128xf32, #tpu.memory_space<vmem>>, vector<16xf32>,
        %mul3A_385 = arith.mulf %get3A_384, %gather3A_381 : vector<16xf32>
        %swap3A_386 = arith.index_cast %add3A_376 : i32 to index
        %swap3A_387 = arith.constant 0 : index
        %swap3A_388 = tpu.vector_load %arg13[%swap3A_386, %swap3A_387] {strides = array<i32>} : memref<128x128xf32, #tpu.memory_space<vmem>>, vector<16xf32>,
        tpu.vector_store %arg13[%swap3A_386, %swap3A_387], %mul3A_385 {strides = array<i32>} : memref<128x128xf32, #tpu.memory_space<vmem>>, vector<16xf32>,
        %get3A_389 = arith.index_cast %add3A_376 : i32 to index
        %get3A_390 = arith.constant 16 : index
        %get3A_391 = tpu.vector_load %arg13[%get3A_389, %get3A_390] {strides = array<i32>} : memref<128x128xf32, #tpu.memory_space<vmem>>, vector<16xf32>,
        %mul3A_392 = arith.mulf %get3A_391, %gather3A_381 : vector<16xf32>
        %swap3A_393 = arith.index_cast %add3A_376 : i32 to index
        %swap3A_394 = arith.constant 16 : index
        %swap3A_395 = tpu.vector_load %arg13[%swap3A_393, %swap3A_394] {strides = array<i32>} : memref<128x128xf32, #tpu.memory_space<vmem>>, vector<16xf32>,
        tpu.vector_store %arg13[%swap3A_393, %swap3A_394], %mul3A_392 {strides = array<i32>} : memref<128x128xf32, #tpu.memory_space<vmem>>, vector<16xf32>,
        %get3A_396 = arith.index_cast %add3A_376 : i32 to index
        %get3A_397 = arith.constant 32 : index
        %get3A_398 = tpu.vector_load %arg13[%get3A_396, %get3A_397] {strides = array<i32>} : memref<128x128xf32, #tpu.memory_space<vmem>>, vector<16xf32>,
        %mul3A_399 = arith.mulf %get3A_398, %gather3A_381 : vector<16xf32>
        %swap3A_400 = arith.index_cast %add3A_376 : i32 to index
        %swap3A_401 = arith.constant 32 : index
        %swap3A_402 = tpu.vector_load %arg13[%swap3A_400, %swap3A_401] {strides = array<i32>} : memref<128x128xf32, #tpu.memory_space<vmem>>, vector<16xf32>,
        tpu.vector_store %arg13[%swap3A_400, %swap3A_401], %mul3A_399 {strides = array<i32>} : memref<128x128xf32, #tpu.memory_space<vmem>>, vector<16xf32>,
        %get3A_403 = arith.index_cast %add3A_376 : i32 to index
        %get3A_404 = arith.constant 48 : index
        %get3A_405 = tpu.vector_load %arg13[%get3A_403, %get3A_404] {strides = array<i32>} : memref<128x128xf32, #tpu.memory_space<vmem>>, vector<16xf32>,
        %mul3A_406 = arith.mulf %get3A_405, %gather3A_381 : vector<16xf32>
        %swap3A_407 = arith.index_cast %add3A_376 : i32 to index
        %swap3A_408 = arith.constant 48 : index
        %swap3A_409 = tpu.vector_load %arg13[%swap3A_407, %swap3A_408] {strides = array<i32>} : memref<128x128xf32, #tpu.memory_space<vmem>>, vector<16xf32>,
        tpu.vector_store %arg13[%swap3A_407, %swap3A_408], %mul3A_406 {strides = array<i32>} : memref<128x128xf32, #tpu.memory_space<vmem>>, vector<16xf32>,
        %get3A_410 = arith.index_cast %add3A_376 : i32 to index
        %get3A_411 = arith.constant 64 : index
        %get3A_412 = tpu.vector_load %arg13[%get3A_410, %get3A_411] {strides = array<i32>} : memref<128x128xf32, #tpu.memory_space<vmem>>, vector<16xf32>,
        %mul3A_413 = arith.mulf %get3A_412, %gather3A_381 : vector<16xf32>
        %swap3A_414 = arith.index_cast %add3A_376 : i32 to index
        %swap3A_415 = arith.constant 64 : index
        %swap3A_416 = tpu.vector_load %arg13[%swap3A_414, %swap3A_415] {strides = array<i32>} : memref<128x128xf32, #tpu.memory_space<vmem>>, vector<16xf32>,
        tpu.vector_store %arg13[%swap3A_414, %swap3A_415], %mul3A_413 {strides = array<i32>} : memref<128x128xf32, #tpu.memory_space<vmem>>, vector<16xf32>,
        %get3A_417 = arith.index_cast %add3A_376 : i32 to index
        %get3A_418 = arith.constant 80 : index
        %get3A_419 = tpu.vector_load %arg13[%get3A_417, %get3A_418] {strides = array<i32>} : memref<128x128xf32, #tpu.memory_space<vmem>>, vector<16xf32>,
        %mul3A_420 = arith.mulf %get3A_419, %gather3A_381 : vector<16xf32>
        %swap3A_421 = arith.index_cast %add3A_376 : i32 to index
        %swap3A_422 = arith.constant 80 : index
        %swap3A_423 = tpu.vector_load %arg13[%swap3A_421, %swap3A_422] {strides = array<i32>} : memref<128x128xf32, #tpu.memory_space<vmem>>, vector<16xf32>,
        tpu.vector_store %arg13[%swap3A_421, %swap3A_422], %mul3A_420 {strides = array<i32>} : memref<128x128xf32, #tpu.memory_space<vmem>>, vector<16xf32>,
        %get3A_424 = arith.index_cast %add3A_376 : i32 to index
        %get3A_425 = arith.constant 96 : index
        %get3A_426 = tpu.vector_load %arg13[%get3A_424, %get3A_425] {strides = array<i32>} : memref<128x128xf32, #tpu.memory_space<vmem>>, vector<16xf32>,
        %mul3A_427 = arith.mulf %get3A_426, %gather3A_381 : vector<16xf32>
        %swap3A_428 = arith.index_cast %add3A_376 : i32 to index
        %swap3A_429 = arith.constant 96 : index
        %swap3A_430 = tpu.vector_load %arg13[%swap3A_428, %swap3A_429] {strides = array<i32>} : memref<128x128xf32, #tpu.memory_space<vmem>>, vector<16xf32>,
        tpu.vector_store %arg13[%swap3A_428, %swap3A_429], %mul3A_427 {strides = array<i32>} : memref<128x128xf32, #tpu.memory_space<vmem>>, vector<16xf32>,
        %get3A_431 = arith.index_cast %add3A_376 : i32 to index
        %get3A_432 = arith.constant 112 : index
        %get3A_433 = tpu.vector_load %arg13[%get3A_431, %get3A_432] {strides = array<i32>} : memref<128x128xf32, #tpu.memory_space<vmem>>, vector<16xf32>,
        %mul3A_434 = arith.mulf %get3A_433, %gather3A_381 : vector<16xf32>
        %swap3A_435 = arith.index_cast %add3A_376 : i32 to index
        %swap3A_436 = arith.constant 112 : index
        %swap3A_437 = tpu.vector_load %arg13[%swap3A_435, %swap3A_436] {strides = array<i32>} : memref<128x128xf32, #tpu.memory_space<vmem>>, vector<16xf32>,
        tpu.vector_store %arg13[%swap3A_435, %swap3A_436], %mul3A_434 {strides = array<i32>} : memref<128x128xf32, #tpu.memory_space<vmem>>, vector<16xf32>,
        %mul3A_438 = arith.constant 8 : i32
        %mul3A_439 = arith.muli %scan3A_116, %mul3A_438 : i32
        %add3A_440 = arith.constant 5 : i32
        %add3A_441 = arith.addi %mul3A_439, %add3A_440 : i32
        %broadcast_in_dim3A_442 = arith.constant 0 : i32
        %broadcast_in_dim3A_443 = vector.broadcast %broadcast_in_dim3A_442 : i32 to vector<16xi32>
        %add3A_444 = vector.broadcast %add3A_441 : i32 to vector<16xi32>
        %add3A_445 = arith.addi %broadcast_in_dim3A_443, %add3A_444 : vector<16xi32>
        %gather3A_446 = tpu.vector_load_idx %arg11[%add3A_445] : memref<128xf32, #tpu.memory_space<vmem>>[vector<16xi32>], vector<16xf32>,
        %get3A_447 = arith.index_cast %add3A_441 : i32 to index
        %get3A_448 = arith.constant 0 : index
        %get3A_449 = tpu.vector_load %arg13[%get3A_447, %get3A_448] {strides = array<i32>} : memref<128x128xf32, #tpu.memory_space<vmem>>, vector<16xf32>,
        %mul3A_450 = arith.mulf %get3A_449, %gather3A_446 : vector<16xf32>
        %swap3A_451 = arith.index_cast %add3A_441 : i32 to index
        %swap3A_452 = arith.constant 0 : index
        %swap3A_453 = tpu.vector_load %arg13[%swap3A_451, %swap3A_452] {strides = array<i32>} : memref<128x128xf32, #tpu.memory_space<vmem>>, vector<16xf32>,
        tpu.vector_store %arg13[%swap3A_451, %swap3A_452], %mul3A_450 {strides = array<i32>} : memref<128x128xf32, #tpu.memory_space<vmem>>, vector<16xf32>,
        %get3A_454 = arith.index_cast %add3A_441 : i32 to index
        %get3A_455 = arith.constant 16 : index
        %get3A_456 = tpu.vector_load %arg13[%get3A_454, %get3A_455] {strides = array<i32>} : memref<128x128xf32, #tpu.memory_space<vmem>>, vector<16xf32>,
        %mul3A_457 = arith.mulf %get3A_456, %gather3A_446 : vector<16xf32>
        %swap3A_458 = arith.index_cast %add3A_441 : i32 to index
        %swap3A_459 = arith.constant 16 : index
        %swap3A_460 = tpu.vector_load %arg13[%swap3A_458, %swap3A_459] {strides = array<i32>} : memref<128x128xf32, #tpu.memory_space<vmem>>, vector<16xf32>,
        tpu.vector_store %arg13[%swap3A_458, %swap3A_459], %mul3A_457 {strides = array<i32>} : memref<128x128xf32, #tpu.memory_space<vmem>>, vector<16xf32>,
        %get3A_461 = arith.index_cast %add3A_441 : i32 to index
        %get3A_462 = arith.constant 32 : index
        %get3A_463 = tpu.vector_load %arg13[%get3A_461, %get3A_462] {strides = array<i32>} : memref<128x128xf32, #tpu.memory_space<vmem>>, vector<16xf32>,
        %mul3A_464 = arith.mulf %get3A_463, %gather3A_446 : vector<16xf32>
        %swap3A_465 = arith.index_cast %add3A_441 : i32 to index
        %swap3A_466 = arith.constant 32 : index
        %swap3A_467 = tpu.vector_load %arg13[%swap3A_465, %swap3A_466] {strides = array<i32>} : memref<128x128xf32, #tpu.memory_space<vmem>>, vector<16xf32>,
        tpu.vector_store %arg13[%swap3A_465, %swap3A_466], %mul3A_464 {strides = array<i32>} : memref<128x128xf32, #tpu.memory_space<vmem>>, vector<16xf32>,
        %get3A_468 = arith.index_cast %add3A_441 : i32 to index
        %get3A_469 = arith.constant 48 : index
        %get3A_470 = tpu.vector_load %arg13[%get3A_468, %get3A_469] {strides = array<i32>} : memref<128x128xf32, #tpu.memory_space<vmem>>, vector<16xf32>,
        %mul3A_471 = arith.mulf %get3A_470, %gather3A_446 : vector<16xf32>
        %swap3A_472 = arith.index_cast %add3A_441 : i32 to index
        %swap3A_473 = arith.constant 48 : index
        %swap3A_474 = tpu.vector_load %arg13[%swap3A_472, %swap3A_473] {strides = array<i32>} : memref<128x128xf32, #tpu.memory_space<vmem>>, vector<16xf32>,
        tpu.vector_store %arg13[%swap3A_472, %swap3A_473], %mul3A_471 {strides = array<i32>} : memref<128x128xf32, #tpu.memory_space<vmem>>, vector<16xf32>,
        %get3A_475 = arith.index_cast %add3A_441 : i32 to index
        %get3A_476 = arith.constant 64 : index
        %get3A_477 = tpu.vector_load %arg13[%get3A_475, %get3A_476] {strides = array<i32>} : memref<128x128xf32, #tpu.memory_space<vmem>>, vector<16xf32>,
        %mul3A_478 = arith.mulf %get3A_477, %gather3A_446 : vector<16xf32>
        %swap3A_479 = arith.index_cast %add3A_441 : i32 to index
        %swap3A_480 = arith.constant 64 : index
        %swap3A_481 = tpu.vector_load %arg13[%swap3A_479, %swap3A_480] {strides = array<i32>} : memref<128x128xf32, #tpu.memory_space<vmem>>, vector<16xf32>,
        tpu.vector_store %arg13[%swap3A_479, %swap3A_480], %mul3A_478 {strides = array<i32>} : memref<128x128xf32, #tpu.memory_space<vmem>>, vector<16xf32>,
        %get3A_482 = arith.index_cast %add3A_441 : i32 to index
        %get3A_483 = arith.constant 80 : index
        %get3A_484 = tpu.vector_load %arg13[%get3A_482, %get3A_483] {strides = array<i32>} : memref<128x128xf32, #tpu.memory_space<vmem>>, vector<16xf32>,
        %mul3A_485 = arith.mulf %get3A_484, %gather3A_446 : vector<16xf32>
        %swap3A_486 = arith.index_cast %add3A_441 : i32 to index
        %swap3A_487 = arith.constant 80 : index
        %swap3A_488 = tpu.vector_load %arg13[%swap3A_486, %swap3A_487] {strides = array<i32>} : memref<128x128xf32, #tpu.memory_space<vmem>>, vector<16xf32>,
        tpu.vector_store %arg13[%swap3A_486, %swap3A_487], %mul3A_485 {strides = array<i32>} : memref<128x128xf32, #tpu.memory_space<vmem>>, vector<16xf32>,
        %get3A_489 = arith.index_cast %add3A_441 : i32 to index
        %get3A_490 = arith.constant 96 : index
        %get3A_491 = tpu.vector_load %arg13[%get3A_489, %get3A_490] {strides = array<i32>} : memref<128x128xf32, #tpu.memory_space<vmem>>, vector<16xf32>,
        %mul3A_492 = arith.mulf %get3A_491, %gather3A_446 : vector<16xf32>
        %swap3A_493 = arith.index_cast %add3A_441 : i32 to index
        %swap3A_494 = arith.constant 96 : index
        %swap3A_495 = tpu.vector_load %arg13[%swap3A_493, %swap3A_494] {strides = array<i32>} : memref<128x128xf32, #tpu.memory_space<vmem>>, vector<16xf32>,
        tpu.vector_store %arg13[%swap3A_493, %swap3A_494], %mul3A_492 {strides = array<i32>} : memref<128x128xf32, #tpu.memory_space<vmem>>, vector<16xf32>,
        %get3A_496 = arith.index_cast %add3A_441 : i32 to index
        %get3A_497 = arith.constant 112 : index
        %get3A_498 = tpu.vector_load %arg13[%get3A_496, %get3A_497] {strides = array<i32>} : memref<128x128xf32, #tpu.memory_space<vmem>>, vector<16xf32>,
        %mul3A_499 = arith.mulf %get3A_498, %gather3A_446 : vector<16xf32>
        %swap3A_500 = arith.index_cast %add3A_441 : i32 to index
        %swap3A_501 = arith.constant 112 : index
        %swap3A_502 = tpu.vector_load %arg13[%swap3A_500, %swap3A_501] {strides = array<i32>} : memref<128x128xf32, #tpu.memory_space<vmem>>, vector<16xf32>,
        tpu.vector_store %arg13[%swap3A_500, %swap3A_501], %mul3A_499 {strides = array<i32>} : memref<128x128xf32, #tpu.memory_space<vmem>>, vector<16xf32>,
        %mul3A_503 = arith.constant 8 : i32
        %mul3A_504 = arith.muli %scan3A_116, %mul3A_503 : i32
        %add3A_505 = arith.constant 6 : i32
        %add3A_506 = arith.addi %mul3A_504, %add3A_505 : i32
        %broadcast_in_dim3A_507 = arith.constant 0 : i32
        %broadcast_in_dim3A_508 = vector.broadcast %broadcast_in_dim3A_507 : i32 to vector<16xi32>
        %add3A_509 = vector.broadcast %add3A_506 : i32 to vector<16xi32>
        %add3A_510 = arith.addi %broadcast_in_dim3A_508, %add3A_509 : vector<16xi32>
        %gather3A_511 = tpu.vector_load_idx %arg11[%add3A_510] : memref<128xf32, #tpu.memory_space<vmem>>[vector<16xi32>], vector<16xf32>,
        %get3A_512 = arith.index_cast %add3A_506 : i32 to index
        %get3A_513 = arith.constant 0 : index
        %get3A_514 = tpu.vector_load %arg13[%get3A_512, %get3A_513] {strides = array<i32>} : memref<128x128xf32, #tpu.memory_space<vmem>>, vector<16xf32>,
        %mul3A_515 = arith.mulf %get3A_514, %gather3A_511 : vector<16xf32>
        %swap3A_516 = arith.index_cast %add3A_506 : i32 to index
        %swap3A_517 = arith.constant 0 : index
        %swap3A_518 = tpu.vector_load %arg13[%swap3A_516, %swap3A_517] {strides = array<i32>} : memref<128x128xf32, #tpu.memory_space<vmem>>, vector<16xf32>,
        tpu.vector_store %arg13[%swap3A_516, %swap3A_517], %mul3A_515 {strides = array<i32>} : memref<128x128xf32, #tpu.memory_space<vmem>>, vector<16xf32>,
        %get3A_519 = arith.index_cast %add3A_506 : i32 to index
        %get3A_520 = arith.constant 16 : index
        %get3A_521 = tpu.vector_load %arg13[%get3A_519, %get3A_520] {strides = array<i32>} : memref<128x128xf32, #tpu.memory_space<vmem>>, vector<16xf32>,
        %mul3A_522 = arith.mulf %get3A_521, %gather3A_511 : vector<16xf32>
        %swap3A_523 = arith.index_cast %add3A_506 : i32 to index
        %swap3A_524 = arith.constant 16 : index
        %swap3A_525 = tpu.vector_load %arg13[%swap3A_523, %swap3A_524] {strides = array<i32>} : memref<128x128xf32, #tpu.memory_space<vmem>>, vector<16xf32>,
        tpu.vector_store %arg13[%swap3A_523, %swap3A_524], %mul3A_522 {strides = array<i32>} : memref<128x128xf32, #tpu.memory_space<vmem>>, vector<16xf32>,
        %get3A_526 = arith.index_cast %add3A_506 : i32 to index
        %get3A_527 = arith.constant 32 : index
        %get3A_528 = tpu.vector_load %arg13[%get3A_526, %get3A_527] {strides = array<i32>} : memref<128x128xf32, #tpu.memory_space<vmem>>, vector<16xf32>,
        %mul3A_529 = arith.mulf %get3A_528, %gather3A_511 : vector<16xf32>
        %swap3A_530 = arith.index_cast %add3A_506 : i32 to index
        %swap3A_531 = arith.constant 32 : index
        %swap3A_532 = tpu.vector_load %arg13[%swap3A_530, %swap3A_531] {strides = array<i32>} : memref<128x128xf32, #tpu.memory_space<vmem>>, vector<16xf32>,
        tpu.vector_store %arg13[%swap3A_530, %swap3A_531], %mul3A_529 {strides = array<i32>} : memref<128x128xf32, #tpu.memory_space<vmem>>, vector<16xf32>,
        %get3A_533 = arith.index_cast %add3A_506 : i32 to index
        %get3A_534 = arith.constant 48 : index
        %get3A_535 = tpu.vector_load %arg13[%get3A_533, %get3A_534] {strides = array<i32>} : memref<128x128xf32, #tpu.memory_space<vmem>>, vector<16xf32>,
        %mul3A_536 = arith.mulf %get3A_535, %gather3A_511 : vector<16xf32>
        %swap3A_537 = arith.index_cast %add3A_506 : i32 to index
        %swap3A_538 = arith.constant 48 : index
        %swap3A_539 = tpu.vector_load %arg13[%swap3A_537, %swap3A_538] {strides = array<i32>} : memref<128x128xf32, #tpu.memory_space<vmem>>, vector<16xf32>,
        tpu.vector_store %arg13[%swap3A_537, %swap3A_538], %mul3A_536 {strides = array<i32>} : memref<128x128xf32, #tpu.memory_space<vmem>>, vector<16xf32>,
        %get3A_540 = arith.index_cast %add3A_506 : i32 to index
        %get3A_541 = arith.constant 64 : index
        %get3A_542 = tpu.vector_load %arg13[%get3A_540, %get3A_541] {strides = array<i32>} : memref<128x128xf32, #tpu.memory_space<vmem>>, vector<16xf32>,
        %mul3A_543 = arith.mulf %get3A_542, %gather3A_511 : vector<16xf32>
        %swap3A_544 = arith.index_cast %add3A_506 : i32 to index
        %swap3A_545 = arith.constant 64 : index
        %swap3A_546 = tpu.vector_load %arg13[%swap3A_544, %swap3A_545] {strides = array<i32>} : memref<128x128xf32, #tpu.memory_space<vmem>>, vector<16xf32>,
        tpu.vector_store %arg13[%swap3A_544, %swap3A_545], %mul3A_543 {strides = array<i32>} : memref<128x128xf32, #tpu.memory_space<vmem>>, vector<16xf32>,
        %get3A_547 = arith.index_cast %add3A_506 : i32 to index
        %get3A_548 = arith.constant 80 : index
        %get3A_549 = tpu.vector_load %arg13[%get3A_547, %get3A_548] {strides = array<i32>} : memref<128x128xf32, #tpu.memory_space<vmem>>, vector<16xf32>,
        %mul3A_550 = arith.mulf %get3A_549, %gather3A_511 : vector<16xf32>
        %swap3A_551 = arith.index_cast %add3A_506 : i32 to index
        %swap3A_552 = arith.constant 80 : index
        %swap3A_553 = tpu.vector_load %arg13[%swap3A_551, %swap3A_552] {strides = array<i32>} : memref<128x128xf32, #tpu.memory_space<vmem>>, vector<16xf32>,
        tpu.vector_store %arg13[%swap3A_551, %swap3A_552], %mul3A_550 {strides = array<i32>} : memref<128x128xf32, #tpu.memory_space<vmem>>, vector<16xf32>,
        %get3A_554 = arith.index_cast %add3A_506 : i32 to index
        %get3A_555 = arith.constant 96 : index
        %get3A_556 = tpu.vector_load %arg13[%get3A_554, %get3A_555] {strides = array<i32>} : memref<128x128xf32, #tpu.memory_space<vmem>>, vector<16xf32>,
        %mul3A_557 = arith.mulf %get3A_556, %gather3A_511 : vector<16xf32>
        %swap3A_558 = arith.index_cast %add3A_506 : i32 to index
        %swap3A_559 = arith.constant 96 : index
        %swap3A_560 = tpu.vector_load %arg13[%swap3A_558, %swap3A_559] {strides = array<i32>} : memref<128x128xf32, #tpu.memory_space<vmem>>, vector<16xf32>,
        tpu.vector_store %arg13[%swap3A_558, %swap3A_559], %mul3A_557 {strides = array<i32>} : memref<128x128xf32, #tpu.memory_space<vmem>>, vector<16xf32>,
        %get3A_561 = arith.index_cast %add3A_506 : i32 to index
        %get3A_562 = arith.constant 112 : index
        %get3A_563 = tpu.vector_load %arg13[%get3A_561, %get3A_562] {strides = array<i32>} : memref<128x128xf32, #tpu.memory_space<vmem>>, vector<16xf32>,
        %mul3A_564 = arith.mulf %get3A_563, %gather3A_511 : vector<16xf32>
        %swap3A_565 = arith.index_cast %add3A_506 : i32 to index
        %swap3A_566 = arith.constant 112 : index
        %swap3A_567 = tpu.vector_load %arg13[%swap3A_565, %swap3A_566] {strides = array<i32>} : memref<128x128xf32, #tpu.memory_space<vmem>>, vector<16xf32>,
        tpu.vector_store %arg13[%swap3A_565, %swap3A_566], %mul3A_564 {strides = array<i32>} : memref<128x128xf32, #tpu.memory_space<vmem>>, vector<16xf32>,
        %mul3A_568 = arith.constant 8 : i32
        %mul3A_569 = arith.muli %scan3A_116, %mul3A_568 : i32
        %add3A_570 = arith.constant 7 : i32
        %add3A_571 = arith.addi %mul3A_569, %add3A_570 : i32
        %broadcast_in_dim3A_572 = arith.constant 0 : i32
        %broadcast_in_dim3A_573 = vector.broadcast %broadcast_in_dim3A_572 : i32 to vector<16xi32>
        %add3A_574 = vector.broadcast %add3A_571 : i32 to vector<16xi32>
        %add3A_575 = arith.addi %broadcast_in_dim3A_573, %add3A_574 : vector<16xi32>
        %gather3A_576 = tpu.vector_load_idx %arg11[%add3A_575] : memref<128xf32, #tpu.memory_space<vmem>>[vector<16xi32>], vector<16xf32>,
        %get3A_577 = arith.index_cast %add3A_571 : i32 to index
        %get3A_578 = arith.constant 0 : index
        %get3A_579 = tpu.vector_load %arg13[%get3A_577, %get3A_578] {strides = array<i32>} : memref<128x128xf32, #tpu.memory_space<vmem>>, vector<16xf32>,
        %mul3A_580 = arith.mulf %get3A_579, %gather3A_576 : vector<16xf32>
        %swap3A_581 = arith.index_cast %add3A_571 : i32 to index
        %swap3A_582 = arith.constant 0 : index
        %swap3A_583 = tpu.vector_load %arg13[%swap3A_581, %swap3A_582] {strides = array<i32>} : memref<128x128xf32, #tpu.memory_space<vmem>>, vector<16xf32>,
        tpu.vector_store %arg13[%swap3A_581, %swap3A_582], %mul3A_580 {strides = array<i32>} : memref<128x128xf32, #tpu.memory_space<vmem>>, vector<16xf32>,
        %get3A_584 = arith.index_cast %add3A_571 : i32 to index
        %get3A_585 = arith.constant 16 : index
        %get3A_586 = tpu.vector_load %arg13[%get3A_584, %get3A_585] {strides = array<i32>} : memref<128x128xf32, #tpu.memory_space<vmem>>, vector<16xf32>,
        %mul3A_587 = arith.mulf %get3A_586, %gather3A_576 : vector<16xf32>
        %swap3A_588 = arith.index_cast %add3A_571 : i32 to index
        %swap3A_589 = arith.constant 16 : index
        %swap3A_590 = tpu.vector_load %arg13[%swap3A_588, %swap3A_589] {strides = array<i32>} : memref<128x128xf32, #tpu.memory_space<vmem>>, vector<16xf32>,
        tpu.vector_store %arg13[%swap3A_588, %swap3A_589], %mul3A_587 {strides = array<i32>} : memref<128x128xf32, #tpu.memory_space<vmem>>, vector<16xf32>,
        %get3A_591 = arith.index_cast %add3A_571 : i32 to index
        %get3A_592 = arith.constant 32 : index
        %get3A_593 = tpu.vector_load %arg13[%get3A_591, %get3A_592] {strides = array<i32>} : memref<128x128xf32, #tpu.memory_space<vmem>>, vector<16xf32>,
        %mul3A_594 = arith.mulf %get3A_593, %gather3A_576 : vector<16xf32>
        %swap3A_595 = arith.index_cast %add3A_571 : i32 to index
        %swap3A_596 = arith.constant 32 : index
        %swap3A_597 = tpu.vector_load %arg13[%swap3A_595, %swap3A_596] {strides = array<i32>} : memref<128x128xf32, #tpu.memory_space<vmem>>, vector<16xf32>,
        tpu.vector_store %arg13[%swap3A_595, %swap3A_596], %mul3A_594 {strides = array<i32>} : memref<128x128xf32, #tpu.memory_space<vmem>>, vector<16xf32>,
        %get3A_598 = arith.index_cast %add3A_571 : i32 to index
        %get3A_599 = arith.constant 48 : index
        %get3A_600 = tpu.vector_load %arg13[%get3A_598, %get3A_599] {strides = array<i32>} : memref<128x128xf32, #tpu.memory_space<vmem>>, vector<16xf32>,
        %mul3A_601 = arith.mulf %get3A_600, %gather3A_576 : vector<16xf32>
        %swap3A_602 = arith.index_cast %add3A_571 : i32 to index
        %swap3A_603 = arith.constant 48 : index
        %swap3A_604 = tpu.vector_load %arg13[%swap3A_602, %swap3A_603] {strides = array<i32>} : memref<128x128xf32, #tpu.memory_space<vmem>>, vector<16xf32>,
        tpu.vector_store %arg13[%swap3A_602, %swap3A_603], %mul3A_601 {strides = array<i32>} : memref<128x128xf32, #tpu.memory_space<vmem>>, vector<16xf32>,
        %get3A_605 = arith.index_cast %add3A_571 : i32 to index
        %get3A_606 = arith.constant 64 : index
        %get3A_607 = tpu.vector_load %arg13[%get3A_605, %get3A_606] {strides = array<i32>} : memref<128x128xf32, #tpu.memory_space<vmem>>, vector<16xf32>,
        %mul3A_608 = arith.mulf %get3A_607, %gather3A_576 : vector<16xf32>
        %swap3A_609 = arith.index_cast %add3A_571 : i32 to index
        %swap3A_610 = arith.constant 64 : index
        %swap3A_611 = tpu.vector_load %arg13[%swap3A_609, %swap3A_610] {strides = array<i32>} : memref<128x128xf32, #tpu.memory_space<vmem>>, vector<16xf32>,
        tpu.vector_store %arg13[%swap3A_609, %swap3A_610], %mul3A_608 {strides = array<i32>} : memref<128x128xf32, #tpu.memory_space<vmem>>, vector<16xf32>,
        %get3A_612 = arith.index_cast %add3A_571 : i32 to index
        %get3A_613 = arith.constant 80 : index
        %get3A_614 = tpu.vector_load %arg13[%get3A_612, %get3A_613] {strides = array<i32>} : memref<128x128xf32, #tpu.memory_space<vmem>>, vector<16xf32>,
        %mul3A_615 = arith.mulf %get3A_614, %gather3A_576 : vector<16xf32>
        %swap3A_616 = arith.index_cast %add3A_571 : i32 to index
        %swap3A_617 = arith.constant 80 : index
        %swap3A_618 = tpu.vector_load %arg13[%swap3A_616, %swap3A_617] {strides = array<i32>} : memref<128x128xf32, #tpu.memory_space<vmem>>, vector<16xf32>,
        tpu.vector_store %arg13[%swap3A_616, %swap3A_617], %mul3A_615 {strides = array<i32>} : memref<128x128xf32, #tpu.memory_space<vmem>>, vector<16xf32>,
        %get3A_619 = arith.index_cast %add3A_571 : i32 to index
        %get3A_620 = arith.constant 96 : index
        %get3A_621 = tpu.vector_load %arg13[%get3A_619, %get3A_620] {strides = array<i32>} : memref<128x128xf32, #tpu.memory_space<vmem>>, vector<16xf32>,
        %mul3A_622 = arith.mulf %get3A_621, %gather3A_576 : vector<16xf32>
        %swap3A_623 = arith.index_cast %add3A_571 : i32 to index
        %swap3A_624 = arith.constant 96 : index
        %swap3A_625 = tpu.vector_load %arg13[%swap3A_623, %swap3A_624] {strides = array<i32>} : memref<128x128xf32, #tpu.memory_space<vmem>>, vector<16xf32>,
        tpu.vector_store %arg13[%swap3A_623, %swap3A_624], %mul3A_622 {strides = array<i32>} : memref<128x128xf32, #tpu.memory_space<vmem>>, vector<16xf32>,
        %get3A_626 = arith.index_cast %add3A_571 : i32 to index
        %get3A_627 = arith.constant 112 : index
        %get3A_628 = tpu.vector_load %arg13[%get3A_626, %get3A_627] {strides = array<i32>} : memref<128x128xf32, #tpu.memory_space<vmem>>, vector<16xf32>,
        %mul3A_629 = arith.mulf %get3A_628, %gather3A_576 : vector<16xf32>
        %swap3A_630 = arith.index_cast %add3A_571 : i32 to index
        %swap3A_631 = arith.constant 112 : index
        %swap3A_632 = tpu.vector_load %arg13[%swap3A_630, %swap3A_631] {strides = array<i32>} : memref<128x128xf32, #tpu.memory_space<vmem>>, vector<16xf32>,
        tpu.vector_store %arg13[%swap3A_630, %swap3A_631], %mul3A_629 {strides = array<i32>} : memref<128x128xf32, #tpu.memory_space<vmem>>, vector<16xf32>,
      }
      %scan3A_72 = arith.constant 16 : i32
      %dma_start3A_73 = arith.constant 0 : i32
      %dma_start3A_74 = arith.constant 0 : i32
      %dma_start3A_75 = tpu.memref_slice %arg15[%dma_start3A_73, %dma_start3A_74] : memref<10240x128xf32, #tpu.memory_space<vmem_shared>> -> memref<10240x128xf32, #tpu.memory_space<vmem_shared>>
      tpu.enqueue_indirect_dma source(%arg13 : memref<128x128xf32, #tpu.memory_space<vmem>>) target(%dma_start3A_75 : memref<10240x128xf32, #tpu.memory_space<vmem_shared>>) offsets(%arg9 : memref<128xi32, #tpu.memory_space<vmem>>) semaphore(%arg20 : memref<!tpu.dma_semaphore, #tpu.memory_space<semaphore_mem>>) {add = true}
      %mul3A_76 = arith.constant 2 : i32
      %mul3A_77 = arith.muli %scan3A_40, %mul3A_76 : i32
      %add3A_78 = arith.constant 1 : i32
      %add3A_79 = arith.addi %mul3A_77, %add3A_78 : i32
      %add3A_80 = arith.constant 1 : i32
      %add3A_81 = arith.addi %add3A_79, %add3A_80 : i32
      %lt3A_82 = arith.constant 80 : i32
      %lt3A_83 = arith.cmpi slt, %add3A_81, %lt3A_82 : i32
      %convert_element_type3A_84 = arith.extui %lt3A_83 : i1 to i32
      %cond3A_85 = arith.constant 0 : i32
      %cond3A_86 = arith.cmpi ne, %convert_element_type3A_84, %cond3A_85 : i32
      scf.if %cond3A_86 {
        %ge3A = arith.constant 1 : i32
        %ge3A_116 = arith.cmpi sge, %add3A_79, %ge3A : i32
        %convert_element_type3A_117 = arith.extui %ge3A_116 : i1 to i32
        %cond3A_118 = arith.constant 0 : i32
        %cond3A_119 = arith.cmpi ne, %convert_element_type3A_117, %cond3A_118 : i32
        scf.if %cond3A_119 {
          %dma_wait3A_146 = arith.constant 0 : i32
          %dma_wait3A_147 = arith.constant 0 : i32
          %dma_wait3A_148 = tpu.memref_slice %arg15[%dma_wait3A_146, %dma_wait3A_147] : memref<10240x128xf32, #tpu.memory_space<vmem_shared>> -> memref<10240x128xf32, #tpu.memory_space<vmem_shared>>
          tpu.wait_indirect_dma semaphore(%arg20 : memref<!tpu.dma_semaphore, #tpu.memory_space<semaphore_mem>>) src(%arg13 : memref<128x128xf32, #tpu.memory_space<vmem>>) dst(%dma_wait3A_148 : memref<10240x128xf32, #tpu.memory_space<vmem_shared>>)
        } else {
        }
        %add3A_120 = arith.addi %mul3A_2, %add3A_79 : i32
        %add3A_121 = arith.constant 1 : i32
        %add3A_122 = arith.addi %add3A_120, %add3A_121 : i32
        %dma_start3A_123 = arith.constant 0 : i32
        %dma_start3A_124 = tpu.memref_slice %arg5[%add3A_122, %dma_start3A_123] : memref<2560x128xi32, #tpu.memory_space<hbm>> -> memref<1x128xi32, #tpu.memory_space<hbm>>
        %dma_start3A_125 = tpu.memref_squeeze %dma_start3A_124 : memref<1x128xi32, #tpu.memory_space<hbm>> -> memref<128xi32, #tpu.memory_space<hbm>>
        %dma_start3A_126 = arith.constant 0 : i32
        %dma_start3A_127 = tpu.memref_slice %arg5[%add3A_122, %dma_start3A_126] : memref<2560x128xi32, #tpu.memory_space<hbm>> -> memref<1x128xi32, #tpu.memory_space<hbm>>
        %dma_start3A_128 = tpu.memref_squeeze %dma_start3A_127 : memref<1x128xi32, #tpu.memory_space<hbm>> -> memref<128xi32, #tpu.memory_space<hbm>>
        tpu.enqueue_dma source(%dma_start3A_128 : memref<128xi32, #tpu.memory_space<hbm>>) target(%arg9 : memref<128xi32, #tpu.memory_space<vmem>>) target_semaphore(%arg16 : memref<!tpu.dma_semaphore, #tpu.memory_space<semaphore_mem>>)
        %add3A_129 = arith.addi %mul3A_2, %add3A_79 : i32
        %add3A_130 = arith.constant 1 : i32
        %add3A_131 = arith.addi %add3A_129, %add3A_130 : i32
        %dma_start3A_132 = arith.constant 0 : i32
        %dma_start3A_133 = tpu.memref_slice %arg3[%add3A_131, %dma_start3A_132] : memref<2560x128xf32, #tpu.memory_space<hbm>> -> memref<1x128xf32, #tpu.memory_space<hbm>>
        %dma_start3A_134 = tpu.memref_squeeze %dma_start3A_133 : memref<1x128xf32, #tpu.memory_space<hbm>> -> memref<128xf32, #tpu.memory_space<hbm>>
        %dma_start3A_135 = arith.constant 0 : i32
        %dma_start3A_136 = tpu.memref_slice %arg3[%add3A_131, %dma_start3A_135] : memref<2560x128xf32, #tpu.memory_space<hbm>> -> memref<1x128xf32, #tpu.memory_space<hbm>>
        %dma_start3A_137 = tpu.memref_squeeze %dma_start3A_136 : memref<1x128xf32, #tpu.memory_space<hbm>> -> memref<128xf32, #tpu.memory_space<hbm>>
        tpu.enqueue_dma source(%dma_start3A_137 : memref<128xf32, #tpu.memory_space<hbm>>) target(%arg11 : memref<128xf32, #tpu.memory_space<vmem>>) target_semaphore(%arg16 : memref<!tpu.dma_semaphore, #tpu.memory_space<semaphore_mem>>)
        %add3A_138 = arith.constant 1 : i32
        %add3A_139 = arith.addi %add3A_79, %add3A_138 : i32
        %dma_start3A_140 = arith.constant 0 : i32
        %dma_start3A_141 = tpu.memref_slice %arg8[%add3A_139, %dma_start3A_140] : memref<80x128xi32, #tpu.memory_space<vmem>> -> memref<1x128xi32, #tpu.memory_space<vmem>>
        %dma_start3A_142 = tpu.memref_squeeze %dma_start3A_141 : memref<1x128xi32, #tpu.memory_space<vmem>> -> memref<128xi32, #tpu.memory_space<vmem>>
        %dma_start3A_143 = arith.constant 0 : i32
        %dma_start3A_144 = arith.constant 0 : i32
        %dma_start3A_145 = tpu.memref_slice %arg2[%dma_start3A_143, %dma_start3A_144] : memref<10240x128xf32, #tpu.memory_space<hbm>> -> memref<10240x128xf32, #tpu.memory_space<hbm>>
        tpu.enqueue_indirect_dma source(%dma_start3A_145 : memref<10240x128xf32, #tpu.memory_space<hbm>>) target(%arg13 : memref<128x128xf32, #tpu.memory_space<vmem>>) offsets(%dma_start3A_142 : memref<128xi32, #tpu.memory_space<vmem>>) semaphore(%arg18 : memref<!tpu.dma_semaphore, #tpu.memory_space<semaphore_mem>>)
      } else {
      }
      %dma_wait3A_87 = arith.constant 0 : i32
      %dma_wait3A_88 = tpu.memref_slice %arg8[%add3A_79, %dma_wait3A_87] : memref<80x128xi32, #tpu.memory_space<vmem>> -> memref<1x128xi32, #tpu.memory_space<vmem>>
      %dma_wait3A_89 = tpu.memref_squeeze %dma_wait3A_88 : memref<1x128xi32, #tpu.memory_space<vmem>> -> memref<128xi32, #tpu.memory_space<vmem>>
      %dma_wait3A_90 = arith.constant 0 : i32
      %dma_wait3A_91 = arith.constant 0 : i32
      %dma_wait3A_92 = tpu.memref_slice %arg2[%dma_wait3A_90, %dma_wait3A_91] : memref<10240x128xf32, #tpu.memory_space<hbm>> -> memref<10240x128xf32, #tpu.memory_space<hbm>>
      tpu.wait_indirect_dma semaphore(%arg19 : memref<!tpu.dma_semaphore, #tpu.memory_space<semaphore_mem>>) src(%dma_wait3A_92 : memref<10240x128xf32, #tpu.memory_space<hbm>>) dst(%arg14 : memref<128x128xf32, #tpu.memory_space<vmem>>)
      %add3A_93 = arith.addi %mul3A_2, %add3A_79 : i32
      %dma_wait3A_94 = arith.constant 0 : i32
      %dma_wait3A_95 = tpu.memref_slice %arg5[%add3A_93, %dma_wait3A_94] : memref<2560x128xi32, #tpu.memory_space<hbm>> -> memref<1x128xi32, #tpu.memory_space<hbm>>
      %dma_wait3A_96 = tpu.memref_squeeze %dma_wait3A_95 : memref<1x128xi32, #tpu.memory_space<hbm>> -> memref<128xi32, #tpu.memory_space<hbm>>
      %dma_wait3A_97 = arith.constant 0 : i32
      %dma_wait3A_98 = tpu.memref_slice %arg5[%add3A_93, %dma_wait3A_97] : memref<2560x128xi32, #tpu.memory_space<hbm>> -> memref<1x128xi32, #tpu.memory_space<hbm>>
      %dma_wait3A_99 = tpu.memref_squeeze %dma_wait3A_98 : memref<1x128xi32, #tpu.memory_space<hbm>> -> memref<128xi32, #tpu.memory_space<hbm>>
      tpu.wait_dma2 semaphore(%arg17 : memref<!tpu.dma_semaphore, #tpu.memory_space<semaphore_mem>>) src(%dma_wait3A_99 : memref<128xi32, #tpu.memory_space<hbm>>) dst(%arg10 : memref<128xi32, #tpu.memory_space<vmem>>)
      %add3A_100 = arith.addi %mul3A_2, %add3A_79 : i32
      %dma_wait3A_101 = arith.constant 0 : i32
      %dma_wait3A_102 = tpu.memref_slice %arg3[%add3A_100, %dma_wait3A_101] : memref<2560x128xf32, #tpu.memory_space<hbm>> -> memref<1x128xf32, #tpu.memory_space<hbm>>
      %dma_wait3A_103 = tpu.memref_squeeze %dma_wait3A_102 : memref<1x128xf32, #tpu.memory_space<hbm>> -> memref<128xf32, #tpu.memory_space<hbm>>
      %dma_wait3A_104 = arith.constant 0 : i32
      %dma_wait3A_105 = tpu.memref_slice %arg3[%add3A_100, %dma_wait3A_104] : memref<2560x128xf32, #tpu.memory_space<hbm>> -> memref<1x128xf32, #tpu.memory_space<hbm>>
      %dma_wait3A_106 = tpu.memref_squeeze %dma_wait3A_105 : memref<1x128xf32, #tpu.memory_space<hbm>> -> memref<128xf32, #tpu.memory_space<hbm>>
      tpu.wait_dma2 semaphore(%arg17 : memref<!tpu.dma_semaphore, #tpu.memory_space<semaphore_mem>>) src(%dma_wait3A_106 : memref<128xf32, #tpu.memory_space<hbm>>) dst(%arg12 : memref<128xf32, #tpu.memory_space<vmem>>)
      %scan3A_107 = arith.constant 0 : i32
      %scan3A_108 = arith.constant 0 : i32
      %scan3A_109 = arith.constant 16 : i32
      %scan3A_110 = arith.addi %scan3A_108, %scan3A_109 : i32
      %scan3A_111 = arith.constant 1 : i32
      scf.for %scan3A_116 = %scan3A_108 to %scan3A_110 step %scan3A_111  : i32 {
        %mul3A_117 = arith.constant 8 : i32
        %mul3A_118 = arith.muli %scan3A_116, %mul3A_117 : i32
        %add3A_119 = arith.constant 0 : i32
        %add3A_120 = arith.addi %mul3A_118, %add3A_119 : i32
        %broadcast_in_dim3A = arith.constant 0 : i32
        %broadcast_in_dim3A_121 = vector.broadcast %broadcast_in_dim3A : i32 to vector<16xi32>
        %add3A_122 = vector.broadcast %add3A_120 : i32 to vector<16xi32>
        %add3A_123 = arith.addi %broadcast_in_dim3A_121, %add3A_122 : vector<16xi32>
        %gather3A = tpu.vector_load_idx %arg12[%add3A_123] : memref<128xf32, #tpu.memory_space<vmem>>[vector<16xi32>], vector<16xf32>,
        %get3A = arith.index_cast %add3A_120 : i32 to index
        %get3A_124 = arith.constant 0 : index
        %get3A_125 = tpu.vector_load %arg14[%get3A, %get3A_124] {strides = array<i32>} : memref<128x128xf32, #tpu.memory_space<vmem>>, vector<16xf32>,
        %mul3A_126 = arith.mulf %get3A_125, %gather3A : vector<16xf32>
        %swap3A = arith.index_cast %add3A_120 : i32 to index
        %swap3A_127 = arith.constant 0 : index
        %swap3A_128 = tpu.vector_load %arg14[%swap3A, %swap3A_127] {strides = array<i32>} : memref<128x128xf32, #tpu.memory_space<vmem>>, vector<16xf32>,
        tpu.vector_store %arg14[%swap3A, %swap3A_127], %mul3A_126 {strides = array<i32>} : memref<128x128xf32, #tpu.memory_space<vmem>>, vector<16xf32>,
        %get3A_129 = arith.index_cast %add3A_120 : i32 to index
        %get3A_130 = arith.constant 16 : index
        %get3A_131 = tpu.vector_load %arg14[%get3A_129, %get3A_130] {strides = array<i32>} : memref<128x128xf32, #tpu.memory_space<vmem>>, vector<16xf32>,
        %mul3A_132 = arith.mulf %get3A_131, %gather3A : vector<16xf32>
        %swap3A_133 = arith.index_cast %add3A_120 : i32 to index
        %swap3A_134 = arith.constant 16 : index
        %swap3A_135 = tpu.vector_load %arg14[%swap3A_133, %swap3A_134] {strides = array<i32>} : memref<128x128xf32, #tpu.memory_space<vmem>>, vector<16xf32>,
        tpu.vector_store %arg14[%swap3A_133, %swap3A_134], %mul3A_132 {strides = array<i32>} : memref<128x128xf32, #tpu.memory_space<vmem>>, vector<16xf32>,
        %get3A_136 = arith.index_cast %add3A_120 : i32 to index
        %get3A_137 = arith.constant 32 : index
        %get3A_138 = tpu.vector_load %arg14[%get3A_136, %get3A_137] {strides = array<i32>} : memref<128x128xf32, #tpu.memory_space<vmem>>, vector<16xf32>,
        %mul3A_139 = arith.mulf %get3A_138, %gather3A : vector<16xf32>
        %swap3A_140 = arith.index_cast %add3A_120 : i32 to index
        %swap3A_141 = arith.constant 32 : index
        %swap3A_142 = tpu.vector_load %arg14[%swap3A_140, %swap3A_141] {strides = array<i32>} : memref<128x128xf32, #tpu.memory_space<vmem>>, vector<16xf32>,
        tpu.vector_store %arg14[%swap3A_140, %swap3A_141], %mul3A_139 {strides = array<i32>} : memref<128x128xf32, #tpu.memory_space<vmem>>, vector<16xf32>,
        %get3A_143 = arith.index_cast %add3A_120 : i32 to index
        %get3A_144 = arith.constant 48 : index
        %get3A_145 = tpu.vector_load %arg14[%get3A_143, %get3A_144] {strides = array<i32>} : memref<128x128xf32, #tpu.memory_space<vmem>>, vector<16xf32>,
        %mul3A_146 = arith.mulf %get3A_145, %gather3A : vector<16xf32>
        %swap3A_147 = arith.index_cast %add3A_120 : i32 to index
        %swap3A_148 = arith.constant 48 : index
        %swap3A_149 = tpu.vector_load %arg14[%swap3A_147, %swap3A_148] {strides = array<i32>} : memref<128x128xf32, #tpu.memory_space<vmem>>, vector<16xf32>,
        tpu.vector_store %arg14[%swap3A_147, %swap3A_148], %mul3A_146 {strides = array<i32>} : memref<128x128xf32, #tpu.memory_space<vmem>>, vector<16xf32>,
        %get3A_150 = arith.index_cast %add3A_120 : i32 to index
        %get3A_151 = arith.constant 64 : index
        %get3A_152 = tpu.vector_load %arg14[%get3A_150, %get3A_151] {strides = array<i32>} : memref<128x128xf32, #tpu.memory_space<vmem>>, vector<16xf32>,
        %mul3A_153 = arith.mulf %get3A_152, %gather3A : vector<16xf32>
        %swap3A_154 = arith.index_cast %add3A_120 : i32 to index
        %swap3A_155 = arith.constant 64 : index
        %swap3A_156 = tpu.vector_load %arg14[%swap3A_154, %swap3A_155] {strides = array<i32>} : memref<128x128xf32, #tpu.memory_space<vmem>>, vector<16xf32>,
        tpu.vector_store %arg14[%swap3A_154, %swap3A_155], %mul3A_153 {strides = array<i32>} : memref<128x128xf32, #tpu.memory_space<vmem>>, vector<16xf32>,
        %get3A_157 = arith.index_cast %add3A_120 : i32 to index
        %get3A_158 = arith.constant 80 : index
        %get3A_159 = tpu.vector_load %arg14[%get3A_157, %get3A_158] {strides = array<i32>} : memref<128x128xf32, #tpu.memory_space<vmem>>, vector<16xf32>,
        %mul3A_160 = arith.mulf %get3A_159, %gather3A : vector<16xf32>
        %swap3A_161 = arith.index_cast %add3A_120 : i32 to index
        %swap3A_162 = arith.constant 80 : index
        %swap3A_163 = tpu.vector_load %arg14[%swap3A_161, %swap3A_162] {strides = array<i32>} : memref<128x128xf32, #tpu.memory_space<vmem>>, vector<16xf32>,
        tpu.vector_store %arg14[%swap3A_161, %swap3A_162], %mul3A_160 {strides = array<i32>} : memref<128x128xf32, #tpu.memory_space<vmem>>, vector<16xf32>,
        %get3A_164 = arith.index_cast %add3A_120 : i32 to index
        %get3A_165 = arith.constant 96 : index
        %get3A_166 = tpu.vector_load %arg14[%get3A_164, %get3A_165] {strides = array<i32>} : memref<128x128xf32, #tpu.memory_space<vmem>>, vector<16xf32>,
        %mul3A_167 = arith.mulf %get3A_166, %gather3A : vector<16xf32>
        %swap3A_168 = arith.index_cast %add3A_120 : i32 to index
        %swap3A_169 = arith.constant 96 : index
        %swap3A_170 = tpu.vector_load %arg14[%swap3A_168, %swap3A_169] {strides = array<i32>} : memref<128x128xf32, #tpu.memory_space<vmem>>, vector<16xf32>,
        tpu.vector_store %arg14[%swap3A_168, %swap3A_169], %mul3A_167 {strides = array<i32>} : memref<128x128xf32, #tpu.memory_space<vmem>>, vector<16xf32>,
        %get3A_171 = arith.index_cast %add3A_120 : i32 to index
        %get3A_172 = arith.constant 112 : index
        %get3A_173 = tpu.vector_load %arg14[%get3A_171, %get3A_172] {strides = array<i32>} : memref<128x128xf32, #tpu.memory_space<vmem>>, vector<16xf32>,
        %mul3A_174 = arith.mulf %get3A_173, %gather3A : vector<16xf32>
        %swap3A_175 = arith.index_cast %add3A_120 : i32 to index
        %swap3A_176 = arith.constant 112 : index
        %swap3A_177 = tpu.vector_load %arg14[%swap3A_175, %swap3A_176] {strides = array<i32>} : memref<128x128xf32, #tpu.memory_space<vmem>>, vector<16xf32>,
        tpu.vector_store %arg14[%swap3A_175, %swap3A_176], %mul3A_174 {strides = array<i32>} : memref<128x128xf32, #tpu.memory_space<vmem>>, vector<16xf32>,
        %mul3A_178 = arith.constant 8 : i32
        %mul3A_179 = arith.muli %scan3A_116, %mul3A_178 : i32
        %add3A_180 = arith.constant 1 : i32
        %add3A_181 = arith.addi %mul3A_179, %add3A_180 : i32
        %broadcast_in_dim3A_182 = arith.constant 0 : i32
        %broadcast_in_dim3A_183 = vector.broadcast %broadcast_in_dim3A_182 : i32 to vector<16xi32>
        %add3A_184 = vector.broadcast %add3A_181 : i32 to vector<16xi32>
        %add3A_185 = arith.addi %broadcast_in_dim3A_183, %add3A_184 : vector<16xi32>
        %gather3A_186 = tpu.vector_load_idx %arg12[%add3A_185] : memref<128xf32, #tpu.memory_space<vmem>>[vector<16xi32>], vector<16xf32>,
        %get3A_187 = arith.index_cast %add3A_181 : i32 to index
        %get3A_188 = arith.constant 0 : index
        %get3A_189 = tpu.vector_load %arg14[%get3A_187, %get3A_188] {strides = array<i32>} : memref<128x128xf32, #tpu.memory_space<vmem>>, vector<16xf32>,
        %mul3A_190 = arith.mulf %get3A_189, %gather3A_186 : vector<16xf32>
        %swap3A_191 = arith.index_cast %add3A_181 : i32 to index
        %swap3A_192 = arith.constant 0 : index
        %swap3A_193 = tpu.vector_load %arg14[%swap3A_191, %swap3A_192] {strides = array<i32>} : memref<128x128xf32, #tpu.memory_space<vmem>>, vector<16xf32>,
        tpu.vector_store %arg14[%swap3A_191, %swap3A_192], %mul3A_190 {strides = array<i32>} : memref<128x128xf32, #tpu.memory_space<vmem>>, vector<16xf32>,
        %get3A_194 = arith.index_cast %add3A_181 : i32 to index
        %get3A_195 = arith.constant 16 : index
        %get3A_196 = tpu.vector_load %arg14[%get3A_194, %get3A_195] {strides = array<i32>} : memref<128x128xf32, #tpu.memory_space<vmem>>, vector<16xf32>,
        %mul3A_197 = arith.mulf %get3A_196, %gather3A_186 : vector<16xf32>
        %swap3A_198 = arith.index_cast %add3A_181 : i32 to index
        %swap3A_199 = arith.constant 16 : index
        %swap3A_200 = tpu.vector_load %arg14[%swap3A_198, %swap3A_199] {strides = array<i32>} : memref<128x128xf32, #tpu.memory_space<vmem>>, vector<16xf32>,
        tpu.vector_store %arg14[%swap3A_198, %swap3A_199], %mul3A_197 {strides = array<i32>} : memref<128x128xf32, #tpu.memory_space<vmem>>, vector<16xf32>,
        %get3A_201 = arith.index_cast %add3A_181 : i32 to index
        %get3A_202 = arith.constant 32 : index
        %get3A_203 = tpu.vector_load %arg14[%get3A_201, %get3A_202] {strides = array<i32>} : memref<128x128xf32, #tpu.memory_space<vmem>>, vector<16xf32>,
        %mul3A_204 = arith.mulf %get3A_203, %gather3A_186 : vector<16xf32>
        %swap3A_205 = arith.index_cast %add3A_181 : i32 to index
        %swap3A_206 = arith.constant 32 : index
        %swap3A_207 = tpu.vector_load %arg14[%swap3A_205, %swap3A_206] {strides = array<i32>} : memref<128x128xf32, #tpu.memory_space<vmem>>, vector<16xf32>,
        tpu.vector_store %arg14[%swap3A_205, %swap3A_206], %mul3A_204 {strides = array<i32>} : memref<128x128xf32, #tpu.memory_space<vmem>>, vector<16xf32>,
        %get3A_208 = arith.index_cast %add3A_181 : i32 to index
        %get3A_209 = arith.constant 48 : index
        %get3A_210 = tpu.vector_load %arg14[%get3A_208, %get3A_209] {strides = array<i32>} : memref<128x128xf32, #tpu.memory_space<vmem>>, vector<16xf32>,
        %mul3A_211 = arith.mulf %get3A_210, %gather3A_186 : vector<16xf32>
        %swap3A_212 = arith.index_cast %add3A_181 : i32 to index
        %swap3A_213 = arith.constant 48 : index
        %swap3A_214 = tpu.vector_load %arg14[%swap3A_212, %swap3A_213] {strides = array<i32>} : memref<128x128xf32, #tpu.memory_space<vmem>>, vector<16xf32>,
        tpu.vector_store %arg14[%swap3A_212, %swap3A_213], %mul3A_211 {strides = array<i32>} : memref<128x128xf32, #tpu.memory_space<vmem>>, vector<16xf32>,
        %get3A_215 = arith.index_cast %add3A_181 : i32 to index
        %get3A_216 = arith.constant 64 : index
        %get3A_217 = tpu.vector_load %arg14[%get3A_215, %get3A_216] {strides = array<i32>} : memref<128x128xf32, #tpu.memory_space<vmem>>, vector<16xf32>,
        %mul3A_218 = arith.mulf %get3A_217, %gather3A_186 : vector<16xf32>
        %swap3A_219 = arith.index_cast %add3A_181 : i32 to index
        %swap3A_220 = arith.constant 64 : index
        %swap3A_221 = tpu.vector_load %arg14[%swap3A_219, %swap3A_220] {strides = array<i32>} : memref<128x128xf32, #tpu.memory_space<vmem>>, vector<16xf32>,
        tpu.vector_store %arg14[%swap3A_219, %swap3A_220], %mul3A_218 {strides = array<i32>} : memref<128x128xf32, #tpu.memory_space<vmem>>, vector<16xf32>,
        %get3A_222 = arith.index_cast %add3A_181 : i32 to index
        %get3A_223 = arith.constant 80 : index
        %get3A_224 = tpu.vector_load %arg14[%get3A_222, %get3A_223] {strides = array<i32>} : memref<128x128xf32, #tpu.memory_space<vmem>>, vector<16xf32>,
        %mul3A_225 = arith.mulf %get3A_224, %gather3A_186 : vector<16xf32>
        %swap3A_226 = arith.index_cast %add3A_181 : i32 to index
        %swap3A_227 = arith.constant 80 : index
        %swap3A_228 = tpu.vector_load %arg14[%swap3A_226, %swap3A_227] {strides = array<i32>} : memref<128x128xf32, #tpu.memory_space<vmem>>, vector<16xf32>,
        tpu.vector_store %arg14[%swap3A_226, %swap3A_227], %mul3A_225 {strides = array<i32>} : memref<128x128xf32, #tpu.memory_space<vmem>>, vector<16xf32>,
        %get3A_229 = arith.index_cast %add3A_181 : i32 to index
        %get3A_230 = arith.constant 96 : index
        %get3A_231 = tpu.vector_load %arg14[%get3A_229, %get3A_230] {strides = array<i32>} : memref<128x128xf32, #tpu.memory_space<vmem>>, vector<16xf32>,
        %mul3A_232 = arith.mulf %get3A_231, %gather3A_186 : vector<16xf32>
        %swap3A_233 = arith.index_cast %add3A_181 : i32 to index
        %swap3A_234 = arith.constant 96 : index
        %swap3A_235 = tpu.vector_load %arg14[%swap3A_233, %swap3A_234] {strides = array<i32>} : memref<128x128xf32, #tpu.memory_space<vmem>>, vector<16xf32>,
        tpu.vector_store %arg14[%swap3A_233, %swap3A_234], %mul3A_232 {strides = array<i32>} : memref<128x128xf32, #tpu.memory_space<vmem>>, vector<16xf32>,
        %get3A_236 = arith.index_cast %add3A_181 : i32 to index
        %get3A_237 = arith.constant 112 : index
        %get3A_238 = tpu.vector_load %arg14[%get3A_236, %get3A_237] {strides = array<i32>} : memref<128x128xf32, #tpu.memory_space<vmem>>, vector<16xf32>,
        %mul3A_239 = arith.mulf %get3A_238, %gather3A_186 : vector<16xf32>
        %swap3A_240 = arith.index_cast %add3A_181 : i32 to index
        %swap3A_241 = arith.constant 112 : index
        %swap3A_242 = tpu.vector_load %arg14[%swap3A_240, %swap3A_241] {strides = array<i32>} : memref<128x128xf32, #tpu.memory_space<vmem>>, vector<16xf32>,
        tpu.vector_store %arg14[%swap3A_240, %swap3A_241], %mul3A_239 {strides = array<i32>} : memref<128x128xf32, #tpu.memory_space<vmem>>, vector<16xf32>,
        %mul3A_243 = arith.constant 8 : i32
        %mul3A_244 = arith.muli %scan3A_116, %mul3A_243 : i32
        %add3A_245 = arith.constant 2 : i32
        %add3A_246 = arith.addi %mul3A_244, %add3A_245 : i32
        %broadcast_in_dim3A_247 = arith.constant 0 : i32
        %broadcast_in_dim3A_248 = vector.broadcast %broadcast_in_dim3A_247 : i32 to vector<16xi32>
        %add3A_249 = vector.broadcast %add3A_246 : i32 to vector<16xi32>
        %add3A_250 = arith.addi %broadcast_in_dim3A_248, %add3A_249 : vector<16xi32>
        %gather3A_251 = tpu.vector_load_idx %arg12[%add3A_250] : memref<128xf32, #tpu.memory_space<vmem>>[vector<16xi32>], vector<16xf32>,
        %get3A_252 = arith.index_cast %add3A_246 : i32 to index
        %get3A_253 = arith.constant 0 : index
        %get3A_254 = tpu.vector_load %arg14[%get3A_252, %get3A_253] {strides = array<i32>} : memref<128x128xf32, #tpu.memory_space<vmem>>, vector<16xf32>,
        %mul3A_255 = arith.mulf %get3A_254, %gather3A_251 : vector<16xf32>
        %swap3A_256 = arith.index_cast %add3A_246 : i32 to index
        %swap3A_257 = arith.constant 0 : index
        %swap3A_258 = tpu.vector_load %arg14[%swap3A_256, %swap3A_257] {strides = array<i32>} : memref<128x128xf32, #tpu.memory_space<vmem>>, vector<16xf32>,
        tpu.vector_store %arg14[%swap3A_256, %swap3A_257], %mul3A_255 {strides = array<i32>} : memref<128x128xf32, #tpu.memory_space<vmem>>, vector<16xf32>,
        %get3A_259 = arith.index_cast %add3A_246 : i32 to index
        %get3A_260 = arith.constant 16 : index
        %get3A_261 = tpu.vector_load %arg14[%get3A_259, %get3A_260] {strides = array<i32>} : memref<128x128xf32, #tpu.memory_space<vmem>>, vector<16xf32>,
        %mul3A_262 = arith.mulf %get3A_261, %gather3A_251 : vector<16xf32>
        %swap3A_263 = arith.index_cast %add3A_246 : i32 to index
        %swap3A_264 = arith.constant 16 : index
        %swap3A_265 = tpu.vector_load %arg14[%swap3A_263, %swap3A_264] {strides = array<i32>} : memref<128x128xf32, #tpu.memory_space<vmem>>, vector<16xf32>,
        tpu.vector_store %arg14[%swap3A_263, %swap3A_264], %mul3A_262 {strides = array<i32>} : memref<128x128xf32, #tpu.memory_space<vmem>>, vector<16xf32>,
        %get3A_266 = arith.index_cast %add3A_246 : i32 to index
        %get3A_267 = arith.constant 32 : index
        %get3A_268 = tpu.vector_load %arg14[%get3A_266, %get3A_267] {strides = array<i32>} : memref<128x128xf32, #tpu.memory_space<vmem>>, vector<16xf32>,
        %mul3A_269 = arith.mulf %get3A_268, %gather3A_251 : vector<16xf32>
        %swap3A_270 = arith.index_cast %add3A_246 : i32 to index
        %swap3A_271 = arith.constant 32 : index
        %swap3A_272 = tpu.vector_load %arg14[%swap3A_270, %swap3A_271] {strides = array<i32>} : memref<128x128xf32, #tpu.memory_space<vmem>>, vector<16xf32>,
        tpu.vector_store %arg14[%swap3A_270, %swap3A_271], %mul3A_269 {strides = array<i32>} : memref<128x128xf32, #tpu.memory_space<vmem>>, vector<16xf32>,
        %get3A_273 = arith.index_cast %add3A_246 : i32 to index
        %get3A_274 = arith.constant 48 : index
        %get3A_275 = tpu.vector_load %arg14[%get3A_273, %get3A_274] {strides = array<i32>} : memref<128x128xf32, #tpu.memory_space<vmem>>, vector<16xf32>,
        %mul3A_276 = arith.mulf %get3A_275, %gather3A_251 : vector<16xf32>
        %swap3A_277 = arith.index_cast %add3A_246 : i32 to index
        %swap3A_278 = arith.constant 48 : index
        %swap3A_279 = tpu.vector_load %arg14[%swap3A_277, %swap3A_278] {strides = array<i32>} : memref<128x128xf32, #tpu.memory_space<vmem>>, vector<16xf32>,
        tpu.vector_store %arg14[%swap3A_277, %swap3A_278], %mul3A_276 {strides = array<i32>} : memref<128x128xf32, #tpu.memory_space<vmem>>, vector<16xf32>,
        %get3A_280 = arith.index_cast %add3A_246 : i32 to index
        %get3A_281 = arith.constant 64 : index
        %get3A_282 = tpu.vector_load %arg14[%get3A_280, %get3A_281] {strides = array<i32>} : memref<128x128xf32, #tpu.memory_space<vmem>>, vector<16xf32>,
        %mul3A_283 = arith.mulf %get3A_282, %gather3A_251 : vector<16xf32>
        %swap3A_284 = arith.index_cast %add3A_246 : i32 to index
        %swap3A_285 = arith.constant 64 : index
        %swap3A_286 = tpu.vector_load %arg14[%swap3A_284, %swap3A_285] {strides = array<i32>} : memref<128x128xf32, #tpu.memory_space<vmem>>, vector<16xf32>,
        tpu.vector_store %arg14[%swap3A_284, %swap3A_285], %mul3A_283 {strides = array<i32>} : memref<128x128xf32, #tpu.memory_space<vmem>>, vector<16xf32>,
        %get3A_287 = arith.index_cast %add3A_246 : i32 to index
        %get3A_288 = arith.constant 80 : index
        %get3A_289 = tpu.vector_load %arg14[%get3A_287, %get3A_288] {strides = array<i32>} : memref<128x128xf32, #tpu.memory_space<vmem>>, vector<16xf32>,
        %mul3A_290 = arith.mulf %get3A_289, %gather3A_251 : vector<16xf32>
        %swap3A_291 = arith.index_cast %add3A_246 : i32 to index
        %swap3A_292 = arith.constant 80 : index
        %swap3A_293 = tpu.vector_load %arg14[%swap3A_291, %swap3A_292] {strides = array<i32>} : memref<128x128xf32, #tpu.memory_space<vmem>>, vector<16xf32>,
        tpu.vector_store %arg14[%swap3A_291, %swap3A_292], %mul3A_290 {strides = array<i32>} : memref<128x128xf32, #tpu.memory_space<vmem>>, vector<16xf32>,
        %get3A_294 = arith.index_cast %add3A_246 : i32 to index
        %get3A_295 = arith.constant 96 : index
        %get3A_296 = tpu.vector_load %arg14[%get3A_294, %get3A_295] {strides = array<i32>} : memref<128x128xf32, #tpu.memory_space<vmem>>, vector<16xf32>,
        %mul3A_297 = arith.mulf %get3A_296, %gather3A_251 : vector<16xf32>
        %swap3A_298 = arith.index_cast %add3A_246 : i32 to index
        %swap3A_299 = arith.constant 96 : index
        %swap3A_300 = tpu.vector_load %arg14[%swap3A_298, %swap3A_299] {strides = array<i32>} : memref<128x128xf32, #tpu.memory_space<vmem>>, vector<16xf32>,
        tpu.vector_store %arg14[%swap3A_298, %swap3A_299], %mul3A_297 {strides = array<i32>} : memref<128x128xf32, #tpu.memory_space<vmem>>, vector<16xf32>,
        %get3A_301 = arith.index_cast %add3A_246 : i32 to index
        %get3A_302 = arith.constant 112 : index
        %get3A_303 = tpu.vector_load %arg14[%get3A_301, %get3A_302] {strides = array<i32>} : memref<128x128xf32, #tpu.memory_space<vmem>>, vector<16xf32>,
        %mul3A_304 = arith.mulf %get3A_303, %gather3A_251 : vector<16xf32>
        %swap3A_305 = arith.index_cast %add3A_246 : i32 to index
        %swap3A_306 = arith.constant 112 : index
        %swap3A_307 = tpu.vector_load %arg14[%swap3A_305, %swap3A_306] {strides = array<i32>} : memref<128x128xf32, #tpu.memory_space<vmem>>, vector<16xf32>,
        tpu.vector_store %arg14[%swap3A_305, %swap3A_306], %mul3A_304 {strides = array<i32>} : memref<128x128xf32, #tpu.memory_space<vmem>>, vector<16xf32>,
        %mul3A_308 = arith.constant 8 : i32
        %mul3A_309 = arith.muli %scan3A_116, %mul3A_308 : i32
        %add3A_310 = arith.constant 3 : i32
        %add3A_311 = arith.addi %mul3A_309, %add3A_310 : i32
        %broadcast_in_dim3A_312 = arith.constant 0 : i32
        %broadcast_in_dim3A_313 = vector.broadcast %broadcast_in_dim3A_312 : i32 to vector<16xi32>
        %add3A_314 = vector.broadcast %add3A_311 : i32 to vector<16xi32>
        %add3A_315 = arith.addi %broadcast_in_dim3A_313, %add3A_314 : vector<16xi32>
        %gather3A_316 = tpu.vector_load_idx %arg12[%add3A_315] : memref<128xf32, #tpu.memory_space<vmem>>[vector<16xi32>], vector<16xf32>,
        %get3A_317 = arith.index_cast %add3A_311 : i32 to index
        %get3A_318 = arith.constant 0 : index
        %get3A_319 = tpu.vector_load %arg14[%get3A_317, %get3A_318] {strides = array<i32>} : memref<128x128xf32, #tpu.memory_space<vmem>>, vector<16xf32>,
        %mul3A_320 = arith.mulf %get3A_319, %gather3A_316 : vector<16xf32>
        %swap3A_321 = arith.index_cast %add3A_311 : i32 to index
        %swap3A_322 = arith.constant 0 : index
        %swap3A_323 = tpu.vector_load %arg14[%swap3A_321, %swap3A_322] {strides = array<i32>} : memref<128x128xf32, #tpu.memory_space<vmem>>, vector<16xf32>,
        tpu.vector_store %arg14[%swap3A_321, %swap3A_322], %mul3A_320 {strides = array<i32>} : memref<128x128xf32, #tpu.memory_space<vmem>>, vector<16xf32>,
        %get3A_324 = arith.index_cast %add3A_311 : i32 to index
        %get3A_325 = arith.constant 16 : index
        %get3A_326 = tpu.vector_load %arg14[%get3A_324, %get3A_325] {strides = array<i32>} : memref<128x128xf32, #tpu.memory_space<vmem>>, vector<16xf32>,
        %mul3A_327 = arith.mulf %get3A_326, %gather3A_316 : vector<16xf32>
        %swap3A_328 = arith.index_cast %add3A_311 : i32 to index
        %swap3A_329 = arith.constant 16 : index
        %swap3A_330 = tpu.vector_load %arg14[%swap3A_328, %swap3A_329] {strides = array<i32>} : memref<128x128xf32, #tpu.memory_space<vmem>>, vector<16xf32>,
        tpu.vector_store %arg14[%swap3A_328, %swap3A_329], %mul3A_327 {strides = array<i32>} : memref<128x128xf32, #tpu.memory_space<vmem>>, vector<16xf32>,
        %get3A_331 = arith.index_cast %add3A_311 : i32 to index
        %get3A_332 = arith.constant 32 : index
        %get3A_333 = tpu.vector_load %arg14[%get3A_331, %get3A_332] {strides = array<i32>} : memref<128x128xf32, #tpu.memory_space<vmem>>, vector<16xf32>,
        %mul3A_334 = arith.mulf %get3A_333, %gather3A_316 : vector<16xf32>
        %swap3A_335 = arith.index_cast %add3A_311 : i32 to index
        %swap3A_336 = arith.constant 32 : index
        %swap3A_337 = tpu.vector_load %arg14[%swap3A_335, %swap3A_336] {strides = array<i32>} : memref<128x128xf32, #tpu.memory_space<vmem>>, vector<16xf32>,
        tpu.vector_store %arg14[%swap3A_335, %swap3A_336], %mul3A_334 {strides = array<i32>} : memref<128x128xf32, #tpu.memory_space<vmem>>, vector<16xf32>,
        %get3A_338 = arith.index_cast %add3A_311 : i32 to index
        %get3A_339 = arith.constant 48 : index
        %get3A_340 = tpu.vector_load %arg14[%get3A_338, %get3A_339] {strides = array<i32>} : memref<128x128xf32, #tpu.memory_space<vmem>>, vector<16xf32>,
        %mul3A_341 = arith.mulf %get3A_340, %gather3A_316 : vector<16xf32>
        %swap3A_342 = arith.index_cast %add3A_311 : i32 to index
        %swap3A_343 = arith.constant 48 : index
        %swap3A_344 = tpu.vector_load %arg14[%swap3A_342, %swap3A_343] {strides = array<i32>} : memref<128x128xf32, #tpu.memory_space<vmem>>, vector<16xf32>,
        tpu.vector_store %arg14[%swap3A_342, %swap3A_343], %mul3A_341 {strides = array<i32>} : memref<128x128xf32, #tpu.memory_space<vmem>>, vector<16xf32>,
        %get3A_345 = arith.index_cast %add3A_311 : i32 to index
        %get3A_346 = arith.constant 64 : index
        %get3A_347 = tpu.vector_load %arg14[%get3A_345, %get3A_346] {strides = array<i32>} : memref<128x128xf32, #tpu.memory_space<vmem>>, vector<16xf32>,
        %mul3A_348 = arith.mulf %get3A_347, %gather3A_316 : vector<16xf32>
        %swap3A_349 = arith.index_cast %add3A_311 : i32 to index
        %swap3A_350 = arith.constant 64 : index
        %swap3A_351 = tpu.vector_load %arg14[%swap3A_349, %swap3A_350] {strides = array<i32>} : memref<128x128xf32, #tpu.memory_space<vmem>>, vector<16xf32>,
        tpu.vector_store %arg14[%swap3A_349, %swap3A_350], %mul3A_348 {strides = array<i32>} : memref<128x128xf32, #tpu.memory_space<vmem>>, vector<16xf32>,
        %get3A_352 = arith.index_cast %add3A_311 : i32 to index
        %get3A_353 = arith.constant 80 : index
        %get3A_354 = tpu.vector_load %arg14[%get3A_352, %get3A_353] {strides = array<i32>} : memref<128x128xf32, #tpu.memory_space<vmem>>, vector<16xf32>,
        %mul3A_355 = arith.mulf %get3A_354, %gather3A_316 : vector<16xf32>
        %swap3A_356 = arith.index_cast %add3A_311 : i32 to index
        %swap3A_357 = arith.constant 80 : index
        %swap3A_358 = tpu.vector_load %arg14[%swap3A_356, %swap3A_357] {strides = array<i32>} : memref<128x128xf32, #tpu.memory_space<vmem>>, vector<16xf32>,
        tpu.vector_store %arg14[%swap3A_356, %swap3A_357], %mul3A_355 {strides = array<i32>} : memref<128x128xf32, #tpu.memory_space<vmem>>, vector<16xf32>,
        %get3A_359 = arith.index_cast %add3A_311 : i32 to index
        %get3A_360 = arith.constant 96 : index
        %get3A_361 = tpu.vector_load %arg14[%get3A_359, %get3A_360] {strides = array<i32>} : memref<128x128xf32, #tpu.memory_space<vmem>>, vector<16xf32>,
        %mul3A_362 = arith.mulf %get3A_361, %gather3A_316 : vector<16xf32>
        %swap3A_363 = arith.index_cast %add3A_311 : i32 to index
        %swap3A_364 = arith.constant 96 : index
        %swap3A_365 = tpu.vector_load %arg14[%swap3A_363, %swap3A_364] {strides = array<i32>} : memref<128x128xf32, #tpu.memory_space<vmem>>, vector<16xf32>,
        tpu.vector_store %arg14[%swap3A_363, %swap3A_364], %mul3A_362 {strides = array<i32>} : memref<128x128xf32, #tpu.memory_space<vmem>>, vector<16xf32>,
        %get3A_366 = arith.index_cast %add3A_311 : i32 to index
        %get3A_367 = arith.constant 112 : index
        %get3A_368 = tpu.vector_load %arg14[%get3A_366, %get3A_367] {strides = array<i32>} : memref<128x128xf32, #tpu.memory_space<vmem>>, vector<16xf32>,
        %mul3A_369 = arith.mulf %get3A_368, %gather3A_316 : vector<16xf32>
        %swap3A_370 = arith.index_cast %add3A_311 : i32 to index
        %swap3A_371 = arith.constant 112 : index
        %swap3A_372 = tpu.vector_load %arg14[%swap3A_370, %swap3A_371] {strides = array<i32>} : memref<128x128xf32, #tpu.memory_space<vmem>>, vector<16xf32>,
        tpu.vector_store %arg14[%swap3A_370, %swap3A_371], %mul3A_369 {strides = array<i32>} : memref<128x128xf32, #tpu.memory_space<vmem>>, vector<16xf32>,
        %mul3A_373 = arith.constant 8 : i32
        %mul3A_374 = arith.muli %scan3A_116, %mul3A_373 : i32
        %add3A_375 = arith.constant 4 : i32
        %add3A_376 = arith.addi %mul3A_374, %add3A_375 : i32
        %broadcast_in_dim3A_377 = arith.constant 0 : i32
        %broadcast_in_dim3A_378 = vector.broadcast %broadcast_in_dim3A_377 : i32 to vector<16xi32>
        %add3A_379 = vector.broadcast %add3A_376 : i32 to vector<16xi32>
        %add3A_380 = arith.addi %broadcast_in_dim3A_378, %add3A_379 : vector<16xi32>
        %gather3A_381 = tpu.vector_load_idx %arg12[%add3A_380] : memref<128xf32, #tpu.memory_space<vmem>>[vector<16xi32>], vector<16xf32>,
        %get3A_382 = arith.index_cast %add3A_376 : i32 to index
        %get3A_383 = arith.constant 0 : index
        %get3A_384 = tpu.vector_load %arg14[%get3A_382, %get3A_383] {strides = array<i32>} : memref<128x128xf32, #tpu.memory_space<vmem>>, vector<16xf32>,
        %mul3A_385 = arith.mulf %get3A_384, %gather3A_381 : vector<16xf32>
        %swap3A_386 = arith.index_cast %add3A_376 : i32 to index
        %swap3A_387 = arith.constant 0 : index
        %swap3A_388 = tpu.vector_load %arg14[%swap3A_386, %swap3A_387] {strides = array<i32>} : memref<128x128xf32, #tpu.memory_space<vmem>>, vector<16xf32>,
        tpu.vector_store %arg14[%swap3A_386, %swap3A_387], %mul3A_385 {strides = array<i32>} : memref<128x128xf32, #tpu.memory_space<vmem>>, vector<16xf32>,
        %get3A_389 = arith.index_cast %add3A_376 : i32 to index
        %get3A_390 = arith.constant 16 : index
        %get3A_391 = tpu.vector_load %arg14[%get3A_389, %get3A_390] {strides = array<i32>} : memref<128x128xf32, #tpu.memory_space<vmem>>, vector<16xf32>,
        %mul3A_392 = arith.mulf %get3A_391, %gather3A_381 : vector<16xf32>
        %swap3A_393 = arith.index_cast %add3A_376 : i32 to index
        %swap3A_394 = arith.constant 16 : index
        %swap3A_395 = tpu.vector_load %arg14[%swap3A_393, %swap3A_394] {strides = array<i32>} : memref<128x128xf32, #tpu.memory_space<vmem>>, vector<16xf32>,
        tpu.vector_store %arg14[%swap3A_393, %swap3A_394], %mul3A_392 {strides = array<i32>} : memref<128x128xf32, #tpu.memory_space<vmem>>, vector<16xf32>,
        %get3A_396 = arith.index_cast %add3A_376 : i32 to index
        %get3A_397 = arith.constant 32 : index
        %get3A_398 = tpu.vector_load %arg14[%get3A_396, %get3A_397] {strides = array<i32>} : memref<128x128xf32, #tpu.memory_space<vmem>>, vector<16xf32>,
        %mul3A_399 = arith.mulf %get3A_398, %gather3A_381 : vector<16xf32>
        %swap3A_400 = arith.index_cast %add3A_376 : i32 to index
        %swap3A_401 = arith.constant 32 : index
        %swap3A_402 = tpu.vector_load %arg14[%swap3A_400, %swap3A_401] {strides = array<i32>} : memref<128x128xf32, #tpu.memory_space<vmem>>, vector<16xf32>,
        tpu.vector_store %arg14[%swap3A_400, %swap3A_401], %mul3A_399 {strides = array<i32>} : memref<128x128xf32, #tpu.memory_space<vmem>>, vector<16xf32>,
        %get3A_403 = arith.index_cast %add3A_376 : i32 to index
        %get3A_404 = arith.constant 48 : index
        %get3A_405 = tpu.vector_load %arg14[%get3A_403, %get3A_404] {strides = array<i32>} : memref<128x128xf32, #tpu.memory_space<vmem>>, vector<16xf32>,
        %mul3A_406 = arith.mulf %get3A_405, %gather3A_381 : vector<16xf32>
        %swap3A_407 = arith.index_cast %add3A_376 : i32 to index
        %swap3A_408 = arith.constant 48 : index
        %swap3A_409 = tpu.vector_load %arg14[%swap3A_407, %swap3A_408] {strides = array<i32>} : memref<128x128xf32, #tpu.memory_space<vmem>>, vector<16xf32>,
        tpu.vector_store %arg14[%swap3A_407, %swap3A_408], %mul3A_406 {strides = array<i32>} : memref<128x128xf32, #tpu.memory_space<vmem>>, vector<16xf32>,
        %get3A_410 = arith.index_cast %add3A_376 : i32 to index
        %get3A_411 = arith.constant 64 : index
        %get3A_412 = tpu.vector_load %arg14[%get3A_410, %get3A_411] {strides = array<i32>} : memref<128x128xf32, #tpu.memory_space<vmem>>, vector<16xf32>,
        %mul3A_413 = arith.mulf %get3A_412, %gather3A_381 : vector<16xf32>
        %swap3A_414 = arith.index_cast %add3A_376 : i32 to index
        %swap3A_415 = arith.constant 64 : index
        %swap3A_416 = tpu.vector_load %arg14[%swap3A_414, %swap3A_415] {strides = array<i32>} : memref<128x128xf32, #tpu.memory_space<vmem>>, vector<16xf32>,
        tpu.vector_store %arg14[%swap3A_414, %swap3A_415], %mul3A_413 {strides = array<i32>} : memref<128x128xf32, #tpu.memory_space<vmem>>, vector<16xf32>,
        %get3A_417 = arith.index_cast %add3A_376 : i32 to index
        %get3A_418 = arith.constant 80 : index
        %get3A_419 = tpu.vector_load %arg14[%get3A_417, %get3A_418] {strides = array<i32>} : memref<128x128xf32, #tpu.memory_space<vmem>>, vector<16xf32>,
        %mul3A_420 = arith.mulf %get3A_419, %gather3A_381 : vector<16xf32>
        %swap3A_421 = arith.index_cast %add3A_376 : i32 to index
        %swap3A_422 = arith.constant 80 : index
        %swap3A_423 = tpu.vector_load %arg14[%swap3A_421, %swap3A_422] {strides = array<i32>} : memref<128x128xf32, #tpu.memory_space<vmem>>, vector<16xf32>,
        tpu.vector_store %arg14[%swap3A_421, %swap3A_422], %mul3A_420 {strides = array<i32>} : memref<128x128xf32, #tpu.memory_space<vmem>>, vector<16xf32>,
        %get3A_424 = arith.index_cast %add3A_376 : i32 to index
        %get3A_425 = arith.constant 96 : index
        %get3A_426 = tpu.vector_load %arg14[%get3A_424, %get3A_425] {strides = array<i32>} : memref<128x128xf32, #tpu.memory_space<vmem>>, vector<16xf32>,
        %mul3A_427 = arith.mulf %get3A_426, %gather3A_381 : vector<16xf32>
        %swap3A_428 = arith.index_cast %add3A_376 : i32 to index
        %swap3A_429 = arith.constant 96 : index
        %swap3A_430 = tpu.vector_load %arg14[%swap3A_428, %swap3A_429] {strides = array<i32>} : memref<128x128xf32, #tpu.memory_space<vmem>>, vector<16xf32>,
        tpu.vector_store %arg14[%swap3A_428, %swap3A_429], %mul3A_427 {strides = array<i32>} : memref<128x128xf32, #tpu.memory_space<vmem>>, vector<16xf32>,
        %get3A_431 = arith.index_cast %add3A_376 : i32 to index
        %get3A_432 = arith.constant 112 : index
        %get3A_433 = tpu.vector_load %arg14[%get3A_431, %get3A_432] {strides = array<i32>} : memref<128x128xf32, #tpu.memory_space<vmem>>, vector<16xf32>,
        %mul3A_434 = arith.mulf %get3A_433, %gather3A_381 : vector<16xf32>
        %swap3A_435 = arith.index_cast %add3A_376 : i32 to index
        %swap3A_436 = arith.constant 112 : index
        %swap3A_437 = tpu.vector_load %arg14[%swap3A_435, %swap3A_436] {strides = array<i32>} : memref<128x128xf32, #tpu.memory_space<vmem>>, vector<16xf32>,
        tpu.vector_store %arg14[%swap3A_435, %swap3A_436], %mul3A_434 {strides = array<i32>} : memref<128x128xf32, #tpu.memory_space<vmem>>, vector<16xf32>,
        %mul3A_438 = arith.constant 8 : i32
        %mul3A_439 = arith.muli %scan3A_116, %mul3A_438 : i32
        %add3A_440 = arith.constant 5 : i32
        %add3A_441 = arith.addi %mul3A_439, %add3A_440 : i32
        %broadcast_in_dim3A_442 = arith.constant 0 : i32
        %broadcast_in_dim3A_443 = vector.broadcast %broadcast_in_dim3A_442 : i32 to vector<16xi32>
        %add3A_444 = vector.broadcast %add3A_441 : i32 to vector<16xi32>
        %add3A_445 = arith.addi %broadcast_in_dim3A_443, %add3A_444 : vector<16xi32>
        %gather3A_446 = tpu.vector_load_idx %arg12[%add3A_445] : memref<128xf32, #tpu.memory_space<vmem>>[vector<16xi32>], vector<16xf32>,
        %get3A_447 = arith.index_cast %add3A_441 : i32 to index
        %get3A_448 = arith.constant 0 : index
        %get3A_449 = tpu.vector_load %arg14[%get3A_447, %get3A_448] {strides = array<i32>} : memref<128x128xf32, #tpu.memory_space<vmem>>, vector<16xf32>,
        %mul3A_450 = arith.mulf %get3A_449, %gather3A_446 : vector<16xf32>
        %swap3A_451 = arith.index_cast %add3A_441 : i32 to index
        %swap3A_452 = arith.constant 0 : index
        %swap3A_453 = tpu.vector_load %arg14[%swap3A_451, %swap3A_452] {strides = array<i32>} : memref<128x128xf32, #tpu.memory_space<vmem>>, vector<16xf32>,
        tpu.vector_store %arg14[%swap3A_451, %swap3A_452], %mul3A_450 {strides = array<i32>} : memref<128x128xf32, #tpu.memory_space<vmem>>, vector<16xf32>,
        %get3A_454 = arith.index_cast %add3A_441 : i32 to index
        %get3A_455 = arith.constant 16 : index
        %get3A_456 = tpu.vector_load %arg14[%get3A_454, %get3A_455] {strides = array<i32>} : memref<128x128xf32, #tpu.memory_space<vmem>>, vector<16xf32>,
        %mul3A_457 = arith.mulf %get3A_456, %gather3A_446 : vector<16xf32>
        %swap3A_458 = arith.index_cast %add3A_441 : i32 to index
        %swap3A_459 = arith.constant 16 : index
        %swap3A_460 = tpu.vector_load %arg14[%swap3A_458, %swap3A_459] {strides = array<i32>} : memref<128x128xf32, #tpu.memory_space<vmem>>, vector<16xf32>,
        tpu.vector_store %arg14[%swap3A_458, %swap3A_459], %mul3A_457 {strides = array<i32>} : memref<128x128xf32, #tpu.memory_space<vmem>>, vector<16xf32>,
        %get3A_461 = arith.index_cast %add3A_441 : i32 to index
        %get3A_462 = arith.constant 32 : index
        %get3A_463 = tpu.vector_load %arg14[%get3A_461, %get3A_462] {strides = array<i32>} : memref<128x128xf32, #tpu.memory_space<vmem>>, vector<16xf32>,
        %mul3A_464 = arith.mulf %get3A_463, %gather3A_446 : vector<16xf32>
        %swap3A_465 = arith.index_cast %add3A_441 : i32 to index
        %swap3A_466 = arith.constant 32 : index
        %swap3A_467 = tpu.vector_load %arg14[%swap3A_465, %swap3A_466] {strides = array<i32>} : memref<128x128xf32, #tpu.memory_space<vmem>>, vector<16xf32>,
        tpu.vector_store %arg14[%swap3A_465, %swap3A_466], %mul3A_464 {strides = array<i32>} : memref<128x128xf32, #tpu.memory_space<vmem>>, vector<16xf32>,
        %get3A_468 = arith.index_cast %add3A_441 : i32 to index
        %get3A_469 = arith.constant 48 : index
        %get3A_470 = tpu.vector_load %arg14[%get3A_468, %get3A_469] {strides = array<i32>} : memref<128x128xf32, #tpu.memory_space<vmem>>, vector<16xf32>,
        %mul3A_471 = arith.mulf %get3A_470, %gather3A_446 : vector<16xf32>
        %swap3A_472 = arith.index_cast %add3A_441 : i32 to index
        %swap3A_473 = arith.constant 48 : index
        %swap3A_474 = tpu.vector_load %arg14[%swap3A_472, %swap3A_473] {strides = array<i32>} : memref<128x128xf32, #tpu.memory_space<vmem>>, vector<16xf32>,
        tpu.vector_store %arg14[%swap3A_472, %swap3A_473], %mul3A_471 {strides = array<i32>} : memref<128x128xf32, #tpu.memory_space<vmem>>, vector<16xf32>,
        %get3A_475 = arith.index_cast %add3A_441 : i32 to index
        %get3A_476 = arith.constant 64 : index
        %get3A_477 = tpu.vector_load %arg14[%get3A_475, %get3A_476] {strides = array<i32>} : memref<128x128xf32, #tpu.memory_space<vmem>>, vector<16xf32>,
        %mul3A_478 = arith.mulf %get3A_477, %gather3A_446 : vector<16xf32>
        %swap3A_479 = arith.index_cast %add3A_441 : i32 to index
        %swap3A_480 = arith.constant 64 : index
        %swap3A_481 = tpu.vector_load %arg14[%swap3A_479, %swap3A_480] {strides = array<i32>} : memref<128x128xf32, #tpu.memory_space<vmem>>, vector<16xf32>,
        tpu.vector_store %arg14[%swap3A_479, %swap3A_480], %mul3A_478 {strides = array<i32>} : memref<128x128xf32, #tpu.memory_space<vmem>>, vector<16xf32>,
        %get3A_482 = arith.index_cast %add3A_441 : i32 to index
        %get3A_483 = arith.constant 80 : index
        %get3A_484 = tpu.vector_load %arg14[%get3A_482, %get3A_483] {strides = array<i32>} : memref<128x128xf32, #tpu.memory_space<vmem>>, vector<16xf32>,
        %mul3A_485 = arith.mulf %get3A_484, %gather3A_446 : vector<16xf32>
        %swap3A_486 = arith.index_cast %add3A_441 : i32 to index
        %swap3A_487 = arith.constant 80 : index
        %swap3A_488 = tpu.vector_load %arg14[%swap3A_486, %swap3A_487] {strides = array<i32>} : memref<128x128xf32, #tpu.memory_space<vmem>>, vector<16xf32>,
        tpu.vector_store %arg14[%swap3A_486, %swap3A_487], %mul3A_485 {strides = array<i32>} : memref<128x128xf32, #tpu.memory_space<vmem>>, vector<16xf32>,
        %get3A_489 = arith.index_cast %add3A_441 : i32 to index
        %get3A_490 = arith.constant 96 : index
        %get3A_491 = tpu.vector_load %arg14[%get3A_489, %get3A_490] {strides = array<i32>} : memref<128x128xf32, #tpu.memory_space<vmem>>, vector<16xf32>,
        %mul3A_492 = arith.mulf %get3A_491, %gather3A_446 : vector<16xf32>
        %swap3A_493 = arith.index_cast %add3A_441 : i32 to index
        %swap3A_494 = arith.constant 96 : index
        %swap3A_495 = tpu.vector_load %arg14[%swap3A_493, %swap3A_494] {strides = array<i32>} : memref<128x128xf32, #tpu.memory_space<vmem>>, vector<16xf32>,
        tpu.vector_store %arg14[%swap3A_493, %swap3A_494], %mul3A_492 {strides = array<i32>} : memref<128x128xf32, #tpu.memory_space<vmem>>, vector<16xf32>,
        %get3A_496 = arith.index_cast %add3A_441 : i32 to index
        %get3A_497 = arith.constant 112 : index
        %get3A_498 = tpu.vector_load %arg14[%get3A_496, %get3A_497] {strides = array<i32>} : memref<128x128xf32, #tpu.memory_space<vmem>>, vector<16xf32>,
        %mul3A_499 = arith.mulf %get3A_498, %gather3A_446 : vector<16xf32>
        %swap3A_500 = arith.index_cast %add3A_441 : i32 to index
        %swap3A_501 = arith.constant 112 : index
        %swap3A_502 = tpu.vector_load %arg14[%swap3A_500, %swap3A_501] {strides = array<i32>} : memref<128x128xf32, #tpu.memory_space<vmem>>, vector<16xf32>,
        tpu.vector_store %arg14[%swap3A_500, %swap3A_501], %mul3A_499 {strides = array<i32>} : memref<128x128xf32, #tpu.memory_space<vmem>>, vector<16xf32>,
        %mul3A_503 = arith.constant 8 : i32
        %mul3A_504 = arith.muli %scan3A_116, %mul3A_503 : i32
        %add3A_505 = arith.constant 6 : i32
        %add3A_506 = arith.addi %mul3A_504, %add3A_505 : i32
        %broadcast_in_dim3A_507 = arith.constant 0 : i32
        %broadcast_in_dim3A_508 = vector.broadcast %broadcast_in_dim3A_507 : i32 to vector<16xi32>
        %add3A_509 = vector.broadcast %add3A_506 : i32 to vector<16xi32>
        %add3A_510 = arith.addi %broadcast_in_dim3A_508, %add3A_509 : vector<16xi32>
        %gather3A_511 = tpu.vector_load_idx %arg12[%add3A_510] : memref<128xf32, #tpu.memory_space<vmem>>[vector<16xi32>], vector<16xf32>,
        %get3A_512 = arith.index_cast %add3A_506 : i32 to index
        %get3A_513 = arith.constant 0 : index
        %get3A_514 = tpu.vector_load %arg14[%get3A_512, %get3A_513] {strides = array<i32>} : memref<128x128xf32, #tpu.memory_space<vmem>>, vector<16xf32>,
        %mul3A_515 = arith.mulf %get3A_514, %gather3A_511 : vector<16xf32>
        %swap3A_516 = arith.index_cast %add3A_506 : i32 to index
        %swap3A_517 = arith.constant 0 : index
        %swap3A_518 = tpu.vector_load %arg14[%swap3A_516, %swap3A_517] {strides = array<i32>} : memref<128x128xf32, #tpu.memory_space<vmem>>, vector<16xf32>,
        tpu.vector_store %arg14[%swap3A_516, %swap3A_517], %mul3A_515 {strides = array<i32>} : memref<128x128xf32, #tpu.memory_space<vmem>>, vector<16xf32>,
        %get3A_519 = arith.index_cast %add3A_506 : i32 to index
        %get3A_520 = arith.constant 16 : index
        %get3A_521 = tpu.vector_load %arg14[%get3A_519, %get3A_520] {strides = array<i32>} : memref<128x128xf32, #tpu.memory_space<vmem>>, vector<16xf32>,
        %mul3A_522 = arith.mulf %get3A_521, %gather3A_511 : vector<16xf32>
        %swap3A_523 = arith.index_cast %add3A_506 : i32 to index
        %swap3A_524 = arith.constant 16 : index
        %swap3A_525 = tpu.vector_load %arg14[%swap3A_523, %swap3A_524] {strides = array<i32>} : memref<128x128xf32, #tpu.memory_space<vmem>>, vector<16xf32>,
        tpu.vector_store %arg14[%swap3A_523, %swap3A_524], %mul3A_522 {strides = array<i32>} : memref<128x128xf32, #tpu.memory_space<vmem>>, vector<16xf32>,
        %get3A_526 = arith.index_cast %add3A_506 : i32 to index
        %get3A_527 = arith.constant 32 : index
        %get3A_528 = tpu.vector_load %arg14[%get3A_526, %get3A_527] {strides = array<i32>} : memref<128x128xf32, #tpu.memory_space<vmem>>, vector<16xf32>,
        %mul3A_529 = arith.mulf %get3A_528, %gather3A_511 : vector<16xf32>
        %swap3A_530 = arith.index_cast %add3A_506 : i32 to index
        %swap3A_531 = arith.constant 32 : index
        %swap3A_532 = tpu.vector_load %arg14[%swap3A_530, %swap3A_531] {strides = array<i32>} : memref<128x128xf32, #tpu.memory_space<vmem>>, vector<16xf32>,
        tpu.vector_store %arg14[%swap3A_530, %swap3A_531], %mul3A_529 {strides = array<i32>} : memref<128x128xf32, #tpu.memory_space<vmem>>, vector<16xf32>,
        %get3A_533 = arith.index_cast %add3A_506 : i32 to index
        %get3A_534 = arith.constant 48 : index
        %get3A_535 = tpu.vector_load %arg14[%get3A_533, %get3A_534] {strides = array<i32>} : memref<128x128xf32, #tpu.memory_space<vmem>>, vector<16xf32>,
        %mul3A_536 = arith.mulf %get3A_535, %gather3A_511 : vector<16xf32>
        %swap3A_537 = arith.index_cast %add3A_506 : i32 to index
        %swap3A_538 = arith.constant 48 : index
        %swap3A_539 = tpu.vector_load %arg14[%swap3A_537, %swap3A_538] {strides = array<i32>} : memref<128x128xf32, #tpu.memory_space<vmem>>, vector<16xf32>,
        tpu.vector_store %arg14[%swap3A_537, %swap3A_538], %mul3A_536 {strides = array<i32>} : memref<128x128xf32, #tpu.memory_space<vmem>>, vector<16xf32>,
        %get3A_540 = arith.index_cast %add3A_506 : i32 to index
        %get3A_541 = arith.constant 64 : index
        %get3A_542 = tpu.vector_load %arg14[%get3A_540, %get3A_541] {strides = array<i32>} : memref<128x128xf32, #tpu.memory_space<vmem>>, vector<16xf32>,
        %mul3A_543 = arith.mulf %get3A_542, %gather3A_511 : vector<16xf32>
        %swap3A_544 = arith.index_cast %add3A_506 : i32 to index
        %swap3A_545 = arith.constant 64 : index
        %swap3A_546 = tpu.vector_load %arg14[%swap3A_544, %swap3A_545] {strides = array<i32>} : memref<128x128xf32, #tpu.memory_space<vmem>>, vector<16xf32>,
        tpu.vector_store %arg14[%swap3A_544, %swap3A_545], %mul3A_543 {strides = array<i32>} : memref<128x128xf32, #tpu.memory_space<vmem>>, vector<16xf32>,
        %get3A_547 = arith.index_cast %add3A_506 : i32 to index
        %get3A_548 = arith.constant 80 : index
        %get3A_549 = tpu.vector_load %arg14[%get3A_547, %get3A_548] {strides = array<i32>} : memref<128x128xf32, #tpu.memory_space<vmem>>, vector<16xf32>,
        %mul3A_550 = arith.mulf %get3A_549, %gather3A_511 : vector<16xf32>
        %swap3A_551 = arith.index_cast %add3A_506 : i32 to index
        %swap3A_552 = arith.constant 80 : index
        %swap3A_553 = tpu.vector_load %arg14[%swap3A_551, %swap3A_552] {strides = array<i32>} : memref<128x128xf32, #tpu.memory_space<vmem>>, vector<16xf32>,
        tpu.vector_store %arg14[%swap3A_551, %swap3A_552], %mul3A_550 {strides = array<i32>} : memref<128x128xf32, #tpu.memory_space<vmem>>, vector<16xf32>,
        %get3A_554 = arith.index_cast %add3A_506 : i32 to index
        %get3A_555 = arith.constant 96 : index
        %get3A_556 = tpu.vector_load %arg14[%get3A_554, %get3A_555] {strides = array<i32>} : memref<128x128xf32, #tpu.memory_space<vmem>>, vector<16xf32>,
        %mul3A_557 = arith.mulf %get3A_556, %gather3A_511 : vector<16xf32>
        %swap3A_558 = arith.index_cast %add3A_506 : i32 to index
        %swap3A_559 = arith.constant 96 : index
        %swap3A_560 = tpu.vector_load %arg14[%swap3A_558, %swap3A_559] {strides = array<i32>} : memref<128x128xf32, #tpu.memory_space<vmem>>, vector<16xf32>,
        tpu.vector_store %arg14[%swap3A_558, %swap3A_559], %mul3A_557 {strides = array<i32>} : memref<128x128xf32, #tpu.memory_space<vmem>>, vector<16xf32>,
        %get3A_561 = arith.index_cast %add3A_506 : i32 to index
        %get3A_562 = arith.constant 112 : index
        %get3A_563 = tpu.vector_load %arg14[%get3A_561, %get3A_562] {strides = array<i32>} : memref<128x128xf32, #tpu.memory_space<vmem>>, vector<16xf32>,
        %mul3A_564 = arith.mulf %get3A_563, %gather3A_511 : vector<16xf32>
        %swap3A_565 = arith.index_cast %add3A_506 : i32 to index
        %swap3A_566 = arith.constant 112 : index
        %swap3A_567 = tpu.vector_load %arg14[%swap3A_565, %swap3A_566] {strides = array<i32>} : memref<128x128xf32, #tpu.memory_space<vmem>>, vector<16xf32>,
        tpu.vector_store %arg14[%swap3A_565, %swap3A_566], %mul3A_564 {strides = array<i32>} : memref<128x128xf32, #tpu.memory_space<vmem>>, vector<16xf32>,
        %mul3A_568 = arith.constant 8 : i32
        %mul3A_569 = arith.muli %scan3A_116, %mul3A_568 : i32
        %add3A_570 = arith.constant 7 : i32
        %add3A_571 = arith.addi %mul3A_569, %add3A_570 : i32
        %broadcast_in_dim3A_572 = arith.constant 0 : i32
        %broadcast_in_dim3A_573 = vector.broadcast %broadcast_in_dim3A_572 : i32 to vector<16xi32>
        %add3A_574 = vector.broadcast %add3A_571 : i32 to vector<16xi32>
        %add3A_575 = arith.addi %broadcast_in_dim3A_573, %add3A_574 : vector<16xi32>
        %gather3A_576 = tpu.vector_load_idx %arg12[%add3A_575] : memref<128xf32, #tpu.memory_space<vmem>>[vector<16xi32>], vector<16xf32>,
        %get3A_577 = arith.index_cast %add3A_571 : i32 to index
        %get3A_578 = arith.constant 0 : index
        %get3A_579 = tpu.vector_load %arg14[%get3A_577, %get3A_578] {strides = array<i32>} : memref<128x128xf32, #tpu.memory_space<vmem>>, vector<16xf32>,
        %mul3A_580 = arith.mulf %get3A_579, %gather3A_576 : vector<16xf32>
        %swap3A_581 = arith.index_cast %add3A_571 : i32 to index
        %swap3A_582 = arith.constant 0 : index
        %swap3A_583 = tpu.vector_load %arg14[%swap3A_581, %swap3A_582] {strides = array<i32>} : memref<128x128xf32, #tpu.memory_space<vmem>>, vector<16xf32>,
        tpu.vector_store %arg14[%swap3A_581, %swap3A_582], %mul3A_580 {strides = array<i32>} : memref<128x128xf32, #tpu.memory_space<vmem>>, vector<16xf32>,
        %get3A_584 = arith.index_cast %add3A_571 : i32 to index
        %get3A_585 = arith.constant 16 : index
        %get3A_586 = tpu.vector_load %arg14[%get3A_584, %get3A_585] {strides = array<i32>} : memref<128x128xf32, #tpu.memory_space<vmem>>, vector<16xf32>,
        %mul3A_587 = arith.mulf %get3A_586, %gather3A_576 : vector<16xf32>
        %swap3A_588 = arith.index_cast %add3A_571 : i32 to index
        %swap3A_589 = arith.constant 16 : index
        %swap3A_590 = tpu.vector_load %arg14[%swap3A_588, %swap3A_589] {strides = array<i32>} : memref<128x128xf32, #tpu.memory_space<vmem>>, vector<16xf32>,
        tpu.vector_store %arg14[%swap3A_588, %swap3A_589], %mul3A_587 {strides = array<i32>} : memref<128x128xf32, #tpu.memory_space<vmem>>, vector<16xf32>,
        %get3A_591 = arith.index_cast %add3A_571 : i32 to index
        %get3A_592 = arith.constant 32 : index
        %get3A_593 = tpu.vector_load %arg14[%get3A_591, %get3A_592] {strides = array<i32>} : memref<128x128xf32, #tpu.memory_space<vmem>>, vector<16xf32>,
        %mul3A_594 = arith.mulf %get3A_593, %gather3A_576 : vector<16xf32>
        %swap3A_595 = arith.index_cast %add3A_571 : i32 to index
        %swap3A_596 = arith.constant 32 : index
        %swap3A_597 = tpu.vector_load %arg14[%swap3A_595, %swap3A_596] {strides = array<i32>} : memref<128x128xf32, #tpu.memory_space<vmem>>, vector<16xf32>,
        tpu.vector_store %arg14[%swap3A_595, %swap3A_596], %mul3A_594 {strides = array<i32>} : memref<128x128xf32, #tpu.memory_space<vmem>>, vector<16xf32>,
        %get3A_598 = arith.index_cast %add3A_571 : i32 to index
        %get3A_599 = arith.constant 48 : index
        %get3A_600 = tpu.vector_load %arg14[%get3A_598, %get3A_599] {strides = array<i32>} : memref<128x128xf32, #tpu.memory_space<vmem>>, vector<16xf32>,
        %mul3A_601 = arith.mulf %get3A_600, %gather3A_576 : vector<16xf32>
        %swap3A_602 = arith.index_cast %add3A_571 : i32 to index
        %swap3A_603 = arith.constant 48 : index
        %swap3A_604 = tpu.vector_load %arg14[%swap3A_602, %swap3A_603] {strides = array<i32>} : memref<128x128xf32, #tpu.memory_space<vmem>>, vector<16xf32>,
        tpu.vector_store %arg14[%swap3A_602, %swap3A_603], %mul3A_601 {strides = array<i32>} : memref<128x128xf32, #tpu.memory_space<vmem>>, vector<16xf32>,
        %get3A_605 = arith.index_cast %add3A_571 : i32 to index
        %get3A_606 = arith.constant 64 : index
        %get3A_607 = tpu.vector_load %arg14[%get3A_605, %get3A_606] {strides = array<i32>} : memref<128x128xf32, #tpu.memory_space<vmem>>, vector<16xf32>,
        %mul3A_608 = arith.mulf %get3A_607, %gather3A_576 : vector<16xf32>
        %swap3A_609 = arith.index_cast %add3A_571 : i32 to index
        %swap3A_610 = arith.constant 64 : index
        %swap3A_611 = tpu.vector_load %arg14[%swap3A_609, %swap3A_610] {strides = array<i32>} : memref<128x128xf32, #tpu.memory_space<vmem>>, vector<16xf32>,
        tpu.vector_store %arg14[%swap3A_609, %swap3A_610], %mul3A_608 {strides = array<i32>} : memref<128x128xf32, #tpu.memory_space<vmem>>, vector<16xf32>,
        %get3A_612 = arith.index_cast %add3A_571 : i32 to index
        %get3A_613 = arith.constant 80 : index
        %get3A_614 = tpu.vector_load %arg14[%get3A_612, %get3A_613] {strides = array<i32>} : memref<128x128xf32, #tpu.memory_space<vmem>>, vector<16xf32>,
        %mul3A_615 = arith.mulf %get3A_614, %gather3A_576 : vector<16xf32>
        %swap3A_616 = arith.index_cast %add3A_571 : i32 to index
        %swap3A_617 = arith.constant 80 : index
        %swap3A_618 = tpu.vector_load %arg14[%swap3A_616, %swap3A_617] {strides = array<i32>} : memref<128x128xf32, #tpu.memory_space<vmem>>, vector<16xf32>,
        tpu.vector_store %arg14[%swap3A_616, %swap3A_617], %mul3A_615 {strides = array<i32>} : memref<128x128xf32, #tpu.memory_space<vmem>>, vector<16xf32>,
        %get3A_619 = arith.index_cast %add3A_571 : i32 to index
        %get3A_620 = arith.constant 96 : index
        %get3A_621 = tpu.vector_load %arg14[%get3A_619, %get3A_620] {strides = array<i32>} : memref<128x128xf32, #tpu.memory_space<vmem>>, vector<16xf32>,
        %mul3A_622 = arith.mulf %get3A_621, %gather3A_576 : vector<16xf32>
        %swap3A_623 = arith.index_cast %add3A_571 : i32 to index
        %swap3A_624 = arith.constant 96 : index
        %swap3A_625 = tpu.vector_load %arg14[%swap3A_623, %swap3A_624] {strides = array<i32>} : memref<128x128xf32, #tpu.memory_space<vmem>>, vector<16xf32>,
        tpu.vector_store %arg14[%swap3A_623, %swap3A_624], %mul3A_622 {strides = array<i32>} : memref<128x128xf32, #tpu.memory_space<vmem>>, vector<16xf32>,
        %get3A_626 = arith.index_cast %add3A_571 : i32 to index
        %get3A_627 = arith.constant 112 : index
        %get3A_628 = tpu.vector_load %arg14[%get3A_626, %get3A_627] {strides = array<i32>} : memref<128x128xf32, #tpu.memory_space<vmem>>, vector<16xf32>,
        %mul3A_629 = arith.mulf %get3A_628, %gather3A_576 : vector<16xf32>
        %swap3A_630 = arith.index_cast %add3A_571 : i32 to index
        %swap3A_631 = arith.constant 112 : index
        %swap3A_632 = tpu.vector_load %arg14[%swap3A_630, %swap3A_631] {strides = array<i32>} : memref<128x128xf32, #tpu.memory_space<vmem>>, vector<16xf32>,
        tpu.vector_store %arg14[%swap3A_630, %swap3A_631], %mul3A_629 {strides = array<i32>} : memref<128x128xf32, #tpu.memory_space<vmem>>, vector<16xf32>,
      }
      %scan3A_112 = arith.constant 16 : i32
      %dma_start3A_113 = arith.constant 0 : i32
      %dma_start3A_114 = arith.constant 0 : i32
      %dma_start3A_115 = tpu.memref_slice %arg15[%dma_start3A_113, %dma_start3A_114] : memref<10240x128xf32, #tpu.memory_space<vmem_shared>> -> memref<10240x128xf32, #tpu.memory_space<vmem_shared>>
      tpu.enqueue_indirect_dma source(%arg14 : memref<128x128xf32, #tpu.memory_space<vmem>>) target(%dma_start3A_115 : memref<10240x128xf32, #tpu.memory_space<vmem_shared>>) offsets(%arg10 : memref<128xi32, #tpu.memory_space<vmem>>) semaphore(%arg21 : memref<!tpu.dma_semaphore, #tpu.memory_space<semaphore_mem>>) {add = true}
    }
    %scan3A_29 = arith.constant 40 : i32
    %dma_wait3A = arith.constant 0 : i32
    %dma_wait3A_30 = arith.constant 0 : i32
    %dma_wait3A_31 = tpu.memref_slice %arg15[%dma_wait3A, %dma_wait3A_30] : memref<10240x128xf32, #tpu.memory_space<vmem_shared>> -> memref<10240x128xf32, #tpu.memory_space<vmem_shared>>
    tpu.wait_indirect_dma semaphore(%arg20 : memref<!tpu.dma_semaphore, #tpu.memory_space<semaphore_mem>>) src(%arg13 : memref<128x128xf32, #tpu.memory_space<vmem>>) dst(%dma_wait3A_31 : memref<10240x128xf32, #tpu.memory_space<vmem_shared>>)
    %dma_wait3A_32 = arith.constant 0 : i32
    %dma_wait3A_33 = arith.constant 0 : i32
    %dma_wait3A_34 = tpu.memref_slice %arg15[%dma_wait3A_32, %dma_wait3A_33] : memref<10240x128xf32, #tpu.memory_space<vmem_shared>> -> memref<10240x128xf32, #tpu.memory_space<vmem_shared>>
    tpu.wait_indirect_dma semaphore(%arg21 : memref<!tpu.dma_semaphore, #tpu.memory_space<semaphore_mem>>) src(%arg14 : memref<128x128xf32, #tpu.memory_space<vmem>>) dst(%dma_wait3A_34 : memref<10240x128xf32, #tpu.memory_space<vmem_shared>>)
    %barrier3A_35 = arith.constant 0 : index
    tpu.barrier barrier_id(%barrier3A_35)
    %mul3A_36 = arith.constant 640 : i32
    %mul3A_37 = arith.muli %arg1, %mul3A_36 : i32
    %mul3A_38 = arith.constant 640 : i32
    %mul3A_39 = arith.muli %arg1, %mul3A_38 : i32
    "tpu.region"() ({
      %run_scoped3A = tpu.sem_alloc : memref<!tpu.dma_semaphore, #tpu.memory_space<semaphore_mem>>
      %dma_start3A_40 = arith.constant 0 : i32
      %dma_start3A_41 = tpu.memref_slice %arg7[%arg0, %mul3A_39, %dma_start3A_40] : memref<2x10240x128xf32, #tpu.memory_space<hbm>> -> memref<1x640x128xf32, #tpu.memory_space<hbm>>
      %dma_start3A_42 = tpu.memref_squeeze %dma_start3A_41 : memref<1x640x128xf32, #tpu.memory_space<hbm>> -> memref<640x128xf32, #tpu.memory_space<hbm>>
      %dma_start3A_43 = arith.constant 0 : i32
      %dma_start3A_44 = tpu.memref_slice %arg15[%mul3A_37, %dma_start3A_43] : memref<10240x128xf32, #tpu.memory_space<vmem_shared>> -> memref<640x128xf32, #tpu.memory_space<vmem_shared>>
      tpu.enqueue_dma source(%dma_start3A_44 : memref<640x128xf32, #tpu.memory_space<vmem_shared>>) target(%dma_start3A_42 : memref<640x128xf32, #tpu.memory_space<hbm>>) target_semaphore(%run_scoped3A : memref<!tpu.dma_semaphore, #tpu.memory_space<semaphore_mem>>)
      %dma_wait3A_45 = arith.constant 0 : i32
      %dma_wait3A_46 = tpu.memref_slice %arg7[%arg0, %mul3A_39, %dma_wait3A_45] : memref<2x10240x128xf32, #tpu.memory_space<hbm>> -> memref<1x640x128xf32, #tpu.memory_space<hbm>>
      %dma_wait3A_47 = tpu.memref_squeeze %dma_wait3A_46 : memref<1x640x128xf32, #tpu.memory_space<hbm>> -> memref<640x128xf32, #tpu.memory_space<hbm>>
      %dma_wait3A_48 = arith.constant 0 : i32
      %dma_wait3A_49 = tpu.memref_slice %arg15[%mul3A_37, %dma_wait3A_48] : memref<10240x128xf32, #tpu.memory_space<vmem_shared>> -> memref<640x128xf32, #tpu.memory_space<vmem_shared>>
      tpu.wait_dma2 semaphore(%run_scoped3A : memref<!tpu.dma_semaphore, #tpu.memory_space<semaphore_mem>>) src(%dma_wait3A_49 : memref<640x128xf32, #tpu.memory_space<vmem_shared>>) dst(%dma_wait3A_47 : memref<640x128xf32, #tpu.memory_space<hbm>>)
      tpu.yield
    }) : () -> ()
    return
  }
}

module attributes {stable_mosaic.version = 14 : i64} {
  func.func @_tc_front_body(%arg0: i32, %arg1: memref<1024x128xf32, #tpu.memory_space<vmem>>, %arg2: memref<128x128xf32, #tpu.memory_space<vmem>>, %arg3: memref<128x2xf32, #tpu.memory_space<vmem>>, %arg4: memref<1x2xf32, #tpu.memory_space<vmem>>, %arg5: memref<4096x128xf32, #tpu.memory_space<vmem>>, %arg6: memref<128x8xf32, #tpu.memory_space<vmem>>, %arg7: memref<1024x128xf32, #tpu.memory_space<vmem>>, %arg8: memref<1024x2xf32, #tpu.memory_space<vmem>>, %arg9: memref<4096x8xf32, #tpu.memory_space<vmem>>) attributes {dimension_semantics = [#tpu.dimension_semantics<arbitrary>], iteration_bounds = array<i64: 10>, scalar_prefetch = 0 : i64, scratch_operands = 0 : i64, tpu.core_type = #tpu.core_type<tc>, window_params = [{transform_indices = @transform_0, window_bounds = array<i64: 1024, 128>}, {pipeline_mode = #tpu.pipeline_mode<synchronous>, transform_indices = @transform_1, window_bounds = array<i64: 128, 128>}, {pipeline_mode = #tpu.pipeline_mode<synchronous>, transform_indices = @transform_2, window_bounds = array<i64: 128, 2>}, {pipeline_mode = #tpu.pipeline_mode<synchronous>, transform_indices = @transform_3, window_bounds = array<i64: 1, 2>}, {transform_indices = @transform_4, window_bounds = array<i64: 4096, 128>}, {pipeline_mode = #tpu.pipeline_mode<synchronous>, transform_indices = @transform_5, window_bounds = array<i64: 128, 8>}, {transform_indices = @transform_6, window_bounds = array<i64: 1024, 128>}, {transform_indices = @transform_7, window_bounds = array<i64: 1024, 2>}, {transform_indices = @transform_8, window_bounds = array<i64: 4096, 8>}]} {
    %get3A = arith.constant 0 : index
    %get3A_0 = arith.constant 0 : index
    %get3A_1 = vector.load %arg1[%get3A, %get3A_0] : memref<1024x128xf32, #tpu.memory_space<vmem>>, vector<1024x128xf32>
    %get3A_2 = arith.constant 0 : index
    %get3A_3 = arith.constant 0 : index
    %get3A_4 = vector.load %arg2[%get3A_2, %get3A_3] : memref<128x128xf32, #tpu.memory_space<vmem>>, vector<128x128xf32>
    %dot_general3A = arith.constant dense<0.000000e+00> : vector<1024x128xf32>
    %dot_general3A_5 = tpu.matmul %get3A_1, %get3A_4, %dot_general3A {dimension_numbers = #tpu.dot_dimension_numbers<[1], [0], [0], [1], [0, 0, 1, 1], [], []>, transpose_lhs_hint = false} : vector<1024x128xf32>, vector<128x128xf32>, vector<1024x128xf32> -> vector<1024x128xf32>
    %swap3A = arith.constant 0 : index
    %swap3A_6 = arith.constant 0 : index
    %swap3A_7 = vector.load %arg7[%swap3A, %swap3A_6] : memref<1024x128xf32, #tpu.memory_space<vmem>>, vector<1024x128xf32>
    tpu.vector_store %arg7[%swap3A, %swap3A_6], %dot_general3A_5 {strides = array<i32>} : memref<1024x128xf32, #tpu.memory_space<vmem>>, vector<1024x128xf32>,
    %get3A_8 = arith.constant 0 : index
    %get3A_9 = arith.constant 0 : index
    %get3A_10 = vector.load %arg3[%get3A_8, %get3A_9] : memref<128x2xf32, #tpu.memory_space<vmem>>, vector<128x2xf32>
    %dot_general3A_11 = arith.constant dense<0.000000e+00> : vector<1024x2xf32>
    %dot_general3A_12 = tpu.matmul %dot_general3A_5, %get3A_10, %dot_general3A_11 {dimension_numbers = #tpu.dot_dimension_numbers<[1], [0], [0], [1], [0, 0, 1, 1], [], []>, transpose_lhs_hint = false} : vector<1024x128xf32>, vector<128x2xf32>, vector<1024x2xf32> -> vector<1024x2xf32>
    %get3A_13 = arith.constant 0 : index
    %get3A_14 = arith.constant 0 : index
    %get3A_15 = vector.load %arg4[%get3A_13, %get3A_14] : memref<1x2xf32, #tpu.memory_space<vmem>>, vector<1x2xf32>
    %add3A = vector.broadcast %get3A_15 : vector<1x2xf32> to vector<1024x2xf32>
    %add3A_16 = arith.addf %dot_general3A_12, %add3A : vector<1024x2xf32>
    %swap3A_17 = arith.constant 0 : index
    %swap3A_18 = arith.constant 0 : index
    %swap3A_19 = vector.load %arg8[%swap3A_17, %swap3A_18] : memref<1024x2xf32, #tpu.memory_space<vmem>>, vector<1024x2xf32>
    tpu.vector_store %arg8[%swap3A_17, %swap3A_18], %add3A_16 {strides = array<i32>} : memref<1024x2xf32, #tpu.memory_space<vmem>>, vector<1024x2xf32>,
    %get3A_20 = arith.constant 0 : index
    %get3A_21 = arith.constant 0 : index
    %get3A_22 = vector.load %arg5[%get3A_20, %get3A_21] : memref<4096x128xf32, #tpu.memory_space<vmem>>, vector<4096x128xf32>
    %get3A_23 = arith.constant 0 : index
    %get3A_24 = arith.constant 0 : index
    %get3A_25 = vector.load %arg6[%get3A_23, %get3A_24] : memref<128x8xf32, #tpu.memory_space<vmem>>, vector<128x8xf32>
    %dot_general3A_26 = arith.constant dense<0.000000e+00> : vector<4096x8xf32>
    %dot_general3A_27 = tpu.matmul %get3A_22, %get3A_25, %dot_general3A_26 {dimension_numbers = #tpu.dot_dimension_numbers<[1], [0], [0], [1], [0, 0, 1, 1], [], []>, transpose_lhs_hint = false} : vector<4096x128xf32>, vector<128x8xf32>, vector<4096x8xf32> -> vector<4096x8xf32>
    %swap3A_28 = arith.constant 0 : index
    %swap3A_29 = arith.constant 0 : index
    %swap3A_30 = vector.load %arg9[%swap3A_28, %swap3A_29] : memref<4096x8xf32, #tpu.memory_space<vmem>>, vector<4096x8xf32>
    tpu.vector_store %arg9[%swap3A_28, %swap3A_29], %dot_general3A_27 {strides = array<i32>} : memref<4096x8xf32, #tpu.memory_space<vmem>>, vector<4096x8xf32>,
    return
  }
  func.func @transform_0(%arg0: i32) -> (i32, i32) {
    %c0_i32 = arith.constant 0 : i32
    %c0_i32_0 = arith.constant 0 : i32
    return %arg0, %c0_i32 : i32, i32
  }
  func.func @transform_1(%arg0: i32) -> (i32, i32) {
    %c0_i32 = arith.constant 0 : i32
    %c0_i32_0 = arith.constant 0 : i32
    %c0_i32_1 = arith.constant 0 : i32
    return %c0_i32, %c0_i32_0 : i32, i32
  }
  func.func @transform_2(%arg0: i32) -> (i32, i32) {
    %c0_i32 = arith.constant 0 : i32
    %c0_i32_0 = arith.constant 0 : i32
    %c0_i32_1 = arith.constant 0 : i32
    return %c0_i32, %c0_i32_0 : i32, i32
  }
  func.func @transform_3(%arg0: i32) -> (i32, i32) {
    %c0_i32 = arith.constant 0 : i32
    %c0_i32_0 = arith.constant 0 : i32
    %c0_i32_1 = arith.constant 0 : i32
    return %c0_i32, %c0_i32_0 : i32, i32
  }
  func.func @transform_4(%arg0: i32) -> (i32, i32) {
    %c0_i32 = arith.constant 0 : i32
    %c0_i32_0 = arith.constant 0 : i32
    return %arg0, %c0_i32 : i32, i32
  }
  func.func @transform_5(%arg0: i32) -> (i32, i32) {
    %c0_i32 = arith.constant 0 : i32
    %c0_i32_0 = arith.constant 0 : i32
    %c0_i32_1 = arith.constant 0 : i32
    return %c0_i32, %c0_i32_0 : i32, i32
  }
  func.func @transform_6(%arg0: i32) -> (i32, i32) {
    %c0_i32 = arith.constant 0 : i32
    %c0_i32_0 = arith.constant 0 : i32
    return %arg0, %c0_i32 : i32, i32
  }
  func.func @transform_7(%arg0: i32) -> (i32, i32) {
    %c0_i32 = arith.constant 0 : i32
    %c0_i32_0 = arith.constant 0 : i32
    return %arg0, %c0_i32 : i32, i32
  }
  func.func @transform_8(%arg0: i32) -> (i32, i32) {
    %c0_i32 = arith.constant 0 : i32
    %c0_i32_0 = arith.constant 0 : i32
    return %arg0, %c0_i32 : i32, i32
  }
}

module attributes {stable_mosaic.version = 14 : i64} {
  func.func @_tc_blend_body(%arg0: i32, %arg1: memref<1024x128xf32, #tpu.memory_space<vmem>>, %arg2: memref<2x1024x128xf32, #tpu.memory_space<vmem>>, %arg3: memref<2x1024xf32, #tpu.memory_space<vmem>>, %arg4: memref<1024x128xf32, #tpu.memory_space<vmem>>) attributes {dimension_semantics = [#tpu.dimension_semantics<arbitrary>], iteration_bounds = array<i64: 10>, scalar_prefetch = 0 : i64, scratch_operands = 0 : i64, tpu.core_type = #tpu.core_type<tc>, window_params = [{transform_indices = @transform_0, window_bounds = array<i64: 1024, 128>}, {transform_indices = @transform_1, window_bounds = array<i64: 2, 1024, 128>}, {transform_indices = @transform_2, window_bounds = array<i64: 2, 1024>}, {transform_indices = @transform_3, window_bounds = array<i64: 1024, 128>}]} {
    %get3A = arith.constant 0 : index
    %get3A_0 = arith.constant 0 : index
    %get3A_1 = vector.load %arg3[%get3A, %get3A_0] : memref<2x1024xf32, #tpu.memory_space<vmem>>, vector<1x1024xf32>
    %get3A_2 = vector.shape_cast %get3A_1 : vector<1x1024xf32> to vector<1024xf32>
    %get3A_3 = arith.constant 1 : index
    %get3A_4 = arith.constant 0 : index
    %get3A_5 = vector.load %arg3[%get3A_3, %get3A_4] : memref<2x1024xf32, #tpu.memory_space<vmem>>, vector<1x1024xf32>
    %get3A_6 = vector.shape_cast %get3A_5 : vector<1x1024xf32> to vector<1024xf32>
    %add3A = arith.addf %get3A_2, %get3A_6 : vector<1024xf32>
    %gt3A = arith.constant 0.000000e+00 : f32
    %gt3A_7 = vector.broadcast %gt3A : f32 to vector<1024xf32>
    %gt3A_8 = arith.cmpf ogt, %add3A, %gt3A_7 : vector<1024xf32>
    %div3A = arith.constant 1.000000e+00 : f32
    %div3A_9 = vector.broadcast %div3A : f32 to vector<1024xf32>
    %div3A_10 = arith.divf %div3A_9, %add3A : vector<1024xf32>
    %jit3A = arith.constant 0.000000e+00 : f32
    %broadcast_in_dim3A = vector.broadcast %jit3A : f32 to vector<1024xf32>
    %select_n3A = arith.select %gt3A_8, %div3A_10, %broadcast_in_dim3A : vector<1024xi1>, vector<1024xf32>
    %get3A_11 = arith.constant 0 : index
    %get3A_12 = arith.constant 0 : index
    %get3A_13 = vector.load %arg1[%get3A_11, %get3A_12] : memref<1024x128xf32, #tpu.memory_space<vmem>>, vector<1024x128xf32>
    %mul3A = arith.constant 5.000000e-01 : f32
    %mul3A_14 = vector.broadcast %mul3A : f32 to vector<1024x128xf32>
    %mul3A_15 = arith.mulf %mul3A_14, %get3A_13 : vector<1024x128xf32>
    %get3A_16 = arith.constant 0 : index
    %get3A_17 = arith.constant 0 : index
    %get3A_18 = arith.constant 0 : index
    %get3A_19 = vector.load %arg2[%get3A_16, %get3A_17, %get3A_18] : memref<2x1024x128xf32, #tpu.memory_space<vmem>>, vector<1x1024x128xf32>
    %get3A_20 = vector.shape_cast %get3A_19 : vector<1x1024x128xf32> to vector<1024x128xf32>
    %get3A_21 = arith.constant 1 : index
    %get3A_22 = arith.constant 0 : index
    %get3A_23 = arith.constant 0 : index
    %get3A_24 = vector.load %arg2[%get3A_21, %get3A_22, %get3A_23] : memref<2x1024x128xf32, #tpu.memory_space<vmem>>, vector<1x1024x128xf32>
    %get3A_25 = vector.shape_cast %get3A_24 : vector<1x1024x128xf32> to vector<1024x128xf32>
    %add3A_26 = arith.addf %get3A_20, %get3A_25 : vector<1024x128xf32>
    %mul3A_27 = arith.constant 5.000000e-01 : f32
    %mul3A_28 = vector.broadcast %mul3A_27 : f32 to vector<1024x128xf32>
    %mul3A_29 = arith.mulf %mul3A_28, %add3A_26 : vector<1024x128xf32>
    %broadcast_in_dim3A_30 = vector.shape_cast %select_n3A : vector<1024xf32> to vector<1024x1xf32>
    %mul3A_31 = vector.broadcast %broadcast_in_dim3A_30 : vector<1024x1xf32> to vector<1024x128xf32>
    %mul3A_32 = arith.mulf %mul3A_29, %mul3A_31 : vector<1024x128xf32>
    %add3A_33 = arith.addf %mul3A_15, %mul3A_32 : vector<1024x128xf32>
    %swap3A = arith.constant 0 : index
    %swap3A_34 = arith.constant 0 : index
    %swap3A_35 = vector.load %arg4[%swap3A, %swap3A_34] : memref<1024x128xf32, #tpu.memory_space<vmem>>, vector<1024x128xf32>
    tpu.vector_store %arg4[%swap3A, %swap3A_34], %add3A_33 {strides = array<i32>} : memref<1024x128xf32, #tpu.memory_space<vmem>>, vector<1024x128xf32>,
    return
  }
  func.func @transform_0(%arg0: i32) -> (i32, i32) {
    %c0_i32 = arith.constant 0 : i32
    %c0_i32_0 = arith.constant 0 : i32
    return %arg0, %c0_i32 : i32, i32
  }
  func.func @transform_1(%arg0: i32) -> (i32, i32, i32) {
    %c0_i32 = arith.constant 0 : i32
    %c0_i32_0 = arith.constant 0 : i32
    %c0_i32_1 = arith.constant 0 : i32
    return %c0_i32, %arg0, %c0_i32_0 : i32, i32, i32
  }
  func.func @transform_2(%arg0: i32) -> (i32, i32) {
    %c0_i32 = arith.constant 0 : i32
    %c0_i32_0 = arith.constant 0 : i32
    return %c0_i32, %arg0 : i32, i32
  }
  func.func @transform_3(%arg0: i32) -> (i32, i32) {
    %c0_i32 = arith.constant 0 : i32
    %c0_i32_0 = arith.constant 0 : i32
    return %arg0, %c0_i32 : i32, i32
  }
}

</mosaic_0001>

<sc_bundles>
// kernel: kernel.6.cloned.1.call-start
scs
__scs_entry_jumppad:
0x0: {  	(pc) =	sbr.rel $0x88, $3  }
0x1: {  	(tag) =	ssettag $0x0;
	lr =	simm.s32 $0x1  }
0x2: {  	[smem:$0x3F9A] =	sst lr;
	_ =	strace $0xD0000000  }
0x3: {  	_ = 	snop  }
0x4: {  	_ = 	snop  }
0x5: {  	_ = 	snop  }
0x6: {  	_ = 	snop  }
0x7: {  	_ = 	snop  }
__scs_overlays_trampoline_lowered:
0x8: {  	[smem:$0x3FA9] =	sst s0  }
0x9: {  	[smem:$0x3FAA] =	sst s1  }
0xa: {  	[smem:$0x3FAB] =	sst s2  }
0xb: {  	[smem:$0x3FAC] =	sst s3  }
0xc: {  	[smem:$0x3FAD] =	sst s4  }
0xd: {  	[smem:$0x3FAE] =	sst s5  }
0xe: {  	[smem:$0x3FAF] =	sst s6  }
0xf: {  	[smem:$0x3FB0] =	sst s7  }
0x10: {  	[smem:$0x3FB1] =	sst s8  }
0x11: {  	[smem:$0x3FB2] =	sst s9;
	s0 =	simm.s32 @!p0 $0x0  }
0x12: {  	s1 =	sld [smem:$0x3F98];
	s0 =	simm.s32 @p0 $0x1  }
0x13: {  	[smem:$0x3FB3] =	sst s0;
	s0 =	simm.s32 @!p1 $0x0  }
0x14: {  	s2 =	sld [smem:$0x3F97];
	s0 =	simm.s32 @p1 $0x1  }
0x15: {  	[smem:$0x3FB4] =	sst s0;
	s0 =	simm.s32 @!p2 $0x0  }
0x16: {  	s3 =	sld [smem:$0x3FDB];
	s0 =	simm.s32 @p2 $0x1  }
0x17: {  	s4 =	simm.s32 $0x1BF5;
	[smem:$0x3FB6] =	sst s0  }
0x18: {  	s0 =	sld [smem:$0x3F99];
	_ =	swait.ge [sflag:s4], $0x0  }
0x19: {  	s7 =	sld [smem:$0x3F9A]  }
0x1a: {  	s8 =	sadd.s32 $0xFFFFE003, lr  }
0x1b: {  	s9 =	sadd.s32 $0xFFFFFEF7, lr;
	s5 =	simm.s32 $0xFFFFFFFF;
	p2 =	slt.u32 s8, $0xFFFFF086  }
0x1c: {  	p1 =	slt.u32 s9, $0xF7A;
	s5 =	simm.s32 @!p2 $0x0  }
0x1d: {  	s5 =	simm.s32 @p1 $0x1;
	p0 =	seq.s32 s7, s2  }
0x1e: {  	s7 =	smul.u32 @!p0 $0xF7A, s2;
	p2 =	seq.s32 @!p0 s5, $0x0  }
0x1f: {  	s9 =	smul.u32 $0xF7A, s1;
	s8 =	simm.s32 @!p0 $0x1BF5;
	p2 =	por !p2, p0  }
0x20: {  	[sflag:s8] =	ssyncset.s32 @!p0 $0xFFFFF086;
	s6 =	sadd.s32 @!p0 s3, s7;
	s7 =	simm.s32 @!p0 $0x108  }
0x21: {  	s3 =	sadd.s32 s3, s9;
	s6 =	sadd.s32 @!p0 $0x88, s6;
	s7 =	simm.s32 @p2 $0x1082  }
0x22: {  	[simem:s7], [sflag:s8] =	dma.local @!p0 [hbm:s6], $0xF7A  }
0x23: {  	s9 =	sor.u32 $0xD0000000, s2;
	s6 =	simm.s32 $0x108;
	_ =	swait.ge @!p0 [sflag:s8], $0x0  }
0x24: {  	s3 =	sadd.s32 $0x88, s3;
	s6 =	simm.s32 @!p1 $0x1082;
	[sflag:s4] =	ssyncset.s32 $0xFFFFF086  }
0x25: {  	[simem:s6], [sflag:s4] =	dma.local [hbm:s3], $0xF7A  }
0x26: {  	[smem:$0x3F9A] =	sst s1;
	(tag) =	ssettag s2;
	_ =	strace s9  }
0x27: {  	s1 =	sld [smem:$0x3FAA]  }
0x28: {  	s2 =	sld [smem:$0x3FAB]  }
0x29: {  	s4 =	sld [smem:$0x3FAD]  }
0x2a: {  	p0 =	seq.s32 s5, $0x0;
	s5 =	sld [smem:$0x3FAE]  }
0x2b: {  	s6 =	sld [smem:$0x3FAF]  }
0x2c: {  	s7 =	sld [smem:$0x3FB0]  }
0x2d: {  	s3 =	simm.s32 $0x108;
	s8 =	sld [smem:$0x3FB1]  }
0x2e: {  	s3 =	simm.s32 @!p0 $0x1082;
	s9 =	sld [smem:$0x3FB2]  }
0x2f: {  	lr =	sadd.s32 s0, s3;
	s0 =	sld [smem:$0x3FA9]  }
0x30: {  	s3 =	sld [smem:$0x3FAC]  }
0x31: {  	[smem:$0x3FB5] =	sst s10  }
0x32: {  	s10 =	sld [smem:$0x3FB3];
	_ =	sdelay $0x3  }
0x33: {  	p0 =	seq.s32 s10, $0x1;
	s10 =	sld [smem:$0x3FB5];
	_ =	sdelay $0x3  }
0x34: {  	[smem:$0x3FB5] =	sst s10  }
0x35: {  	s10 =	sld [smem:$0x3FB4];
	_ =	sdelay $0x3  }
0x36: {  	p1 =	seq.s32 s10, $0x1;
	s10 =	sld [smem:$0x3FB5];
	_ =	sdelay $0x3  }
0x37: {  	[smem:$0x3FB5] =	sst s10  }
0x38: {  	s10 =	sld [smem:$0x3FB6]  }
0x39: {  	_ = 	snop;
	(pc) =	sbr.ind lr, $3  }
0x3a: {  	_ = 	snop  }
0x3b: {  	_ = 	snop  }
0x3c: {  	p2 =	seq.s32 s10, $0x1;
	s10 =	sld [smem:$0x3FB5]  }
0x3d: {  	_ =	shalt  }
0x3e: {  	_ =	shalt  }
0x3f: {  	_ =	shalt  }
0x40: {  	_ =	shalt  }
0x41: {  	_ =	shalt  }
0x42: {  	_ =	shalt  }
0x43: {  	_ =	shalt  }
0x44: {  	_ =	shalt  }
0x45: {  	_ =	shalt  }
0x46: {  	_ =	shalt  }
0x47: {  	_ =	shalt  }
0x48: {  	_ =	shalt  }
0x49: {  	_ =	shalt  }
0x4a: {  	_ =	shalt  }
0x4b: {  	_ =	shalt  }
0x4c: {  	_ =	shalt  }
0x4d: {  	_ =	shalt  }
0x4e: {  	_ =	shalt  }
0x4f: {  	_ =	shalt  }
0x50: {  	_ =	shalt  }
0x51: {  	_ =	shalt  }
0x52: {  	_ =	shalt  }
0x53: {  	_ =	shalt  }
0x54: {  	_ =	shalt  }
0x55: {  	_ =	shalt  }
0x56: {  	_ =	shalt  }
0x57: {  	_ =	shalt  }
0x58: {  	_ =	shalt  }
0x59: {  	_ =	shalt  }
0x5a: {  	_ =	shalt  }
0x5b: {  	_ =	shalt  }
0x5c: {  	_ =	shalt  }
0x5d: {  	_ =	shalt  }
0x5e: {  	_ =	shalt  }
0x5f: {  	_ =	shalt  }
0x60: {  	_ =	shalt  }
0x61: {  	_ =	shalt  }
0x62: {  	_ =	shalt  }
0x63: {  	_ =	shalt  }
0x64: {  	_ =	shalt  }
0x65: {  	_ =	shalt  }
0x66: {  	_ =	shalt  }
0x67: {  	_ =	shalt  }
0x68: {  	_ =	shalt  }
0x69: {  	_ =	shalt  }
0x6a: {  	_ =	shalt  }
0x6b: {  	_ =	shalt  }
0x6c: {  	_ =	shalt  }
0x6d: {  	_ =	shalt  }
0x6e: {  	_ =	shalt  }
0x6f: {  	_ =	shalt  }
0x70: {  	_ =	shalt  }
0x71: {  	_ =	shalt  }
0x72: {  	_ =	shalt  }
0x73: {  	_ =	shalt  }
0x74: {  	_ =	shalt  }
0x75: {  	_ =	shalt  }
0x76: {  	_ =	shalt  }
0x77: {  	_ =	shalt  }
0x78: {  	_ =	shalt  }
0x79: {  	_ =	shalt  }
0x7a: {  	_ =	shalt  }
0x7b: {  	_ =	shalt  }
0x7c: {  	_ =	shalt  }
0x7d: {  	_ =	shalt  }
0x7e: {  	_ =	shalt  }
0x7f: {  	_ =	shalt  }
0x80: {  	_ =	shalt  }
0x81: {  	_ =	shalt  }
0x82: {  	_ =	shalt  }
0x83: {  	_ =	shalt  }
0x84: {  	_ =	shalt  }
0x85: {  	_ =	shalt  }
0x86: {  	_ =	shalt  }
0x87: {  	_ =	shalt  }
.Lfunc_end0:
.L_simem_size_0:
called_computation_lowered:
.L_overlay_start_0:
0x88: {  	s2 =	sld [smem:$0x3FD9]  }
0x89: {  	s3 =	sld [smem:$0x3FFE];
	_ =	sdelay $0x1  }
0x8a: {  	s1 =	srdreg.scid  }
0x8b: {  	s0 =	sand.u32 $0x1, s1  }
0x8c: {  	s17 =	sshll.u32 s0, $0xA;
	s2 =	sadd.s32 s3, s2  }
0x8d: {  	s2 =	sadd.s32 s2, s17  }
0x8e: {  	[smem:$0x3FC1] =	sst s2  }
0x8f: {  	_ = 	snop  }
0x90: {  	s2 =	sld [smem:$0x3FD0];
	(tm) =	ssettm $0x1  }
0x91: {  	s18 =	sld [smem:$0x3FFB];
	_ =	sdelay $0x3  }
0x92: {  	_ =	strace s18  }
0x93: {  	s3 =	sld [smem:$0x3FFC];
	_ =	sdelay $0x3  }
0x94: {  	_ =	strace s3  }
0x95: {  	s3 =	sld [smem:$0x3FFD];
	_ =	sdelay $0x3  }
0x96: {  	_ =	strace s3  }
0x97: {  	_ =	strace $0x8FFFFFFF  }
0x98: {  	s19 =	sld [smem:$0x3FDB];
	_ =	sdelay $0x1  }
0x99: {  	s4 =	simm.s32 $_scs_section_size  }
0x9a: {  	s5 =	simm.s32 $_size__tile_overlayer_lowered;
	s6 =	simm.s32 $_tile_overlayer_lowered  }
0x9b: {  	s22 =	simm.s32 $0x1BFF;
	s21 =	sshll.u32 s6, $0x1;
	s3 =	sadd.s32 s4, s19  }
0x9c: {  	s7 =	simm.s32 $0x0;
	s20 =	sshll.u32 s5, $0x1;
	s5 =	sadd.s32 s21, s3  }
0x9d: {  	[timem:s7], [sflag:s22] =	dma.local [hbm:s5], s20  }
0x9e: {  	_ =	swait.ge [sflag:s22], s20  }
0x9f: {  	s4 =	ssub.s32 $0x0, s20;
	[sflag:s22] =	ssyncset.done $0x0  }
0xa0: {  	[sflag:s22] =	ssyncadd.s32 s4;
	_ =	sdelay $0x1  }
0xa1: {  	s23 =	simm.s32 $0x1B8B  }
0xa2: {  	_ =	swait.ge [sflag:s23], $0x1  }
0xa3: {  	[sflag:s23] =	ssyncset.done $0x0  }
0xa4: {  	s25 =	simm.s32 $0x1B8E;
	s24 =	sld [smem:$0x3FFE];
	[sflag:s23] =	ssyncadd.s32 $0xFFFFFFFF  }
0xa5: {  	s26 =	simm.s32 $execute0_lowered;
	[smem:$0x3FD2] =	sst s25  }
0xa6: {  	s5 =	sshll.u32 s26, $0x1;
	_ =	strace $0x80000046;
	[dreg:$0x1] =	wrdreg $0xFFFFFFFF  }
0xa7: {  	s28 =	simm.s32 $_size_execute0_lowered;
	s3 =	sadd.s32 s3, s5;
	[dreg:$0x0] =	wrdreg $0x0  }
0xa8: {  	s5 =	sshll.u32 s28, $0x1;
	[dreg:$0x2] =	wrdreg s3  }
0xa9: {  	[dreg:$0x3] =	wrdreg s5  }
0xaa: {  	[dreg:$0x4] =	wrdreg $0xC0  }
0xab: {  	_ =	task [dreg:s7], $0x5FFFF  }
0xac: {  	[dreg:$0x1] =	wrdreg $0xFFFFFFFF  }
0xad: {  	[dreg:$0x0] =	wrdreg $0x60  }
0xae: {  	[dreg:$0x2] =	wrdreg s24  }
0xaf: {  	[dreg:$0x3] =	wrdreg s2  }
0xb0: {  	[dreg:$0x4] =	wrdreg $0xCA000  }
0xb1: {  	[dreg:$0x5] =	wrdreg $0x9  }
0xb2: {  	_ =	task.clear_ibuf [dreg:s7], $0x6FFFF;
	_ =	strace $0x90000046  }
0xb3: {  	s29 =	simm.s32 $0x9;
	_ =	strace $0x80000048  }
0xb4: {  	_ =	swait.ge [sflag:s29], $0x1  }
0xb5: {  	[sflag:s29] =	ssyncadd.s32 $0xFFFFFFFF  }
0xb6: {  	_ =	strace $0x90000048  }
0xb7: {  	_ =	sfence  }
0xb8: {  	s30 =	sld [smem:$0x0];
	_ =	sdelay $0x2  }
0xb9: {  	s31 =	sshll.u32 s1, $0xD;
	s1 =	sshrl.u32 s1, $0x2  }
0xba: {  	s3 =	sand.u32 $0x4000, s31;
	s1 =	sadd.s32 s1, s30  }
0xbb: {  	s0 =	sor.u32 s3, s0;
	s1 =	sshll.u32 s1, $0x11  }
0xbc: {  	s0 =	sor.u32 s1, s0  }
0xbd: {  	s0 =	sadd.s32 $0x8F2B, s0  }
0xbe: {  	[sflag:s0] =	ssyncadd.remote.s32 $0x1  }
0xbf: {  	_ =	sfence.sel $0xFFFF  }
0xc0: {  	[dreg:$0x0] =	wrdreg $0xFFFFFFFF;
	(pc) =	sbr.abs _section_cstart, $3  }
0xc1: {  	[dreg:$0x1] =	wrdreg $0xFFFFFFFF  }
0xc2: {  	_ =	task.clear_ibuf [dreg:s7], $0x2FFFF;
	_ =	strace $0x9FFFFFFF  }
0xc3: {  	(tm) =	ssettm $0x7FFFFFFF  }
tec
execute0_lowered:
.L_overlay_start_1:
0x0: {  	(tag) =	ssettag $0x1  }
0x1: {  	s0 =	rddreg [dreg:$0x0]  }
0x2: {  	s1 =	rddreg [dreg:$0x1];
	s3 =	srdreg.scid  }
0x3: {  	s19 =	stileid.u32;
	s2 =	rddreg [dreg:$0x2];
	s29 =	simm.s32 $0xC900  }
0x4: {  	s30 =	simm.s32 $0xC980;
	s28 =	simm.s32 $0x4;
	s9 =	smul.u32 $0x280, s19  }
0x5: {  	s31 =	simm.s32 $0x0;
	s12 =	sand.u32 $0x1, s3;
	s6 =	smul.u32 $0x500, s19  }
0x6: {  	s4 =	sshll.u32 s19, $0x1;
	s3 =	simm.s32 $0x0;
	s21 =	smul.u32 $0x5000, s19  }
0x7: {  	s18 =	sadd.s32 $0x29200, s0;
	s5 =	sadd.s32 $0x28C00, s0;
	s15 =	smul.u32 $0xA0, s19  }
0x8: {  	s13 =	sadd.s32 $0x3DE00, s0;
	s17 =	smul.u32 $0xA00, s19;
	s26 =	sshll.u32 s19, $0x6  }
0x9: {  	s4 =	sor.u32 s12, s4;
	[smem:$0x7FF] =	sst s3;
	s16 =	smul.u32 $0x50, s12  }
0xa: {  	s11 =	sshll.u32 s12, $0x7;
	s20 =	ssub.s32 $0x2, s12;
	s23 =	smul.u32 $0x2800, s12  }
0xb: {  	s12 =	smul.u32 $0x500, s12;
	s19 =	sor.u32 $0x1C05, s26;
	s26 =	simm.s32 $0x2  }
0xc: {  	s8 =	smul.u32 $0x500, s4;
	_ =	strace $0x80000047;
	[dreg:$0x7] =	wrdreg s18  }
0xd: {  	s10 =	sshrl.u32 s9, $0x3;
	s6 =	sor.u32 s11, s6;
	s14 =	sshrl.u32 s20, $0x1  }
0xe: {  	s22 =	sadd.s32 s9, s2;
	s25 =	sadd.s32 s17, s13;
	[dreg:$0x5] =	wrdreg s29  }
0xf: {  	[dreg:$0x6] =	wrdreg s30;
	s10 =	sadd.s32 s10, s0;
	s6 =	sshrl.u32 s6, $0x3  }
0x10: {  	s11 =	ssub.s32 s20, s14;
	s15 =	sadd.s32 s16, s15;
	s18 =	sadd.s32 s12, s25  }
0x11: {  	s14 =	simm.s32 $0x5;
	s20 =	sshrl.u32 s22, $0x3;
	s22 =	simm.s32 $0xC800  }
0x12: {  	s25 =	simm.s32 $0x3;
	s7 =	sadd.s32 s8, s0;
	s0 =	sadd.s32 s6, s0  }
0x13: {  	s8 =	sadd.s32 s1, s8;
	s9 =	sadd.s32 $0x3D800, s10;
	s11 =	smax.u32 s11, $0x1  }
0x14: {  	s24 =	sshll.u32 s15, $0x4;
	s15 =	simm.s32 $0x2800;
	s6 =	sadd.s32 $0x33800, s7  }
0x15: {  	s7 =	sadd.s32 $0x29800, s7;
	s10 =	sadd.s32 $0x47E00, s0;
	s0 =	sadd.s32 s23, s21  }
0x16: {  	s13 =	sadd.s32 s24, s13;
	s21 =	simm.s32 $0x80;
	s23 =	simm.s32 $0xC880  }
0x17: {  	s24 =	simm.s32 $0x1;
	[dreg:$0x4] =	wrdreg s0;
	s17 =	sadd.s32 $0x10, s13  }
.LBB2_1:
0x18: {  	s0 =	rddreg [dreg:$0x7]  }
0x19: {  	[tilespmem:s3], [sflag:$0x5] =	stream.linear.gather [hbm4b:s0+s3], $0x2800, $0x38;
	[tilespmem:$0xCC80] =	vst v63  }
0x1a: {  	_ =	swait.ge [sflag:s14], $0x2800  }
0x1b: {  	[sflag:s14] =	ssyncset.done $0x0  }
0x1c: {  	[sflag:s14] =	ssyncadd.s32 $0xFFFFD800  }
0x1d: {  	[tilespmem:s15], [sflag:$0x5] =	stream.linear.gather [hbm4b:s5+s3], $0x2800, $0x38;
	[tilespmem:$0xCC80] =	vst v63  }
0x1e: {  	_ =	swait.ge [sflag:s14], $0x2800  }
0x1f: {  	[sflag:s14] =	ssyncset.done $0x0  }
0x20: {  	s13 =	simm.s32 $0x5000;
	[sflag:s14] =	ssyncadd.s32 $0xFFFFD800  }
0x21: {  	[tilespmem:s13], [sflag:$0x5] =	stream.linear.gather [hbm4b:s6+s3], $0x2800, $0x38;
	[tilespmem:$0xCC80] =	vst v63  }
0x22: {  	_ =	swait.ge [sflag:s14], $0x2800  }
0x23: {  	[sflag:s14] =	ssyncset.done $0x0  }
0x24: {  	s16 =	simm.s32 $0x7800;
	[sflag:s14] =	ssyncadd.s32 $0xFFFFD800  }
0x25: {  	[tilespmem:s16], [sflag:$0x5] =	stream.linear.gather [hbm4b:s7+s3], $0x2800, $0x38;
	[tilespmem:$0xCC80] =	vst v63  }
0x26: {  	_ =	swait.ge [sflag:s14], $0x2800  }
0x27: {  	[sflag:s14] =	ssyncset.done $0x0  }
0x28: {  	s30 =	simm.s32 $0xA000;
	[sflag:s14] =	ssyncadd.s32 $0xFFFFD800  }
0x29: {  	[tilespmem:s30], [sflag:$0x5] =	stream.linear.gather [hbm4b:s8+s3], $0x2800, $0x38;
	[tilespmem:$0xCC80] =	vst v63  }
0x2a: {  	_ =	swait.ge [sflag:s14], $0x2800  }
0x2b: {  	[sflag:s14] =	ssyncset.done $0x0  }
0x2c: {  	[sflag:s14] =	ssyncadd.s32 $0xFFFFD800  }
0x2d: {  	[spmem:s20], [sflag:s19] =	dma.local [hbm:s9], $0x50  }
0x2e: {  	_ =	swait.ge [sflag:s14], $0x50  }
0x2f: {  	s1 =	simm.s32 $0x7880;
	s12 =	smov.u32 s18;
	[sflag:s14] =	ssyncset.done $0x0  }
0x30: {  	s29 =	simm.s32 $0x0;
	s0 =	simm.s32 $0x5080;
	[sflag:s14] =	ssyncadd.s32 $0xFFFFFFB0  }
0x31: {  	s13 =	smov.u32 s17;
	s16 =	simm.s32 $0xA080;
	[bflag:$0x0] =	sbarrier.arrive $0xFFFF  }
.LBB2_2:
0x32: {  	p0 =	seq.s32 s29, $0x0  }
0x33: {  	s4 =	simm.s32 @!p0 $0x1  }
0x34: {  	s30 =	rddreg [dreg:$0x4];
	_ =	swait.ge @!p0 [sflag:s4], $0x80  }
0x35: {  	[sflag:s4] =	ssyncset.done @!p0 $0x0  }
0x36: {  	[sflag:s4] =	ssyncadd.s32 @!p0 $0xFFFFFF80;
	s4 =	simm.s32 @!p0 $0x3  }
0x37: {  	_ =	swait.ge @!p0 [sflag:s4], $0x80  }
0x38: {  	[sflag:s4] =	ssyncset.done @!p0 $0x0  }
0x39: {  	[sflag:s4] =	ssyncadd.s32 @!p0 $0xFFFFFF80  }
0x3a: {  	v0 =	vld [tilespmem:s0+$0xFFFFFF80]  }
0x3b: {  	v1 =	vld [tilespmem:s1+$0xFFFFFF80];
	_ =	sdelay $0x6  }
0x3c: {  	v0 =	vld.idx.msk [tilespmem:v0+s3+$0x0], $0xffff  }
0x3d: {  	v2 =	vld.idx.msk [tilespmem:v1+s15+$0x0], $0xffff;
	_ =	sdelay $0x1  }
0x3e: {  	v3 =	vld [tilespmem:s16+$0xFFFFFF80];
	_ =	sdelay $0x2  }
0x3f: {  	v0 =	vadd.f32 v2, v0;
	_ =	sdelay $0x1  }
0x40: {  	v0 =	vadd.f32 v3, v0;
	_ =	sdelay $0x1  }
0x41: {  	v16 =	vmul.f32 $9.999999770e-03, v0;
	_ =	sdelay $0x1  }
0x42: {  	v0 =	vmax.f32 v0, v16  }
0x43: {  	v0 =	vmul.f32 $1.442695020e+00, v0;
	_ =	sdelay $0x1  }
0x44: {  	(erf) = vpow2.f32 v0;
	_ =	sdelay $0x7  }
0x45: {  	s30 =	sadd.s32 s29, s30  }
0x46: {  	p1 =	slt.u32 s30, $0x4E200;
	v0 =	vpop (erf)  }
0x47: {  	[tilespmem:$0xC900] =	vst v1;
	v0 =	vpsel !p1, $0x0, v0  }
0x48: {  	[tilespmem:$0xC800] =	vst v0  }
0x49: {  	v0 =	vld [tilespmem:s0+$0xFFFFFF90]  }
0x4a: {  	v1 =	vld [tilespmem:s1+$0xFFFFFF90];
	_ =	sdelay $0x6  }
0x4b: {  	v0 =	vld.idx.msk [tilespmem:v0+s3+$0x0], $0xffff  }
0x4c: {  	v17 =	vld.idx.msk [tilespmem:v1+s15+$0x0], $0xffff;
	_ =	sdelay $0x1  }
0x4d: {  	v18 =	vld [tilespmem:s16+$0xFFFFFF90];
	_ =	sdelay $0x2  }
0x4e: {  	v0 =	vadd.f32 v17, v0;
	_ =	sdelay $0x1  }
0x4f: {  	v0 =	vadd.f32 v18, v0;
	_ =	sdelay $0x1  }
0x50: {  	v19 =	vmul.f32 $9.999999770e-03, v0;
	_ =	sdelay $0x1  }
0x51: {  	v0 =	vmax.f32 v0, v19  }
0x52: {  	v0 =	vmul.f32 $1.442695020e+00, v0;
	_ =	sdelay $0x1  }
0x53: {  	(erf) = vpow2.f32 v0;
	_ =	sdelay $0x7  }
0x54: {  	s4 =	sadd.s32 $0x10, s30  }
0x55: {  	p3 =	slt.u32 s4, $0x4E200;
	v0 =	vpop (erf)  }
0x56: {  	[tilespmem:$0xC910] =	vst v1;
	v0 =	vpsel !p3, $0x0, v0  }
0x57: {  	[tilespmem:$0xC810] =	vst v0  }
0x58: {  	v0 =	vld [tilespmem:s0+$0xFFFFFFA0]  }
0x59: {  	v1 =	vld [tilespmem:s1+$0xFFFFFFA0];
	_ =	sdelay $0x6  }
0x5a: {  	v0 =	vld.idx.msk [tilespmem:v0+s3+$0x0], $0xffff  }
0x5b: {  	v20 =	vld.idx.msk [tilespmem:v1+s15+$0x0], $0xffff;
	_ =	sdelay $0x1  }
0x5c: {  	v21 =	vld [tilespmem:s16+$0xFFFFFFA0];
	_ =	sdelay $0x2  }
0x5d: {  	v0 =	vadd.f32 v20, v0;
	_ =	sdelay $0x1  }
0x5e: {  	v0 =	vadd.f32 v21, v0;
	_ =	sdelay $0x1  }
0x5f: {  	v22 =	vmul.f32 $9.999999770e-03, v0;
	_ =	sdelay $0x1  }
0x60: {  	v0 =	vmax.f32 v0, v22  }
0x61: {  	v0 =	vmul.f32 $1.442695020e+00, v0;
	_ =	sdelay $0x1  }
0x62: {  	(erf) = vpow2.f32 v0;
	_ =	sdelay $0x7  }
0x63: {  	s4 =	sadd.s32 $0x20, s30  }
0x64: {  	p4 =	slt.u32 s4, $0x4E200;
	v0 =	vpop (erf)  }
0x65: {  	[tilespmem:$0xC920] =	vst v1;
	v0 =	vpsel !p4, $0x0, v0  }
0x66: {  	[tilespmem:$0xC820] =	vst v0  }
0x67: {  	v0 =	vld [tilespmem:s0+$0xFFFFFFB0]  }
0x68: {  	v1 =	vld [tilespmem:s1+$0xFFFFFFB0];
	_ =	sdelay $0x6  }
0x69: {  	v0 =	vld.idx.msk [tilespmem:v0+s3+$0x0], $0xffff  }
0x6a: {  	v23 =	vld.idx.msk [tilespmem:v1+s15+$0x0], $0xffff;
	_ =	sdelay $0x1  }
0x6b: {  	v24 =	vld [tilespmem:s16+$0xFFFFFFB0];
	_ =	sdelay $0x2  }
0x6c: {  	v0 =	vadd.f32 v23, v0;
	_ =	sdelay $0x1  }
0x6d: {  	v0 =	vadd.f32 v24, v0;
	_ =	sdelay $0x1  }
0x6e: {  	v25 =	vmul.f32 $9.999999770e-03, v0;
	_ =	sdelay $0x1  }
0x6f: {  	v0 =	vmax.f32 v0, v25  }
0x70: {  	v0 =	vmul.f32 $1.442695020e+00, v0;
	_ =	sdelay $0x1  }
0x71: {  	(erf) = vpow2.f32 v0;
	_ =	sdelay $0x7  }
0x72: {  	s4 =	sadd.s32 $0x30, s30  }
0x73: {  	p5 =	slt.u32 s4, $0x4E200;
	v0 =	vpop (erf)  }
0x74: {  	[tilespmem:$0xC930] =	vst v1;
	v0 =	vpsel !p5, $0x0, v0  }
0x75: {  	[tilespmem:$0xC830] =	vst v0  }
0x76: {  	v0 =	vld [tilespmem:s0+$0xFFFFFFC0]  }
0x77: {  	v1 =	vld [tilespmem:s1+$0xFFFFFFC0];
	_ =	sdelay $0x6  }
0x78: {  	v0 =	vld.idx.msk [tilespmem:v0+s3+$0x0], $0xffff  }
0x79: {  	v26 =	vld.idx.msk [tilespmem:v1+s15+$0x0], $0xffff;
	_ =	sdelay $0x1  }
0x7a: {  	v27 =	vld [tilespmem:s16+$0xFFFFFFC0];
	_ =	sdelay $0x2  }
0x7b: {  	v0 =	vadd.f32 v26, v0;
	_ =	sdelay $0x1  }
0x7c: {  	v0 =	vadd.f32 v27, v0;
	_ =	sdelay $0x1  }
0x7d: {  	v28 =	vmul.f32 $9.999999770e-03, v0;
	_ =	sdelay $0x1  }
0x7e: {  	v0 =	vmax.f32 v0, v28  }
0x7f: {  	v0 =	vmul.f32 $1.442695020e+00, v0;
	_ =	sdelay $0x1  }
0x80: {  	(erf) = vpow2.f32 v0;
	_ =	sdelay $0x7  }
0x81: {  	s4 =	sadd.s32 $0x40, s30  }
0x82: {  	p6 =	slt.u32 s4, $0x4E200;
	v0 =	vpop (erf)  }
0x83: {  	[tilespmem:$0xC940] =	vst v1;
	v0 =	vpsel !p6, $0x0, v0  }
0x84: {  	[tilespmem:$0xC840] =	vst v0  }
0x85: {  	v0 =	vld [tilespmem:s0+$0xFFFFFFD0]  }
0x86: {  	v1 =	vld [tilespmem:s1+$0xFFFFFFD0];
	_ =	sdelay $0x6  }
0x87: {  	v0 =	vld.idx.msk [tilespmem:v0+s3+$0x0], $0xffff  }
0x88: {  	v29 =	vld.idx.msk [tilespmem:v1+s15+$0x0], $0xffff;
	_ =	sdelay $0x1  }
0x89: {  	v30 =	vld [tilespmem:s16+$0xFFFFFFD0];
	_ =	sdelay $0x2  }
0x8a: {  	v0 =	vadd.f32 v29, v0;
	_ =	sdelay $0x1  }
0x8b: {  	v0 =	vadd.f32 v30, v0;
	_ =	sdelay $0x1  }
0x8c: {  	v31 =	vmul.f32 $9.999999770e-03, v0;
	_ =	sdelay $0x1  }
0x8d: {  	v0 =	vmax.f32 v0, v31  }
0x8e: {  	v0 =	vmul.f32 $1.442695020e+00, v0;
	_ =	sdelay $0x1  }
0x8f: {  	(erf) = vpow2.f32 v0;
	_ =	sdelay $0x7  }
0x90: {  	s4 =	sadd.s32 $0x50, s30  }
0x91: {  	p2 =	slt.u32 s4, $0x4E200;
	v0 =	vpop (erf)  }
0x92: {  	[tilespmem:$0xC950] =	vst v1;
	v0 =	vpsel !p2, $0x0, v0  }
0x93: {  	[tilespmem:$0xC850] =	vst v0  }
0x94: {  	v0 =	vld [tilespmem:s0+$0xFFFFFFE0]  }
0x95: {  	v1 =	vld [tilespmem:s1+$0xFFFFFFE0];
	_ =	sdelay $0x6  }
0x96: {  	v0 =	vld.idx.msk [tilespmem:v0+s3+$0x0], $0xffff  }
0x97: {  	v32 =	vld.idx.msk [tilespmem:v1+s15+$0x0], $0xffff;
	_ =	sdelay $0x1  }
0x98: {  	v33 =	vld [tilespmem:s16+$0xFFFFFFE0];
	_ =	sdelay $0x2  }
0x99: {  	v0 =	vadd.f32 v32, v0;
	_ =	sdelay $0x1  }
0x9a: {  	v0 =	vadd.f32 v33, v0;
	_ =	sdelay $0x1  }
0x9b: {  	v34 =	vmul.f32 $9.999999770e-03, v0;
	_ =	sdelay $0x1  }
0x9c: {  	v0 =	vmax.f32 v0, v34  }
0x9d: {  	v0 =	vmul.f32 $1.442695020e+00, v0;
	_ =	sdelay $0x1  }
0x9e: {  	(erf) = vpow2.f32 v0;
	_ =	sdelay $0x7  }
0x9f: {  	s4 =	sadd.s32 $0x60, s30  }
0xa0: {  	p3 =	slt.u32 s4, $0x4E200;
	v0 =	vpop (erf)  }
0xa1: {  	[tilespmem:$0xC960] =	vst v1;
	v0 =	vpsel !p3, $0x0, v0  }
0xa2: {  	[tilespmem:$0xC860] =	vst v0  }
0xa3: {  	v0 =	vld [tilespmem:s0+$0xFFFFFFF0]  }
0xa4: {  	v1 =	vld [tilespmem:s1+$0xFFFFFFF0];
	_ =	sdelay $0x6  }
0xa5: {  	v0 =	vld.idx.msk [tilespmem:v0+s3+$0x0], $0xffff  }
0xa6: {  	v35 =	vld.idx.msk [tilespmem:v1+s15+$0x0], $0xffff;
	_ =	sdelay $0x1  }
0xa7: {  	v36 =	vld [tilespmem:s16+$0xFFFFFFF0];
	_ =	sdelay $0x2  }
0xa8: {  	v0 =	vadd.f32 v35, v0;
	_ =	sdelay $0x1  }
0xa9: {  	v0 =	vadd.f32 v36, v0;
	_ =	sdelay $0x1  }
0xaa: {  	v37 =	vmul.f32 $9.999999770e-03, v0;
	_ =	sdelay $0x1  }
0xab: {  	v0 =	vmax.f32 v0, v37  }
0xac: {  	v0 =	vmul.f32 $1.442695020e+00, v0;
	_ =	sdelay $0x1  }
0xad: {  	(erf) = vpow2.f32 v0;
	_ =	sdelay $0x7  }
0xae: {  	s4 =	sadd.s32 $0x70, s30  }
0xaf: {  	p4 =	slt.u32 s4, $0x4E200;
	v0 =	vpop (erf)  }
0xb0: {  	[tilespmem:$0xC970] =	vst v1;
	v0 =	vpsel !p4, $0x0, v0  }
0xb1: {  	s4 =	rddreg [dreg:$0x5];
	[tilespmem:$0xC870] =	vst v0  }
0xb2: {  	[spmem:s2] =	stream.indirect.scatter.add.f32 [tilespmem:s22], [sflag:$0x1], $0x1, s4, s21, $0xb8;
	[tilespmem:$0xCC80] =	vst v63  }
0xb3: {  	s4 =	simm.s32 @!p0 $0x2  }
0xb4: {  	[hbm4b:s12+s3] =	stream.linear.scatter [tilespmem:s22], [sflag:$0x3], $0x80, $0x38;
	[tilespmem:$0xCC80] =	vst v63  }
0xb5: {  	_ =	swait.ge @!p0 [sflag:s4], $0x80  }
0xb6: {  	[sflag:s4] =	ssyncset.done @!p0 $0x0  }
0xb7: {  	[sflag:s4] =	ssyncadd.s32 @!p0 $0xFFFFFF80;
	s4 =	simm.s32 @!p0 $0x4  }
0xb8: {  	_ =	swait.ge @!p0 [sflag:s4], $0x80  }
0xb9: {  	[sflag:s4] =	ssyncset.done @!p0 $0x0  }
0xba: {  	[sflag:s4] =	ssyncadd.s32 @!p0 $0xFFFFFF80  }
0xbb: {  	v38 =	vld [tilespmem:s0+$0x0]  }
0xbc: {  	v39 =	vld [tilespmem:s1+$0x0];
	_ =	sdelay $0x6  }
0xbd: {  	v0 =	vld.idx.msk [tilespmem:v38+s3+$0x0], $0xffff  }
0xbe: {  	v40 =	vld.idx.msk [tilespmem:v39+s15+$0x0], $0xffff;
	_ =	sdelay $0x1  }
0xbf: {  	v41 =	vld [tilespmem:s16+$0x0];
	_ =	sdelay $0x2  }
0xc0: {  	v0 =	vadd.f32 v40, v0;
	_ =	sdelay $0x1  }
0xc1: {  	v0 =	vadd.f32 v41, v0;
	_ =	sdelay $0x1  }
0xc2: {  	v42 =	vmul.f32 $9.999999770e-03, v0;
	_ =	sdelay $0x1  }
0xc3: {  	v0 =	vmax.f32 v0, v42  }
0xc4: {  	v0 =	vmul.f32 $1.442695020e+00, v0;
	_ =	sdelay $0x1  }
0xc5: {  	(erf) = vpow2.f32 v0;
	_ =	sdelay $0x7  }
0xc6: {  	s4 =	sadd.s32 $0x80, s30  }
0xc7: {  	p5 =	slt.u32 s4, $0x4E200;
	v0 =	vpop (erf)  }
0xc8: {  	[tilespmem:$0xC980] =	vst v39;
	v0 =	vpsel !p5, $0x0, v0  }
0xc9: {  	[tilespmem:$0xC880] =	vst v0  }
0xca: {  	v0 =	vld [tilespmem:s0+$0x10]  }
0xcb: {  	v1 =	vld [tilespmem:s1+$0x10];
	_ =	sdelay $0x6  }
0xcc: {  	v0 =	vld.idx.msk [tilespmem:v0+s3+$0x0], $0xffff  }
0xcd: {  	v43 =	vld.idx.msk [tilespmem:v1+s15+$0x0], $0xffff;
	_ =	sdelay $0x1  }
0xce: {  	v44 =	vld [tilespmem:s16+$0x10];
	_ =	sdelay $0x2  }
0xcf: {  	v0 =	vadd.f32 v43, v0;
	_ =	sdelay $0x1  }
0xd0: {  	v0 =	vadd.f32 v44, v0;
	_ =	sdelay $0x1  }
0xd1: {  	v45 =	vmul.f32 $9.999999770e-03, v0;
	_ =	sdelay $0x1  }
0xd2: {  	v0 =	vmax.f32 v0, v45  }
0xd3: {  	v0 =	vmul.f32 $1.442695020e+00, v0;
	_ =	sdelay $0x1  }
0xd4: {  	(erf) = vpow2.f32 v0;
	_ =	sdelay $0x7  }
0xd5: {  	s4 =	sadd.s32 $0x90, s30  }
0xd6: {  	p6 =	slt.u32 s4, $0x4E200;
	v0 =	vpop (erf)  }
0xd7: {  	[tilespmem:$0xC990] =	vst v1;
	v0 =	vpsel !p6, $0x0, v0  }
0xd8: {  	[tilespmem:$0xC890] =	vst v0  }
0xd9: {  	v0 =	vld [tilespmem:s0+$0x20]  }
0xda: {  	v1 =	vld [tilespmem:s1+$0x20];
	_ =	sdelay $0x6  }
0xdb: {  	v0 =	vld.idx.msk [tilespmem:v0+s3+$0x0], $0xffff  }
0xdc: {  	v46 =	vld.idx.msk [tilespmem:v1+s15+$0x0], $0xffff;
	_ =	sdelay $0x1  }
0xdd: {  	v47 =	vld [tilespmem:s16+$0x20];
	_ =	sdelay $0x2  }
0xde: {  	v0 =	vadd.f32 v46, v0;
	_ =	sdelay $0x1  }
0xdf: {  	v0 =	vadd.f32 v47, v0;
	_ =	sdelay $0x1  }
0xe0: {  	v48 =	vmul.f32 $9.999999770e-03, v0;
	_ =	sdelay $0x1  }
0xe1: {  	v0 =	vmax.f32 v0, v48  }
0xe2: {  	v0 =	vmul.f32 $1.442695020e+00, v0;
	_ =	sdelay $0x1  }
0xe3: {  	(erf) = vpow2.f32 v0;
	_ =	sdelay $0x7  }
0xe4: {  	s4 =	sadd.s32 $0xA0, s30  }
0xe5: {  	p1 =	slt.u32 s4, $0x4E200;
	v0 =	vpop (erf)  }
0xe6: {  	[tilespmem:$0xC9A0] =	vst v1;
	v0 =	vpsel !p1, $0x0, v0  }
0xe7: {  	[tilespmem:$0xC8A0] =	vst v0  }
0xe8: {  	v0 =	vld [tilespmem:s0+$0x30]  }
0xe9: {  	v1 =	vld [tilespmem:s1+$0x30];
	_ =	sdelay $0x6  }
0xea: {  	v0 =	vld.idx.msk [tilespmem:v0+s3+$0x0], $0xffff  }
0xeb: {  	v49 =	vld.idx.msk [tilespmem:v1+s15+$0x0], $0xffff;
	_ =	sdelay $0x1  }
0xec: {  	v50 =	vld [tilespmem:s16+$0x30];
	_ =	sdelay $0x2  }
0xed: {  	v0 =	vadd.f32 v49, v0;
	_ =	sdelay $0x1  }
0xee: {  	v0 =	vadd.f32 v50, v0;
	_ =	sdelay $0x1  }
0xef: {  	v51 =	vmul.f32 $9.999999770e-03, v0;
	_ =	sdelay $0x1  }
0xf0: {  	v0 =	vmax.f32 v0, v51  }
0xf1: {  	v0 =	vmul.f32 $1.442695020e+00, v0;
	_ =	sdelay $0x1  }
0xf2: {  	(erf) = vpow2.f32 v0;
	_ =	sdelay $0x7  }
0xf3: {  	s4 =	sadd.s32 $0xB0, s30  }
0xf4: {  	p2 =	slt.u32 s4, $0x4E200;
	v0 =	vpop (erf)  }
0xf5: {  	[tilespmem:$0xC9B0] =	vst v1;
	v0 =	vpsel !p2, $0x0, v0  }
0xf6: {  	[tilespmem:$0xC8B0] =	vst v0  }
0xf7: {  	v0 =	vld [tilespmem:s0+$0x40]  }
0xf8: {  	v1 =	vld [tilespmem:s1+$0x40];
	_ =	sdelay $0x6  }
0xf9: {  	v0 =	vld.idx.msk [tilespmem:v0+s3+$0x0], $0xffff  }
0xfa: {  	v52 =	vld.idx.msk [tilespmem:v1+s15+$0x0], $0xffff;
	_ =	sdelay $0x1  }
0xfb: {  	v53 =	vld [tilespmem:s16+$0x40];
	_ =	sdelay $0x2  }
0xfc: {  	v0 =	vadd.f32 v52, v0;
	_ =	sdelay $0x1  }
0xfd: {  	v0 =	vadd.f32 v53, v0;
	_ =	sdelay $0x1  }
0xfe: {  	v54 =	vmul.f32 $9.999999770e-03, v0;
	_ =	sdelay $0x1  }
0xff: {  	v0 =	vmax.f32 v0, v54  }
0x100: {  	v0 =	vmul.f32 $1.442695020e+00, v0;
	_ =	sdelay $0x1  }
0x101: {  	(erf) = vpow2.f32 v0;
	_ =	sdelay $0x7  }
0x102: {  	s4 =	sadd.s32 $0xC0, s30  }
0x103: {  	p3 =	slt.u32 s4, $0x4E200;
	v0 =	vpop (erf)  }
0x104: {  	[tilespmem:$0xC9C0] =	vst v1;
	v0 =	vpsel !p3, $0x0, v0  }
0x105: {  	[tilespmem:$0xC8C0] =	vst v0  }
0x106: {  	v0 =	vld [tilespmem:s0+$0x50]  }
0x107: {  	v1 =	vld [tilespmem:s1+$0x50];
	_ =	sdelay $0x6  }
0x108: {  	v0 =	vld.idx.msk [tilespmem:v0+s3+$0x0], $0xffff  }
0x109: {  	v55 =	vld.idx.msk [tilespmem:v1+s15+$0x0], $0xffff;
	_ =	sdelay $0x1  }
0x10a: {  	v56 =	vld [tilespmem:s16+$0x50];
	_ =	sdelay $0x2  }
0x10b: {  	v0 =	vadd.f32 v55, v0;
	_ =	sdelay $0x1  }
0x10c: {  	v0 =	vadd.f32 v56, v0;
	_ =	sdelay $0x1  }
0x10d: {  	v57 =	vmul.f32 $9.999999770e-03, v0;
	_ =	sdelay $0x1  }
0x10e: {  	v0 =	vmax.f32 v0, v57  }
0x10f: {  	v0 =	vmul.f32 $1.442695020e+00, v0;
	_ =	sdelay $0x1  }
0x110: {  	(erf) = vpow2.f32 v0;
	_ =	sdelay $0x7  }
0x111: {  	s4 =	sadd.s32 $0xD0, s30  }
0x112: {  	p4 =	slt.u32 s4, $0x4E200;
	v0 =	vpop (erf)  }
0x113: {  	[tilespmem:$0xC9D0] =	vst v1;
	v0 =	vpsel !p4, $0x0, v0  }
0x114: {  	[tilespmem:$0xC8D0] =	vst v0  }
0x115: {  	v0 =	vld [tilespmem:s0+$0x60]  }
0x116: {  	v1 =	vld [tilespmem:s1+$0x60];
	_ =	sdelay $0x6  }
0x117: {  	v0 =	vld.idx.msk [tilespmem:v0+s3+$0x0], $0xffff  }
0x118: {  	v58 =	vld.idx.msk [tilespmem:v1+s15+$0x0], $0xffff;
	_ =	sdelay $0x1  }
0x119: {  	v59 =	vld [tilespmem:s16+$0x60];
	_ =	sdelay $0x2  }
0x11a: {  	v0 =	vadd.f32 v58, v0;
	_ =	sdelay $0x1  }
0x11b: {  	v0 =	vadd.f32 v59, v0;
	_ =	sdelay $0x1  }
0x11c: {  	v60 =	vmul.f32 $9.999999770e-03, v0;
	_ =	sdelay $0x1  }
0x11d: {  	v0 =	vmax.f32 v0, v60  }
0x11e: {  	v0 =	vmul.f32 $1.442695020e+00, v0;
	_ =	sdelay $0x1  }
0x11f: {  	(erf) = vpow2.f32 v0;
	_ =	sdelay $0x7  }
0x120: {  	s4 =	sadd.s32 $0xE0, s30  }
0x121: {  	p5 =	slt.u32 s4, $0x4E200;
	v0 =	vpop (erf)  }
0x122: {  	[tilespmem:$0xC9E0] =	vst v1;
	v0 =	vpsel !p5, $0x0, v0  }
0x123: {  	[tilespmem:$0xC8E0] =	vst v0  }
0x124: {  	v0 =	vld [tilespmem:s0+$0x70]  }
0x125: {  	v1 =	vld [tilespmem:s1+$0x70];
	_ =	sdelay $0x6  }
0x126: {  	v0 =	vld.idx.msk [tilespmem:v0+s3+$0x0], $0xffff  }
0x127: {  	v61 =	vld.idx.msk [tilespmem:v1+s15+$0x0], $0xffff;
	_ =	sdelay $0x1  }
0x128: {  	v62 =	vld [tilespmem:s16+$0x70];
	_ =	sdelay $0x2  }
0x129: {  	v0 =	vadd.f32 v61, v0;
	_ =	sdelay $0x1  }
0x12a: {  	v0 =	vadd.f32 v62, v0;
	_ =	sdelay $0x1  }
0x12b: {  	v63 =	vmul.f32 $9.999999770e-03, v0;
	_ =	sdelay $0x1  }
0x12c: {  	v0 =	vmax.f32 v0, v63  }
0x12d: {  	v0 =	vmul.f32 $1.442695020e+00, v0;
	_ =	sdelay $0x1  }
0x12e: {  	(erf) = vpow2.f32 v0;
	_ =	sdelay $0x7  }
0x12f: {  	s30 =	sadd.s32 $0xF0, s30  }
0x130: {  	s29 =	sadd.s32 $0x100, s29;
	p6 =	slt.u32 s30, $0x4E200;
	v0 =	vpop (erf)  }
0x131: {  	p0 =	sne.s32 s29, $0x2800;
	[tilespmem:$0xC9F0] =	vst v1;
	v0 =	vpsel !p6, $0x0, v0  }
.Ltmp0:
0x132: {  	s30 =	rddreg [dreg:$0x6];
	[tilespmem:$0xC8F0] =	vst v0;
	(pc) =	sbr.rel @p0 .LBB2_2-.Ltmp0, $4  }
0x133: {  	[spmem:s2] =	stream.indirect.scatter.add.f32 [tilespmem:s23], [sflag:$0x2], $0x1, s30, s21, $0xb8;
	[tilespmem:$0xCC80] =	vst v63  }
0x134: {  	s12 =	sadd.s32 $0x20, s12;
	s1 =	sadd.s32 $0x100, s1  }
0x135: {  	[hbm4b:s13+s3] =	stream.linear.scatter [tilespmem:s23], [sflag:$0x4], $0x80, $0x38;
	[tilespmem:$0xCC80] =	vst v63  }
0x136: {  	s0 =	sadd.s32 $0x100, s0;
	s16 =	sadd.s32 $0x100, s16;
	s13 =	sadd.s32 $0x20, s13  }
0x137: {  	_ =	swait.ge [sflag:s24], $0x80  }
0x138: {  	[sflag:s24] =	ssyncset.done $0x0  }
0x139: {  	[sflag:s24] =	ssyncadd.s32 $0xFFFFFF80  }
0x13a: {  	_ =	swait.ge [sflag:s25], $0x80  }
0x13b: {  	[sflag:s25] =	ssyncset.done $0x0  }
0x13c: {  	[sflag:s25] =	ssyncadd.s32 $0xFFFFFF80  }
0x13d: {  	_ =	swait.ge [sflag:s26], $0x80  }
0x13e: {  	[sflag:s26] =	ssyncset.done $0x0  }
0x13f: {  	[sflag:s26] =	ssyncadd.s32 $0xFFFFFF80  }
0x140: {  	_ =	swait.ge [sflag:s28], $0x80  }
0x141: {  	s31 =	sadd.s32 $0x1, s31;
	[sflag:s28] =	ssyncset.done $0x0  }
0x142: {  	s0 =	simm.s32 $0x20;
	p0 =	sne.s32 s31, s11;
	[sflag:s28] =	ssyncadd.s32 $0xFFFFFF80  }
.Ltmp1:
0x143: {  	s1 =	simm.s32 $0x10;
	[bflag:$0x0] =	sbarrier.arrive $0xFFFF;
	(pc) =	sbr.rel @p0 .LBB2_1-.Ltmp1, $4  }
0x144: {  	[hbm:s10@s0], [sflag:s19] =	dma.strided [spmem:s20@s1], $0x50, s24, $0x10   }
0x145: {  	_ =	swait.ge [sflag:s14], $0x50  }
0x146: {  	[sflag:s14] =	ssyncset.done $0x0  }
0x147: {  	[sflag:s14] =	ssyncadd.s32 $0xFFFFFFB0  }
0x148: {  	_ =	sfence.sel $0x180000  }
0x149: {  	[bflag:$0x0] =	sbarrier.arrive $0xFFFF  }
0x14a: {  	_ =	strace $0x90000047  }
0x14b: {  	s0 =	stileid.u32;
	[bflag:$0x2] =	sbarrier.arrive $0xFFFF  }
0x14c: {  	p0 =	sne.s32 s0, $0x0;
	s0 =	rddreg [dreg:$0x3]  }
0x14d: {  	s0 =	sadd.s32 @!p0 $0x100000, s0  }
0x14e: {  	[sflag:s0] =	ssyncadd.tile.s32 @!p0 $0x1;
	_ =	shalt  }
.Lfunc_end2:
_tile_overlayer_lowered:
.L_overlay_start_2:
0x14f: {  	(tag) =	ssettag $0x2  }
0x150: {  	s0 =	rddreg [dreg:$0x0];
	s2 =	stileid.u32  }
0x151: {  	s1 =	rddreg [dreg:$0x1];
	p0 =	sne.s32 s2, $0x0  }
0x152: {  	s3 =	rddreg [dreg:$0x2];
	[bflag:$0x3] =	sbarrier.arrive $0xFFFF;
	s2 =	simm.s32 @!p0 $0x1C05  }
0x153: {  	[timem:s3], [sflag:s2] =	dma.local @!p0 [hbm:s0], s1  }
0x154: {  	s0 =	simm.s32 @!p0 $0x5  }
0x155: {  	_ =	swait.ge @!p0 [sflag:s0], s1  }
0x156: {  	s1 =	ssub.s32 @!p0 $0x0, s1;
	[sflag:s0] =	ssyncset.done @!p0 $0x0  }
0x157: {  	[sflag:s0] =	ssyncadd.s32 @!p0 s1  }
0x158: {  	[bflag:$0x3] =	sbarrier.arrive $0xFFFF  }
0x159: {  	_ =	shalt  }

// kernel: kernel.9.cloned.1.call-start
scs
__scs_entry_jumppad:
0x0: {  	(pc) =	sbr.rel $0x88, $3  }
0x1: {  	(tag) =	ssettag $0x0;
	lr =	simm.s32 $0x1  }
0x2: {  	[smem:$0x3F9A] =	sst lr;
	_ =	strace $0xD0000000  }
0x3: {  	_ = 	snop  }
0x4: {  	_ = 	snop  }
0x5: {  	_ = 	snop  }
0x6: {  	_ = 	snop  }
0x7: {  	_ = 	snop  }
__scs_overlays_trampoline_lowered:
0x8: {  	[smem:$0x3FA9] =	sst s0  }
0x9: {  	[smem:$0x3FAA] =	sst s1  }
0xa: {  	[smem:$0x3FAB] =	sst s2  }
0xb: {  	[smem:$0x3FAC] =	sst s3  }
0xc: {  	[smem:$0x3FAD] =	sst s4  }
0xd: {  	[smem:$0x3FAE] =	sst s5  }
0xe: {  	[smem:$0x3FAF] =	sst s6  }
0xf: {  	[smem:$0x3FB0] =	sst s7  }
0x10: {  	[smem:$0x3FB1] =	sst s8  }
0x11: {  	[smem:$0x3FB2] =	sst s9;
	s0 =	simm.s32 @!p0 $0x0  }
0x12: {  	s1 =	sld [smem:$0x3F98];
	s0 =	simm.s32 @p0 $0x1  }
0x13: {  	[smem:$0x3FB3] =	sst s0;
	s0 =	simm.s32 @!p1 $0x0  }
0x14: {  	s2 =	sld [smem:$0x3F97];
	s0 =	simm.s32 @p1 $0x1  }
0x15: {  	[smem:$0x3FB4] =	sst s0;
	s0 =	simm.s32 @!p2 $0x0  }
0x16: {  	s3 =	sld [smem:$0x3FDB];
	s0 =	simm.s32 @p2 $0x1  }
0x17: {  	s4 =	simm.s32 $0x1BF5;
	[smem:$0x3FB6] =	sst s0  }
0x18: {  	s0 =	sld [smem:$0x3F99];
	_ =	swait.ge [sflag:s4], $0x0  }
0x19: {  	s7 =	sld [smem:$0x3F9A]  }
0x1a: {  	s8 =	sadd.s32 $0xFFFFE003, lr  }
0x1b: {  	s9 =	sadd.s32 $0xFFFFFEF7, lr;
	s5 =	simm.s32 $0xFFFFFFFF;
	p2 =	slt.u32 s8, $0xFFFFF086  }
0x1c: {  	p1 =	slt.u32 s9, $0xF7A;
	s5 =	simm.s32 @!p2 $0x0  }
0x1d: {  	s5 =	simm.s32 @p1 $0x1;
	p0 =	seq.s32 s7, s2  }
0x1e: {  	s7 =	smul.u32 @!p0 $0xF7A, s2;
	p2 =	seq.s32 @!p0 s5, $0x0  }
0x1f: {  	s9 =	smul.u32 $0xF7A, s1;
	s8 =	simm.s32 @!p0 $0x1BF5;
	p2 =	por !p2, p0  }
0x20: {  	[sflag:s8] =	ssyncset.s32 @!p0 $0xFFFFF086;
	s6 =	sadd.s32 @!p0 s3, s7;
	s7 =	simm.s32 @!p0 $0x108  }
0x21: {  	s3 =	sadd.s32 s3, s9;
	s6 =	sadd.s32 @!p0 $0x88, s6;
	s7 =	simm.s32 @p2 $0x1082  }
0x22: {  	[simem:s7], [sflag:s8] =	dma.local @!p0 [hbm:s6], $0xF7A  }
0x23: {  	s9 =	sor.u32 $0xD0000000, s2;
	s6 =	simm.s32 $0x108;
	_ =	swait.ge @!p0 [sflag:s8], $0x0  }
0x24: {  	s3 =	sadd.s32 $0x88, s3;
	s6 =	simm.s32 @!p1 $0x1082;
	[sflag:s4] =	ssyncset.s32 $0xFFFFF086  }
0x25: {  	[simem:s6], [sflag:s4] =	dma.local [hbm:s3], $0xF7A  }
0x26: {  	[smem:$0x3F9A] =	sst s1;
	(tag) =	ssettag s2;
	_ =	strace s9  }
0x27: {  	s1 =	sld [smem:$0x3FAA]  }
0x28: {  	s2 =	sld [smem:$0x3FAB]  }
0x29: {  	s4 =	sld [smem:$0x3FAD]  }
0x2a: {  	p0 =	seq.s32 s5, $0x0;
	s5 =	sld [smem:$0x3FAE]  }
0x2b: {  	s6 =	sld [smem:$0x3FAF]  }
0x2c: {  	s7 =	sld [smem:$0x3FB0]  }
0x2d: {  	s3 =	simm.s32 $0x108;
	s8 =	sld [smem:$0x3FB1]  }
0x2e: {  	s3 =	simm.s32 @!p0 $0x1082;
	s9 =	sld [smem:$0x3FB2]  }
0x2f: {  	lr =	sadd.s32 s0, s3;
	s0 =	sld [smem:$0x3FA9]  }
0x30: {  	s3 =	sld [smem:$0x3FAC]  }
0x31: {  	[smem:$0x3FB5] =	sst s10  }
0x32: {  	s10 =	sld [smem:$0x3FB3];
	_ =	sdelay $0x3  }
0x33: {  	p0 =	seq.s32 s10, $0x1;
	s10 =	sld [smem:$0x3FB5];
	_ =	sdelay $0x3  }
0x34: {  	[smem:$0x3FB5] =	sst s10  }
0x35: {  	s10 =	sld [smem:$0x3FB4];
	_ =	sdelay $0x3  }
0x36: {  	p1 =	seq.s32 s10, $0x1;
	s10 =	sld [smem:$0x3FB5];
	_ =	sdelay $0x3  }
0x37: {  	[smem:$0x3FB5] =	sst s10  }
0x38: {  	s10 =	sld [smem:$0x3FB6]  }
0x39: {  	_ = 	snop;
	(pc) =	sbr.ind lr, $3  }
0x3a: {  	_ = 	snop  }
0x3b: {  	_ = 	snop  }
0x3c: {  	p2 =	seq.s32 s10, $0x1;
	s10 =	sld [smem:$0x3FB5]  }
0x3d: {  	_ =	shalt  }
0x3e: {  	_ =	shalt  }
0x3f: {  	_ =	shalt  }
0x40: {  	_ =	shalt  }
0x41: {  	_ =	shalt  }
0x42: {  	_ =	shalt  }
0x43: {  	_ =	shalt  }
0x44: {  	_ =	shalt  }
0x45: {  	_ =	shalt  }
0x46: {  	_ =	shalt  }
0x47: {  	_ =	shalt  }
0x48: {  	_ =	shalt  }
0x49: {  	_ =	shalt  }
0x4a: {  	_ =	shalt  }
0x4b: {  	_ =	shalt  }
0x4c: {  	_ =	shalt  }
0x4d: {  	_ =	shalt  }
0x4e: {  	_ =	shalt  }
0x4f: {  	_ =	shalt  }
0x50: {  	_ =	shalt  }
0x51: {  	_ =	shalt  }
0x52: {  	_ =	shalt  }
0x53: {  	_ =	shalt  }
0x54: {  	_ =	shalt  }
0x55: {  	_ =	shalt  }
0x56: {  	_ =	shalt  }
0x57: {  	_ =	shalt  }
0x58: {  	_ =	shalt  }
0x59: {  	_ =	shalt  }
0x5a: {  	_ =	shalt  }
0x5b: {  	_ =	shalt  }
0x5c: {  	_ =	shalt  }
0x5d: {  	_ =	shalt  }
0x5e: {  	_ =	shalt  }
0x5f: {  	_ =	shalt  }
0x60: {  	_ =	shalt  }
0x61: {  	_ =	shalt  }
0x62: {  	_ =	shalt  }
0x63: {  	_ =	shalt  }
0x64: {  	_ =	shalt  }
0x65: {  	_ =	shalt  }
0x66: {  	_ =	shalt  }
0x67: {  	_ =	shalt  }
0x68: {  	_ =	shalt  }
0x69: {  	_ =	shalt  }
0x6a: {  	_ =	shalt  }
0x6b: {  	_ =	shalt  }
0x6c: {  	_ =	shalt  }
0x6d: {  	_ =	shalt  }
0x6e: {  	_ =	shalt  }
0x6f: {  	_ =	shalt  }
0x70: {  	_ =	shalt  }
0x71: {  	_ =	shalt  }
0x72: {  	_ =	shalt  }
0x73: {  	_ =	shalt  }
0x74: {  	_ =	shalt  }
0x75: {  	_ =	shalt  }
0x76: {  	_ =	shalt  }
0x77: {  	_ =	shalt  }
0x78: {  	_ =	shalt  }
0x79: {  	_ =	shalt  }
0x7a: {  	_ =	shalt  }
0x7b: {  	_ =	shalt  }
0x7c: {  	_ =	shalt  }
0x7d: {  	_ =	shalt  }
0x7e: {  	_ =	shalt  }
0x7f: {  	_ =	shalt  }
0x80: {  	_ =	shalt  }
0x81: {  	_ =	shalt  }
0x82: {  	_ =	shalt  }
0x83: {  	_ =	shalt  }
0x84: {  	_ =	shalt  }
0x85: {  	_ =	shalt  }
0x86: {  	_ =	shalt  }
0x87: {  	_ =	shalt  }
.Lfunc_end0:
.L_simem_size_0:
called_computation.1_lowered:
.L_overlay_start_0:
0x88: {  	s2 =	sld [smem:$0x3FD9]  }
0x89: {  	s3 =	sld [smem:$0x3FFE];
	_ =	sdelay $0x1  }
0x8a: {  	s1 =	srdreg.scid  }
0x8b: {  	s0 =	sand.u32 $0x1, s1  }
0x8c: {  	s16 =	sshll.u32 s0, $0xA;
	s2 =	sadd.s32 s3, s2  }
0x8d: {  	s2 =	sadd.s32 s2, s16  }
0x8e: {  	[smem:$0x3FC1] =	sst s2  }
0x8f: {  	_ = 	snop  }
0x90: {  	(tm) =	ssettm $0x1  }
0x91: {  	s17 =	sld [smem:$0x3FFB];
	_ =	sdelay $0x3  }
0x92: {  	_ =	strace s17  }
0x93: {  	s2 =	sld [smem:$0x3FFC];
	_ =	sdelay $0x3  }
0x94: {  	_ =	strace s2  }
0x95: {  	s2 =	sld [smem:$0x3FFD];
	_ =	sdelay $0x3  }
0x96: {  	_ =	strace s2  }
0x97: {  	_ =	strace $0x8FFFFFFF  }
0x98: {  	s18 =	sld [smem:$0x3FDB];
	_ =	sdelay $0x1  }
0x99: {  	s19 =	simm.s32 $_scs_section_size  }
0x9a: {  	s4 =	simm.s32 $_size__tile_overlayer_lowered;
	s5 =	simm.s32 $_tile_overlayer_lowered  }
0x9b: {  	s22 =	simm.s32 $0x1BFF;
	s21 =	sshll.u32 s5, $0x1;
	s2 =	sadd.s32 s19, s18  }
0x9c: {  	s6 =	simm.s32 $0x0;
	s20 =	sshll.u32 s4, $0x1;
	s4 =	sadd.s32 s21, s2  }
0x9d: {  	[timem:s6], [sflag:s22] =	dma.local [hbm:s4], s20  }
0x9e: {  	_ =	swait.ge [sflag:s22], s20  }
0x9f: {  	s3 =	ssub.s32 $0x0, s20;
	[sflag:s22] =	ssyncset.done $0x0  }
0xa0: {  	[sflag:s22] =	ssyncadd.s32 s3;
	_ =	sdelay $0x1  }
0xa1: {  	s23 =	simm.s32 $0x1B8B  }
0xa2: {  	_ =	swait.ge [sflag:s23], $0x1  }
0xa3: {  	[sflag:s23] =	ssyncset.done $0x0  }
0xa4: {  	s25 =	simm.s32 $0x1B8E;
	s24 =	sld [smem:$0x3FFE];
	[sflag:s23] =	ssyncadd.s32 $0xFFFFFFFF  }
0xa5: {  	s26 =	simm.s32 $execute0_lowered;
	[smem:$0x3FD2] =	sst s25  }
0xa6: {  	s4 =	sshll.u32 s26, $0x1;
	_ =	strace $0x80000049;
	[dreg:$0x1] =	wrdreg $0xFFFFFFFF  }
0xa7: {  	s28 =	simm.s32 $_size_execute0_lowered;
	s2 =	sadd.s32 s2, s4;
	[dreg:$0x0] =	wrdreg $0x0  }
0xa8: {  	s4 =	sshll.u32 s28, $0x1;
	[dreg:$0x2] =	wrdreg s2  }
0xa9: {  	[dreg:$0x3] =	wrdreg s4  }
0xaa: {  	[dreg:$0x4] =	wrdreg $0xC0  }
0xab: {  	_ =	task [dreg:s6], $0x5FFFF  }
0xac: {  	[dreg:$0x1] =	wrdreg $0xFFFFFFFF  }
0xad: {  	[dreg:$0x0] =	wrdreg $0x60  }
0xae: {  	[dreg:$0x2] =	wrdreg s24  }
0xaf: {  	[dreg:$0x3] =	wrdreg $0xAA000  }
0xb0: {  	[dreg:$0x4] =	wrdreg $0x9  }
0xb1: {  	_ =	task.clear_ibuf [dreg:s6], $0x5FFFF;
	_ =	strace $0x90000049  }
0xb2: {  	s29 =	simm.s32 $0x9;
	_ =	strace $0x8000004B  }
0xb3: {  	_ =	swait.ge [sflag:s29], $0x1  }
0xb4: {  	[sflag:s29] =	ssyncadd.s32 $0xFFFFFFFF  }
0xb5: {  	_ =	strace $0x9000004B  }
0xb6: {  	_ =	sfence  }
0xb7: {  	s30 =	sld [smem:$0x0];
	_ =	sdelay $0x2  }
0xb8: {  	s31 =	sshll.u32 s1, $0xD;
	s1 =	sshrl.u32 s1, $0x2  }
0xb9: {  	s3 =	sand.u32 $0x4000, s31;
	s1 =	sadd.s32 s1, s30  }
0xba: {  	s0 =	sor.u32 s3, s0;
	s1 =	sshll.u32 s1, $0x11  }
0xbb: {  	s0 =	sor.u32 s1, s0  }
0xbc: {  	s0 =	sadd.s32 $0x8F2B, s0  }
0xbd: {  	[sflag:s0] =	ssyncadd.remote.s32 $0x1  }
0xbe: {  	_ =	sfence.sel $0xFFFF  }
0xbf: {  	[dreg:$0x0] =	wrdreg $0xFFFFFFFF;
	(pc) =	sbr.abs _section_cstart, $3  }
0xc0: {  	[dreg:$0x1] =	wrdreg $0xFFFFFFFF  }
0xc1: {  	_ =	task.clear_ibuf [dreg:s6], $0x2FFFF;
	_ =	strace $0x9FFFFFFF  }
0xc2: {  	(tm) =	ssettm $0x7FFFFFFF  }
0xc3: {  	_ =	shalt  }
tec
execute0_lowered:
.L_overlay_start_1:
0x0: {  	(tag) =	ssettag $0x1  }
0x1: {  	s0 =	srdreg.scid;
	s1 =	rddreg [dreg:$0x0]  }
0x2: {  	s14 =	stileid.u32;
	s2 =	rddreg [dreg:$0x1];
	s17 =	simm.s32 $0x2800  }
0x3: {  	s18 =	simm.s32 $0x2900;
	s19 =	simm.s32 $0x80;
	s20 =	simm.s32 $0x2A00  }
0x4: {  	s28 =	simm.s32 $0x2;
	s29 =	simm.s32 $0x5;
	s30 =	simm.s32 $0x6  }
0x5: {  	s31 =	simm.s32 $0x0;
	s0 =	sand.u32 $0x1, s0;
	s9 =	smul.u32 $0x14000, s14  }
0x6: {  	s4 =	sadd.s32 $0xC00, s1;
	s5 =	sadd.s32 $0x3DE00, s1;
	s6 =	sadd.s32 $0x29800, s1  }
0x7: {  	s13 =	smul.u32 $0x50000, s14;
	s26 =	sshll.u32 s14, $0x6;
	s3 =	sshll.u32 s0, $0x4  }
0x8: {  	s10 =	smul.u32 $0x140000, s0;
	s0 =	ssub.s32 $0x2, s0;
	s15 =	sor.u32 $0x1C07, s26  }
0x9: {  	s26 =	simm.s32 $0x4;
	s7 =	sor.u32 s14, s3;
	s3 =	simm.s32 $0x0  }
0xa: {  	s12 =	sshrl.u32 s9, $0x3;
	s21 =	sshrl.u32 s0, $0x1;
	s23 =	sshrl.u32 s13, $0x2  }
0xb: {  	s14 =	simm.s32 $0x7;
	s8 =	smul.u32 $0x500, s7;
	[smem:$0x7FF] =	sst s3  }
0xc: {  	s9 =	sadd.s32 s9, s10;
	s12 =	sadd.s32 s12, s1;
	s0 =	ssub.s32 s0, s21  }
0xd: {  	s7 =	smul.u32 $0x50, s7;
	s21 =	simm.s32 $0x2880;
	_ =	strace $0x8000004A  }
0xe: {  	s9 =	sshrl.u32 s9, $0x3;
	s24 =	sadd.s32 $0x48800, s12;
	s0 =	smax.u32 s0, $0x1  }
0xf: {  	s11 =	sadd.s32 s8, s1;
	s1 =	sadd.s32 s9, s1;
	[dreg:$0x4] =	wrdreg s24  }
0x10: {  	s9 =	sadd.s32 s23, s2;
	s25 =	sadd.s32 s6, s8;
	[dreg:$0x8] =	wrdreg s0  }
0x11: {  	s8 =	sadd.s32 s5, s8;
	s23 =	simm.s32 $0x6A00;
	[dreg:$0x5] =	wrdreg s25  }
0x12: {  	s24 =	simm.s32 $0x3;
	s22 =	sadd.s32 $0x33800, s11;
	[dreg:$0x6] =	wrdreg s8  }
0x13: {  	s1 =	sadd.s32 $0x70800, s1;
	s16 =	sshrl.u32 s9, $0x3;
	[dreg:$0x3] =	wrdreg s22  }
0x14: {  	s25 =	simm.s32 $0x1;
	[dreg:$0x7] =	wrdreg s1;
	s22 =	simm.s32 $0x2980  }
.LBB2_1:
0x15: {  	s0 =	rddreg [dreg:$0x3]  }
0x16: {  	[tilespmem:s3], [sflag:$0x7] =	stream.linear.gather [hbm4b:s0+s3], $0x2800, $0x38;
	[tilespmem:$0x1EA00] =	vst v63  }
0x17: {  	_ =	swait.ge [sflag:s14], $0x2800  }
0x18: {  	[sflag:s14] =	ssyncset.done $0x0  }
0x19: {  	s11 =	rddreg [dreg:$0x4];
	[sflag:s14] =	ssyncadd.s32 $0xFFFFD800  }
0x1a: {  	[spmem:s16], [sflag:s15] =	dma.local [hbm:s11], $0x2800  }
0x1b: {  	_ =	swait.ge [sflag:s14], $0x2800  }
0x1c: {  	[sflag:s14] =	ssyncset.done $0x0  }
0x1d: {  	[sflag:s14] =	ssyncadd.s32 $0xFFFFD800  }
0x1e: {  	[bflag:$0x0] =	sbarrier.arrive $0xFFFF  }
0x1f: {  	s12 =	rddreg [dreg:$0x5]  }
0x20: {  	[tilespmem:s17], [sflag:$0x1] =	stream.linear.gather [hbm4b:s12+s3], $0x80, $0x38;
	[tilespmem:$0x1EA00] =	vst v63  }
0x21: {  	s13 =	rddreg [dreg:$0x6]  }
0x22: {  	[tilespmem:s18], [sflag:$0x1] =	stream.linear.gather [hbm4b:s13+s3], $0x80, $0x38;
	[tilespmem:$0x1EA00] =	vst v63  }
0x23: {  	s1 =	simm.s32 $0x0  }
0x24: {  	[tilespmem:s20], [sflag:$0x3] =	stream.indirect.gather [hbm4b:s4+s19], $0x80, s3, s19, $0xb8;
	[tilespmem:$0x1EA00] =	vst v63  }
.LBB2_2:
0x25: {  	s0 =	sshll.u32 s1, $0x1  }
0x26: {  	s0 =	sadd.s32 s7, s0  }
0x27: {  	p0 =	seq.s32 s1, $0x0;
	s8 =	sshll.u32 s1, $0x5;
	s0 =	sshll.u32 s0, $0x4  }
0x28: {  	s9 =	simm.s32 @!p0 $0x6;
	s8 =	sand.u32 $0x60, s8;
	s0 =	sand.u32 $0xFFFFF80, s0  }
0x29: {  	_ =	swait.ge @!p0 [sflag:s9], $0x4000;
	s0 =	sor.u32 s0, s8  }
0x2a: {  	[sflag:s9] =	ssyncset.done @!p0 $0x0;
	s8 =	sor.u32 $0x10, s0  }
0x2b: {  	[sflag:s9] =	ssyncadd.s32 @!p0 $0xFFFFC000;
	s0 =	sadd.s32 s6, s8  }
0x2c: {  	[tilespmem:s21], [sflag:$0x2] =	stream.linear.gather [hbm4b:s0+s3], $0x80, $0x38;
	[tilespmem:$0x1EA00] =	vst v63  }
0x2d: {  	s0 =	sshllo.u32 s1, $0x1  }
0x2e: {  	s8 =	sadd.s32 s5, s8;
	s13 =	sshll.u32 s0, $0x7  }
0x2f: {  	[tilespmem:s22], [sflag:$0x2] =	stream.linear.gather [hbm4b:s8+s3], $0x80, $0x38;
	[tilespmem:$0x1EA00] =	vst v63  }
0x30: {  	s8 =	sand.u32 $0x3FFFFF80, s13  }
0x31: {  	[tilespmem:s23], [sflag:$0x4] =	stream.indirect.gather [hbm4b:s4+s19], $0x80, s8, s19, $0xb8;
	[tilespmem:$0x1EA00] =	vst v63  }
0x32: {  	_ =	swait.ge [sflag:s24], $0x4000  }
0x33: {  	s9 =	simm.s32 $0x0;
	[sflag:s24] =	ssyncset.done $0x0  }
0x34: {  	v0 =	vmov s9;
	[sflag:s24] =	ssyncadd.s32 $0xFFFFC000  }
0x35: {  	v0 =	vand.u32 $0xFFFFFFF8, v0;
	_ =	swait.ge [sflag:s25], $0x80  }
0x36: {  	v0 =	vbroadcast v0, $0x0;
	[sflag:s25] =	ssyncset.done $0x0  }
0x37: {  	[sflag:s25] =	ssyncadd.s32 $0xFFFFFF80  }
0x38: {  	_ =	swait.ge [sflag:s25], $0x80  }
0x39: {  	[sflag:s25] =	ssyncset.done $0x0  }
0x3a: {  	s8 =	simm.s32 $0x2C00;
	[sflag:s25] =	ssyncadd.s32 $0xFFFFFF80  }
0x3b: {  	v2 =	vld [tilespmem:s8+$0xFFFFFE70]  }
0x3c: {  	v0 =	vld.idx.msk [tilespmem:v0+s18+$0x0], $0xffff  }
0x3d: {  	v3 =	vld [tilespmem:s8+$0xFFFFFE00]  }
0x3e: {  	v4 =	vld [tilespmem:s8+$0xFFFFFE20]  }
0x3f: {  	v5 =	vld [tilespmem:s8+$0xFFFFFE30]  }
0x40: {  	v1 =	vld [tilespmem:s8+$0xFFFFFE50]  }
0x41: {  	v7 =	vld [tilespmem:s8+$0xFFFFFE10];
	v2 =	vmul.f32 v2, v0  }
0x42: {  	s10 =	simm.s32 $0x1;
	v6 =	vld [tilespmem:s8+$0xFFFFFE60];
	v3 =	vmul.f32 v3, v0  }
0x43: {  	v8 =	vld [tilespmem:s8+$0xFFFFFE40];
	v4 =	vmul.f32 v4, v0;
	[tilespmem:s8+$0xFFFFFE70] =	vst v2;
	v2 =	vmov s10  }
0x44: {  	v5 =	vmul.f32 v5, v0;
	[tilespmem:s8+$0xFFFFFE00] =	vst v3;
	v2 =	vand.u32 $0xFFFFFFF9, v2  }
0x45: {  	v1 =	vmul.f32 v1, v0;
	[tilespmem:s8+$0xFFFFFE20] =	vst v4;
	v2 =	vbroadcast v2, $0x0  }
0x46: {  	v3 =	vmul.f32 v7, v0;
	[tilespmem:s8+$0xFFFFFE30] =	vst v5  }
0x47: {  	v4 =	vmul.f32 v6, v0;
	[tilespmem:s8+$0xFFFFFE50] =	vst v1  }
0x48: {  	v0 =	vmul.f32 v8, v0;
	[tilespmem:s8+$0xFFFFFE10] =	vst v3  }
0x49: {  	[tilespmem:s8+$0xFFFFFE60] =	vst v4  }
0x4a: {  	[tilespmem:s8+$0xFFFFFE40] =	vst v0  }
0x4b: {  	v0 =	vld.idx.msk [tilespmem:v2+s18+$0x0], $0xffff  }
0x4c: {  	v2 =	vld [tilespmem:s8+$0xFFFFFE90]  }
0x4d: {  	v3 =	vld [tilespmem:s8+$0xFFFFFEC0]  }
0x4e: {  	v4 =	vld [tilespmem:s8+$0xFFFFFE80]  }
0x4f: {  	v5 =	vld [tilespmem:s8+$0xFFFFFED0]  }
0x50: {  	v1 =	vld [tilespmem:s8+$0xFFFFFEF0]  }
0x51: {  	v6 =	vld [tilespmem:s8+$0xFFFFFEE0];
	v2 =	vmul.f32 v2, v0  }
0x52: {  	s11 =	simm.s32 $0x2;
	v7 =	vld [tilespmem:s8+$0xFFFFFEB0];
	v3 =	vmul.f32 v3, v0  }
0x53: {  	v8 =	vld [tilespmem:s8+$0xFFFFFEA0];
	v4 =	vmul.f32 v4, v0;
	[tilespmem:s8+$0xFFFFFE90] =	vst v2;
	v2 =	vmov s11  }
0x54: {  	v5 =	vmul.f32 v5, v0;
	[tilespmem:s8+$0xFFFFFEC0] =	vst v3;
	v2 =	vand.u32 $0xFFFFFFFA, v2  }
0x55: {  	v1 =	vmul.f32 v1, v0;
	[tilespmem:s8+$0xFFFFFE80] =	vst v4;
	v2 =	vbroadcast v2, $0x0  }
0x56: {  	v3 =	vmul.f32 v6, v0;
	[tilespmem:s8+$0xFFFFFED0] =	vst v5  }
0x57: {  	v4 =	vmul.f32 v7, v0;
	[tilespmem:s8+$0xFFFFFEF0] =	vst v1  }
0x58: {  	v0 =	vmul.f32 v8, v0;
	[tilespmem:s8+$0xFFFFFEE0] =	vst v3  }
0x59: {  	[tilespmem:s8+$0xFFFFFEB0] =	vst v4  }
0x5a: {  	v1 =	vld [tilespmem:s8+$0xFFFFFF00];
	[tilespmem:s8+$0xFFFFFEA0] =	vst v0  }
0x5b: {  	v0 =	vld.idx.msk [tilespmem:v2+s18+$0x0], $0xffff  }
0x5c: {  	v2 =	vld [tilespmem:s8+$0xFFFFFF60]  }
0x5d: {  	v3 =	vld [tilespmem:s8+$0xFFFFFF10]  }
0x5e: {  	v4 =	vld [tilespmem:s8+$0xFFFFFF50]  }
0x5f: {  	v5 =	vld [tilespmem:s8+$0xFFFFFF70]  }
0x60: {  	v6 =	vld [tilespmem:s8+$0xFFFFFF20];
	v1 =	vmul.f32 v1, v0  }
0x61: {  	s12 =	simm.s32 $0x3;
	v7 =	vld [tilespmem:s8+$0xFFFFFF30];
	v2 =	vmul.f32 v2, v0  }
0x62: {  	v8 =	vld [tilespmem:s8+$0xFFFFFF40];
	v3 =	vmul.f32 v3, v0;
	[tilespmem:s8+$0xFFFFFF00] =	vst v1;
	v1 =	vmov s12  }
0x63: {  	v4 =	vmul.f32 v4, v0;
	[tilespmem:s8+$0xFFFFFF60] =	vst v2;
	v1 =	vand.u32 $0xFFFFFFFB, v1  }
0x64: {  	v2 =	vmul.f32 v5, v0;
	[tilespmem:s8+$0xFFFFFF10] =	vst v3;
	v1 =	vbroadcast v1, $0x0  }
0x65: {  	v3 =	vmul.f32 v6, v0;
	[tilespmem:s8+$0xFFFFFF50] =	vst v4  }
0x66: {  	v4 =	vmul.f32 v7, v0;
	[tilespmem:s8+$0xFFFFFF70] =	vst v2  }
0x67: {  	v0 =	vmul.f32 v8, v0;
	[tilespmem:s8+$0xFFFFFF20] =	vst v3  }
0x68: {  	[tilespmem:s8+$0xFFFFFF30] =	vst v4  }
0x69: {  	[tilespmem:s8+$0xFFFFFF40] =	vst v0  }
0x6a: {  	v0 =	vld.idx.msk [tilespmem:v1+s18+$0x0], $0xffff  }
0x6b: {  	v1 =	vld [tilespmem:s8+$0xFFFFFFB0]  }
0x6c: {  	v3 =	vld [tilespmem:s8+$0xFFFFFFE0]  }
0x6d: {  	v4 =	vld [tilespmem:s8+$0xFFFFFF80]  }
0x6e: {  	v5 =	vld [tilespmem:s8+$0xFFFFFFD0]  }
0x6f: {  	v2 =	vld [tilespmem:s8+$0xFFFFFFF0]  }
0x70: {  	v7 =	vld [tilespmem:s8+$0xFFFFFFA0];
	v1 =	vmul.f32 v1, v0  }
0x71: {  	s13 =	simm.s32 $0x4;
	v6 =	vld [tilespmem:s8+$0xFFFFFF90];
	v3 =	vmul.f32 v3, v0  }
0x72: {  	v8 =	vld [tilespmem:s8+$0xFFFFFFC0];
	v4 =	vmul.f32 v4, v0;
	[tilespmem:s8+$0xFFFFFFB0] =	vst v1;
	v1 =	vmov s13  }
0x73: {  	v5 =	vmul.f32 v5, v0;
	[tilespmem:s8+$0xFFFFFFE0] =	vst v3;
	v1 =	vand.u32 $0xFFFFFFFC, v1  }
0x74: {  	v2 =	vmul.f32 v2, v0;
	[tilespmem:s8+$0xFFFFFF80] =	vst v4;
	v1 =	vbroadcast v1, $0x0  }
0x75: {  	v9 =	vld [tilespmem:s8+$0x40];
	v3 =	vmul.f32 v7, v0;
	[tilespmem:s8+$0xFFFFFFD0] =	vst v5  }
0x76: {  	v4 =	vmul.f32 v6, v0;
	[tilespmem:s8+$0xFFFFFFF0] =	vst v2;
	v7 =	vld [tilespmem:s8+$0x0]  }
0x77: {  	v2 =	vmul.f32 v8, v0;
	v0 =	vld [tilespmem:s8+$0x70];
	[tilespmem:s8+$0xFFFFFFA0] =	vst v3  }
0x78: {  	v6 =	vld [tilespmem:s8+$0x20];
	[tilespmem:s8+$0xFFFFFF90] =	vst v4  }
0x79: {  	v5 =	vld [tilespmem:s8+$0x30];
	[tilespmem:s8+$0xFFFFFFC0] =	vst v2  }
0x7a: {  	v1 =	vld.idx.msk [tilespmem:v1+s18+$0x0], $0xffff  }
0x7b: {  	v2 =	vld [tilespmem:s8+$0x50]  }
0x7c: {  	v3 =	vld [tilespmem:s8+$0x10]  }
0x7d: {  	v4 =	vld [tilespmem:s8+$0x60];
	_ =	sdelay $0x1  }
0x7e: {  	s9 =	simm.s32 $0x2C00;
	s10 =	simm.s32 $0x7;
	s11 =	simm.s32 $0xF;
	v8 =	vmul.f32 v7, v1;
	v7 =	vmul.f32 v9, v1  }
.LBB2_3:
0x7f: {  	p0 =	sne.s32 s11, $0x7F;
	v6 =	vmul.f32 v6, v1;
	v5 =	vmul.f32 v5, v1;
	s12 =	sadd.s32 $0xFFFFFFFE, s10;
	s8 =	sadd.s32 $0x400, s8  }
0x80: {  	v2 =	vmul.f32 v2, v1;
	[tilespmem:s9+$0x0] =	vst v8;
	v3 =	vmul.f32 v3, v1;
	v8 =	vmov s12;
	s12 =	smov.u32 s11;
	s11 =	sadd.s32 $0x8, s11  }
0x81: {  	v0 =	vmul.f32 v0, v1;
	[tilespmem:s9+$0x40] =	vst v7;
	v4 =	vmul.f32 v4, v1;
	v1 =	vand.u32 $0xFFFFFFFD, v8  }
0x82: {  	[tilespmem:s9+$0x20] =	vst v6;
	v1 =	vbroadcast v1, $0x0  }
0x83: {  	[tilespmem:s9+$0x50] =	vst v2  }
0x84: {  	[tilespmem:s9+$0x70] =	vst v0;
	v0 =	vld [tilespmem:s9+$0xA0]  }
0x85: {  	[tilespmem:s9+$0x30] =	vst v5;
	v2 =	vld [tilespmem:s9+$0x80]  }
0x86: {  	[tilespmem:s9+$0x60] =	vst v4;
	v4 =	vld [tilespmem:s9+$0xD0]  }
0x87: {  	[tilespmem:s9+$0x10] =	vst v3;
	v3 =	vld [tilespmem:s9+$0xF0]  }
0x88: {  	v1 =	vld.idx.msk [tilespmem:v1+s18+$0x0], $0xffff  }
0x89: {  	v5 =	vld [tilespmem:s9+$0xC0]  }
0x8a: {  	v6 =	vld [tilespmem:s9+$0xB0]  }
0x8b: {  	v7 =	vld [tilespmem:s9+$0x90]  }
0x8c: {  	v8 =	vld [tilespmem:s9+$0xE0];
	_ =	sdelay $0x1  }
0x8d: {  	v2 =	vmul.f32 v2, v1;
	v5 =	vmul.f32 v5, v1  }
0x8e: {  	s13 =	sadd.s32 $0xFFFFFFFF, s10;
	v0 =	vmul.f32 v0, v1;
	v6 =	vmul.f32 v6, v1  }
0x8f: {  	v4 =	vmul.f32 v4, v1;
	[tilespmem:s9+$0x80] =	vst v2;
	v2 =	vmul.f32 v7, v1;
	v7 =	vmov s13  }
0x90: {  	[tilespmem:s9+$0xA0] =	vst v0;
	v0 =	vmul.f32 v8, v1;
	v1 =	vmul.f32 v3, v1;
	v3 =	vand.u32 $0xFFFFFFFE, v7  }
0x91: {  	[tilespmem:s9+$0xD0] =	vst v4;
	v3 =	vbroadcast v3, $0x0  }
0x92: {  	[tilespmem:s9+$0xC0] =	vst v5  }
0x93: {  	[tilespmem:s9+$0xF0] =	vst v1;
	v1 =	vld [tilespmem:s9+$0x120]  }
0x94: {  	[tilespmem:s9+$0xB0] =	vst v6;
	v4 =	vld [tilespmem:s9+$0x100]  }
0x95: {  	[tilespmem:s9+$0x90] =	vst v2;
	v2 =	vld [tilespmem:s9+$0x140]  }
0x96: {  	[tilespmem:s9+$0xE0] =	vst v0;
	v0 =	vld [tilespmem:s9+$0x130]  }
0x97: {  	v3 =	vld.idx.msk [tilespmem:v3+s18+$0x0], $0xffff  }
0x98: {  	v5 =	vld [tilespmem:s9+$0x110]  }
0x99: {  	v6 =	vld [tilespmem:s9+$0x160]  }
0x9a: {  	v7 =	vld [tilespmem:s9+$0x150]  }
0x9b: {  	v8 =	vld [tilespmem:s9+$0x170];
	_ =	sdelay $0x1  }
0x9c: {  	v4 =	vmul.f32 v4, v3;
	v5 =	vmul.f32 v5, v3  }
0x9d: {  	v1 =	vmul.f32 v1, v3;
	v0 =	vmul.f32 v0, v3  }
0x9e: {  	v2 =	vmul.f32 v2, v3;
	[tilespmem:s9+$0x100] =	vst v4;
	v4 =	vmul.f32 v7, v3  }
0x9f: {  	[tilespmem:s9+$0x120] =	vst v1;
	v1 =	vmul.f32 v6, v3;
	v3 =	vmul.f32 v8, v3  }
0xa0: {  	[tilespmem:s9+$0x130] =	vst v0  }
0xa1: {  	v0 =	vmov s10;
	s10 =	smov.u32 s12;
	[tilespmem:s9+$0x140] =	vst v2  }
0xa2: {  	[tilespmem:s9+$0x160] =	vst v1;
	v1 =	vld [tilespmem:s9+$0x180]  }
0xa3: {  	[tilespmem:s9+$0x110] =	vst v5;
	v2 =	vld [tilespmem:s9+$0x1A0]  }
0xa4: {  	[tilespmem:s9+$0x150] =	vst v4;
	v4 =	vld [tilespmem:s9+$0x1F0]  }
0xa5: {  	[tilespmem:s9+$0x170] =	vst v3;
	v3 =	vld [tilespmem:s9+$0x1D0]  }
0xa6: {  	v0 =	vld.idx.msk [tilespmem:v0+s18+$0x0], $0xffff  }
0xa7: {  	v5 =	vld [tilespmem:s9+$0x190]  }
0xa8: {  	v6 =	vld [tilespmem:s9+$0x1B0]  }
0xa9: {  	v7 =	vld [tilespmem:s9+$0x1C0]  }
0xaa: {  	v8 =	vld [tilespmem:s9+$0x1E0];
	_ =	sdelay $0x1  }
0xab: {  	v1 =	vmul.f32 v1, v0;
	v5 =	vmul.f32 v5, v0  }
0xac: {  	s12 =	sadd.s32 $0xFFFFFFF9, s10;
	v2 =	vmul.f32 v2, v0;
	v6 =	vmul.f32 v6, v0  }
0xad: {  	v9 =	vmov s12;
	v3 =	vmul.f32 v3, v0;
	[tilespmem:s9+$0x180] =	vst v1;
	v1 =	vmul.f32 v7, v0  }
0xae: {  	v7 =	vand.u32 $0xFFFFFFF8, v9;
	[tilespmem:s9+$0x190] =	vst v5;
	v5 =	vmul.f32 v8, v0;
	v0 =	vmul.f32 v4, v0  }
0xaf: {  	v4 =	vbroadcast v7, $0x0;
	[tilespmem:s9+$0x1A0] =	vst v2  }
0xb0: {  	[tilespmem:s9+$0x1F0] =	vst v0  }
0xb1: {  	v0 =	vld [tilespmem:s8+$0xFFFFFE50];
	[tilespmem:s9+$0x1D0] =	vst v3  }
0xb2: {  	v2 =	vld [tilespmem:s8+$0xFFFFFE30];
	[tilespmem:s9+$0x1B0] =	vst v6  }
0xb3: {  	v3 =	vld [tilespmem:s8+$0xFFFFFE60];
	[tilespmem:s9+$0x1E0] =	vst v5  }
0xb4: {  	v5 =	vld [tilespmem:s8+$0xFFFFFE70];
	[tilespmem:s9+$0x1C0] =	vst v1;
	s9 =	smov.u32 s8  }
0xb5: {  	v1 =	vld.idx.msk [tilespmem:v4+s18+$0x0], $0xffff  }
0xb6: {  	v4 =	vld [tilespmem:s8+$0xFFFFFE00]  }
0xb7: {  	v6 =	vld [tilespmem:s8+$0xFFFFFE20]  }
0xb8: {  	v7 =	vld [tilespmem:s8+$0xFFFFFE10]  }
0xb9: {  	v8 =	vld [tilespmem:s8+$0xFFFFFE40];
	_ =	sdelay $0x1  }
0xba: {  	v5 =	vmul.f32 v5, v1;
	v4 =	vmul.f32 v4, v1  }
0xbb: {  	s12 =	sadd.s32 $0xFFFFFFFA, s10;
	v3 =	vmul.f32 v3, v1;
	v6 =	vmul.f32 v6, v1  }
0xbc: {  	v2 =	vmul.f32 v2, v1;
	v7 =	vmul.f32 v7, v1;
	[tilespmem:s8+$0xFFFFFE70] =	vst v5;
	v5 =	vmov s12  }
0xbd: {  	v0 =	vmul.f32 v0, v1;
	[tilespmem:s8+$0xFFFFFE00] =	vst v4;
	v4 =	vmul.f32 v8, v1;
	v1 =	vand.u32 $0xFFFFFFF9, v5  }
0xbe: {  	[tilespmem:s8+$0xFFFFFE20] =	vst v6;
	v1 =	vbroadcast v1, $0x0  }
0xbf: {  	[tilespmem:s8+$0xFFFFFE30] =	vst v2  }
0xc0: {  	[tilespmem:s8+$0xFFFFFE50] =	vst v0;
	v0 =	vld [tilespmem:s8+$0xFFFFFEF0]  }
0xc1: {  	[tilespmem:s8+$0xFFFFFE10] =	vst v7;
	v2 =	vld [tilespmem:s8+$0xFFFFFED0]  }
0xc2: {  	[tilespmem:s8+$0xFFFFFE60] =	vst v3;
	v3 =	vld [tilespmem:s8+$0xFFFFFEB0]  }
0xc3: {  	[tilespmem:s8+$0xFFFFFE40] =	vst v4;
	v4 =	vld [tilespmem:s8+$0xFFFFFEC0]  }
0xc4: {  	v1 =	vld.idx.msk [tilespmem:v1+s18+$0x0], $0xffff  }
0xc5: {  	v5 =	vld [tilespmem:s8+$0xFFFFFE90]  }
0xc6: {  	v6 =	vld [tilespmem:s8+$0xFFFFFE80]  }
0xc7: {  	v7 =	vld [tilespmem:s8+$0xFFFFFEA0]  }
0xc8: {  	v8 =	vld [tilespmem:s8+$0xFFFFFEE0];
	_ =	sdelay $0x1  }
0xc9: {  	v4 =	vmul.f32 v4, v1;
	v5 =	vmul.f32 v5, v1  }
0xca: {  	s12 =	sadd.s32 $0xFFFFFFFB, s10;
	v3 =	vmul.f32 v3, v1;
	v6 =	vmul.f32 v6, v1  }
0xcb: {  	v2 =	vmul.f32 v2, v1;
	[tilespmem:s8+$0xFFFFFE90] =	vst v5;
	v5 =	vmul.f32 v7, v1;
	v7 =	vmov s12  }
0xcc: {  	v0 =	vmul.f32 v0, v1;
	[tilespmem:s8+$0xFFFFFEC0] =	vst v4;
	v4 =	vmul.f32 v8, v1;
	v1 =	vand.u32 $0xFFFFFFFA, v7  }
0xcd: {  	[tilespmem:s8+$0xFFFFFE80] =	vst v6;
	v1 =	vbroadcast v1, $0x0  }
0xce: {  	[tilespmem:s8+$0xFFFFFED0] =	vst v2  }
0xcf: {  	[tilespmem:s8+$0xFFFFFEE0] =	vst v4;
	v2 =	vld [tilespmem:s8+$0xFFFFFF70]  }
0xd0: {  	[tilespmem:s8+$0xFFFFFEB0] =	vst v3;
	v3 =	vld [tilespmem:s8+$0xFFFFFF50]  }
0xd1: {  	[tilespmem:s8+$0xFFFFFEF0] =	vst v0;
	v0 =	vld [tilespmem:s8+$0xFFFFFF20]  }
0xd2: {  	[tilespmem:s8+$0xFFFFFEA0] =	vst v5;
	v4 =	vld [tilespmem:s8+$0xFFFFFF60]  }
0xd3: {  	v1 =	vld.idx.msk [tilespmem:v1+s18+$0x0], $0xffff  }
0xd4: {  	v5 =	vld [tilespmem:s8+$0xFFFFFF00]  }
0xd5: {  	v6 =	vld [tilespmem:s8+$0xFFFFFF10]  }
0xd6: {  	v7 =	vld [tilespmem:s8+$0xFFFFFF40]  }
0xd7: {  	v8 =	vld [tilespmem:s8+$0xFFFFFF30];
	_ =	sdelay $0x1  }
0xd8: {  	v4 =	vmul.f32 v4, v1;
	v5 =	vmul.f32 v5, v1  }
0xd9: {  	s12 =	sadd.s32 $0xFFFFFFFC, s10;
	v0 =	vmul.f32 v0, v1;
	v6 =	vmul.f32 v6, v1  }
0xda: {  	v3 =	vmul.f32 v3, v1;
	[tilespmem:s8+$0xFFFFFF00] =	vst v5;
	v5 =	vmul.f32 v7, v1;
	v7 =	vmov s12  }
0xdb: {  	v8 =	vmul.f32 v8, v1;
	[tilespmem:s8+$0xFFFFFF60] =	vst v4;
	v1 =	vmul.f32 v2, v1;
	v2 =	vand.u32 $0xFFFFFFFB, v7  }
0xdc: {  	[tilespmem:s8+$0xFFFFFF10] =	vst v6;
	v2 =	vbroadcast v2, $0x0  }
0xdd: {  	[tilespmem:s8+$0xFFFFFF50] =	vst v3  }
0xde: {  	[tilespmem:s8+$0xFFFFFF70] =	vst v1;
	v1 =	vld [tilespmem:s8+$0xFFFFFFF0]  }
0xdf: {  	[tilespmem:s8+$0xFFFFFF20] =	vst v0;
	v0 =	vld [tilespmem:s8+$0xFFFFFFD0]  }
0xe0: {  	[tilespmem:s8+$0xFFFFFF30] =	vst v8;
	v3 =	vld [tilespmem:s8+$0xFFFFFF90]  }
0xe1: {  	[tilespmem:s8+$0xFFFFFF40] =	vst v5;
	v4 =	vld [tilespmem:s8+$0xFFFFFFE0]  }
0xe2: {  	v2 =	vld.idx.msk [tilespmem:v2+s18+$0x0], $0xffff  }
0xe3: {  	v5 =	vld [tilespmem:s8+$0xFFFFFFB0]  }
0xe4: {  	v6 =	vld [tilespmem:s8+$0xFFFFFF80]  }
0xe5: {  	v7 =	vld [tilespmem:s8+$0xFFFFFFC0]  }
0xe6: {  	v8 =	vld [tilespmem:s8+$0xFFFFFFA0];
	_ =	sdelay $0x1  }
0xe7: {  	v4 =	vmul.f32 v4, v2;
	v5 =	vmul.f32 v5, v2  }
0xe8: {  	s12 =	sadd.s32 $0xFFFFFFFD, s10;
	v3 =	vmul.f32 v3, v2;
	v6 =	vmul.f32 v6, v2  }
0xe9: {  	v0 =	vmul.f32 v0, v2;
	[tilespmem:s8+$0xFFFFFFB0] =	vst v5;
	v5 =	vmul.f32 v7, v2;
	v7 =	vmov s12  }
0xea: {  	v1 =	vmul.f32 v1, v2;
	v8 =	vmul.f32 v8, v2;
	[tilespmem:s8+$0xFFFFFFE0] =	vst v4;
	v2 =	vand.u32 $0xFFFFFFFC, v7  }
0xeb: {  	[tilespmem:s8+$0xFFFFFF80] =	vst v6;
	v4 =	vbroadcast v2, $0x0  }
0xec: {  	[tilespmem:s8+$0xFFFFFFD0] =	vst v0  }
0xed: {  	[tilespmem:s8+$0xFFFFFFF0] =	vst v1;
	v7 =	vld [tilespmem:s8+$0x0]  }
0xee: {  	[tilespmem:s8+$0xFFFFFFA0] =	vst v8;
	v0 =	vld [tilespmem:s8+$0x70]  }
0xef: {  	[tilespmem:s8+$0xFFFFFF90] =	vst v3;
	v2 =	vld [tilespmem:s8+$0x50]  }
0xf0: {  	[tilespmem:s8+$0xFFFFFFC0] =	vst v5;
	v6 =	vld [tilespmem:s8+$0x20]  }
0xf1: {  	v1 =	vld.idx.msk [tilespmem:v4+s18+$0x0], $0xffff  }
0xf2: {  	v9 =	vld [tilespmem:s8+$0x40]  }
.Ltmp0:
0xf3: {  	v5 =	vld [tilespmem:s8+$0x30];
	(pc) =	sbr.rel @p0 .LBB2_3-.Ltmp0, $3  }
0xf4: {  	v3 =	vld [tilespmem:s8+$0x10]  }
0xf5: {  	v4 =	vld [tilespmem:s8+$0x60];
	_ =	sdelay $0x1  }
0xf6: {  	v8 =	vmul.f32 v7, v1;
	v7 =	vmul.f32 v9, v1  }
0xf7: {  	s8 =	sadd.s32 $0xFFFFFFFE, s10  }
0xf8: {  	v6 =	vmul.f32 v6, v1;
	[tilespmem:s9+$0x0] =	vst v8;
	v8 =	vmov s8  }
0xf9: {  	v2 =	vmul.f32 v2, v1;
	[tilespmem:s9+$0x40] =	vst v7;
	v7 =	vand.u32 $0xFFFFFFFD, v8  }
0xfa: {  	v0 =	vmul.f32 v0, v1;
	[tilespmem:s9+$0x20] =	vst v6;
	v6 =	vbroadcast v7, $0x0  }
0xfb: {  	v5 =	vmul.f32 v5, v1;
	[tilespmem:s9+$0x50] =	vst v2  }
0xfc: {  	v2 =	vmul.f32 v4, v1;
	[tilespmem:s9+$0x70] =	vst v0  }
0xfd: {  	v0 =	vmul.f32 v3, v1;
	[tilespmem:s9+$0x30] =	vst v5  }
0xfe: {  	[tilespmem:s9+$0x60] =	vst v2  }
0xff: {  	v1 =	vld [tilespmem:s9+$0x80];
	[tilespmem:s9+$0x10] =	vst v0  }
0x100: {  	v0 =	vld.idx.msk [tilespmem:v6+s18+$0x0], $0xffff  }
0x101: {  	v2 =	vld [tilespmem:s9+$0xA0]  }
0x102: {  	v4 =	vld [tilespmem:s9+$0xC0]  }
0x103: {  	v3 =	vld [tilespmem:s9+$0xD0];
	_ =	sdelay $0x1  }
0x104: {  	v7 =	vld [tilespmem:s9+$0x90];
	v1 =	vmul.f32 v1, v0  }
0x105: {  	v5 =	vld [tilespmem:s9+$0xF0];
	v2 =	vmul.f32 v2, v0  }
0x106: {  	s13 =	sadd.s32 $0xFFFFFFFF, s10;
	v6 =	vld [tilespmem:s9+$0xB0];
	v4 =	vmul.f32 v4, v0;
	[tilespmem:s9+$0x80] =	vst v1  }
0x107: {  	v8 =	vld [tilespmem:s9+$0xE0];
	v1 =	vmul.f32 v3, v0;
	v3 =	vmov s13;
	[tilespmem:s9+$0xA0] =	vst v2  }
0x108: {  	[tilespmem:s9+$0xC0] =	vst v4;
	v2 =	vand.u32 $0xFFFFFFFE, v3  }
0x109: {  	v4 =	vmul.f32 v7, v0;
	[tilespmem:s9+$0xD0] =	vst v1;
	v1 =	vbroadcast v2, $0x0  }
0x10a: {  	v3 =	vmul.f32 v5, v0  }
0x10b: {  	v2 =	vmul.f32 v6, v0;
	[tilespmem:s9+$0x90] =	vst v4  }
0x10c: {  	v0 =	vmul.f32 v8, v0;
	[tilespmem:s9+$0xF0] =	vst v3  }
0x10d: {  	[tilespmem:s9+$0xB0] =	vst v2  }
0x10e: {  	v2 =	vld [tilespmem:s9+$0x100];
	[tilespmem:s9+$0xE0] =	vst v0  }
0x10f: {  	v0 =	vld.idx.msk [tilespmem:v1+s18+$0x0], $0xffff  }
0x110: {  	v1 =	vld [tilespmem:s9+$0x120]  }
0x111: {  	v3 =	vld [tilespmem:s9+$0x130]  }
0x112: {  	v4 =	vld [tilespmem:s9+$0x140]  }
0x113: {  	v5 =	vld [tilespmem:s9+$0x160]  }
0x114: {  	v6 =	vld [tilespmem:s9+$0x110];
	v2 =	vmul.f32 v2, v0  }
0x115: {  	v7 =	vld [tilespmem:s9+$0x150];
	v1 =	vmul.f32 v1, v0  }
0x116: {  	v8 =	vld [tilespmem:s9+$0x170];
	v3 =	vmul.f32 v3, v0;
	[tilespmem:s9+$0x100] =	vst v2  }
0x117: {  	v2 =	vmul.f32 v4, v0;
	[tilespmem:s9+$0x120] =	vst v1  }
0x118: {  	v1 =	vmul.f32 v5, v0;
	[tilespmem:s9+$0x130] =	vst v3  }
0x119: {  	v3 =	vmul.f32 v6, v0;
	[tilespmem:s9+$0x140] =	vst v2;
	v2 =	vmov s10  }
0x11a: {  	v4 =	vmul.f32 v7, v0;
	[tilespmem:s9+$0x160] =	vst v1  }
0x11b: {  	v0 =	vmul.f32 v8, v0;
	[tilespmem:s9+$0x110] =	vst v3  }
0x11c: {  	[tilespmem:s9+$0x150] =	vst v4  }
0x11d: {  	v1 =	vld [tilespmem:s9+$0x180];
	[tilespmem:s9+$0x170] =	vst v0  }
0x11e: {  	v0 =	vld.idx.msk [tilespmem:v2+s18+$0x0], $0xffff  }
0x11f: {  	v2 =	vld [tilespmem:s9+$0x190]  }
0x120: {  	v3 =	vld [tilespmem:s9+$0x1A0]  }
0x121: {  	v4 =	vld [tilespmem:s9+$0x1F0]  }
0x122: {  	v5 =	vld [tilespmem:s9+$0x1D0]  }
0x123: {  	v6 =	vld [tilespmem:s9+$0x1B0];
	v1 =	vmul.f32 v1, v0  }
0x124: {  	v7 =	vld [tilespmem:s9+$0x1E0];
	v2 =	vmul.f32 v2, v0  }
0x125: {  	v8 =	vld [tilespmem:s9+$0x1C0];
	v3 =	vmul.f32 v3, v0;
	[tilespmem:s9+$0x180] =	vst v1  }
0x126: {  	[tilespmem:s9+$0x190] =	vst v2;
	v1 =	vmul.f32 v4, v0  }
0x127: {  	v2 =	vmul.f32 v5, v0;
	[tilespmem:s9+$0x1A0] =	vst v3  }
0x128: {  	v3 =	vmul.f32 v6, v0;
	[tilespmem:s9+$0x1F0] =	vst v1  }
0x129: {  	v1 =	vmul.f32 v7, v0;
	[tilespmem:s9+$0x1D0] =	vst v2  }
0x12a: {  	v0 =	vmul.f32 v8, v0;
	[tilespmem:s9+$0x1B0] =	vst v3  }
0x12b: {  	p0 =	seq.s32 s1, $0x27;
	[tilespmem:s9+$0x1E0] =	vst v1  }
0x12c: {  	s8 =	simm.s32 @!p0 $0x5;
	s0 =	sadd.s32 @!p0 s7, s0;
	[tilespmem:s9+$0x1C0] =	vst v0  }
0x12d: {  	[spmem:s2] =	stream.indirect.scatter.add.f32 [tilespmem:s20], [sflag:$0x5], $0x80, s17, s19, $0xb8;
	[tilespmem:$0x1EA00] =	vst v63  }
0x12e: {  	s0 =	sshll.u32 @!p0 s0, $0x4;
	_ =	swait.ge @!p0 [sflag:s8], $0x4000  }
0x12f: {  	s0 =	sadd.s32 @!p0 $0x10, s0;
	s10 =	simm.s32 @!p0 $0x2800;
	[sflag:s8] =	ssyncset.done @!p0 $0x0  }
0x130: {  	s9 =	simm.s32 @!p0 $0x0;
	[sflag:s8] =	ssyncadd.s32 @!p0 $0xFFFFC000;
	s8 =	sadd.s32 @!p0 s6, s0  }
0x131: {  	[tilespmem:s10], [sflag:$0x1] =	stream.linear.gather @!p0 [hbm4b:s8+s9], $0x80, $0x38;
	[tilespmem:$0x1EA00] =	vst v63  }
0x132: {  	s0 =	sadd.s32 @!p0 s5, s0;
	s8 =	simm.s32 @!p0 $0x2900  }
0x133: {  	[tilespmem:s8], [sflag:$0x1] =	stream.linear.gather @!p0 [hbm4b:s0+s9], $0x80, $0x38;
	[tilespmem:$0x1EA00] =	vst v63  }
0x134: {  	s0 =	sshll.u32 @!p0 s1, $0x8  }
0x135: {  	s0 =	sand.u32 @!p0 $0x3FFFFF00, s0  }
0x136: {  	s8 =	simm.s32 @!p0 $0x80;
	s9 =	simm.s32 @!p0 $0x2A00;
	s0 =	sadd.s32 @!p0 $0x100, s0  }
0x137: {  	[tilespmem:s9], [sflag:$0x3] =	stream.indirect.gather @!p0 [hbm4b:s4+s8], $0x80, s0, s8, $0xb8;
	[tilespmem:$0x1EA00] =	vst v63  }
0x138: {  	_ =	swait.ge [sflag:s26], $0x4000  }
0x139: {  	s9 =	simm.s32 $0x0;
	[sflag:s26] =	ssyncset.done $0x0  }
0x13a: {  	v0 =	vmov s9;
	[sflag:s26] =	ssyncadd.s32 $0xFFFFC000  }
0x13b: {  	v0 =	vand.u32 $0xFFFFFFF8, v0;
	_ =	swait.ge [sflag:s28], $0x80  }
0x13c: {  	v0 =	vbroadcast v0, $0x0;
	[sflag:s28] =	ssyncset.done $0x0  }
0x13d: {  	[sflag:s28] =	ssyncadd.s32 $0xFFFFFF80  }
0x13e: {  	_ =	swait.ge [sflag:s28], $0x80  }
0x13f: {  	[sflag:s28] =	ssyncset.done $0x0  }
0x140: {  	s0 =	simm.s32 $0x6C00;
	[sflag:s28] =	ssyncadd.s32 $0xFFFFFF80  }
0x141: {  	v2 =	vld [tilespmem:s0+$0xFFFFFE70]  }
0x142: {  	v0 =	vld.idx.msk [tilespmem:v0+s22+$0x0], $0xffff  }
0x143: {  	v3 =	vld [tilespmem:s0+$0xFFFFFE00]  }
0x144: {  	v4 =	vld [tilespmem:s0+$0xFFFFFE20]  }
0x145: {  	v5 =	vld [tilespmem:s0+$0xFFFFFE30]  }
0x146: {  	v1 =	vld [tilespmem:s0+$0xFFFFFE50]  }
0x147: {  	v7 =	vld [tilespmem:s0+$0xFFFFFE10];
	v2 =	vmul.f32 v2, v0  }
0x148: {  	s10 =	simm.s32 $0x1;
	v6 =	vld [tilespmem:s0+$0xFFFFFE60];
	v3 =	vmul.f32 v3, v0  }
0x149: {  	v8 =	vld [tilespmem:s0+$0xFFFFFE40];
	v4 =	vmul.f32 v4, v0;
	[tilespmem:s0+$0xFFFFFE70] =	vst v2;
	v2 =	vmov s10  }
0x14a: {  	v5 =	vmul.f32 v5, v0;
	[tilespmem:s0+$0xFFFFFE00] =	vst v3;
	v2 =	vand.u32 $0xFFFFFFF9, v2  }
0x14b: {  	v1 =	vmul.f32 v1, v0;
	[tilespmem:s0+$0xFFFFFE20] =	vst v4;
	v2 =	vbroadcast v2, $0x0  }
0x14c: {  	v3 =	vmul.f32 v7, v0;
	[tilespmem:s0+$0xFFFFFE30] =	vst v5  }
0x14d: {  	v4 =	vmul.f32 v6, v0;
	[tilespmem:s0+$0xFFFFFE50] =	vst v1  }
0x14e: {  	v0 =	vmul.f32 v8, v0;
	[tilespmem:s0+$0xFFFFFE10] =	vst v3  }
0x14f: {  	[tilespmem:s0+$0xFFFFFE60] =	vst v4  }
0x150: {  	[tilespmem:s0+$0xFFFFFE40] =	vst v0  }
0x151: {  	v0 =	vld.idx.msk [tilespmem:v2+s22+$0x0], $0xffff  }
0x152: {  	v2 =	vld [tilespmem:s0+$0xFFFFFE90]  }
0x153: {  	v3 =	vld [tilespmem:s0+$0xFFFFFEC0]  }
0x154: {  	v4 =	vld [tilespmem:s0+$0xFFFFFE80]  }
0x155: {  	v5 =	vld [tilespmem:s0+$0xFFFFFED0]  }
0x156: {  	v1 =	vld [tilespmem:s0+$0xFFFFFEF0]  }
0x157: {  	v6 =	vld [tilespmem:s0+$0xFFFFFEE0];
	v2 =	vmul.f32 v2, v0  }
0x158: {  	s11 =	simm.s32 $0x2;
	v7 =	vld [tilespmem:s0+$0xFFFFFEB0];
	v3 =	vmul.f32 v3, v0  }
0x159: {  	v8 =	vld [tilespmem:s0+$0xFFFFFEA0];
	v4 =	vmul.f32 v4, v0;
	[tilespmem:s0+$0xFFFFFE90] =	vst v2;
	v2 =	vmov s11  }
0x15a: {  	v5 =	vmul.f32 v5, v0;
	[tilespmem:s0+$0xFFFFFEC0] =	vst v3;
	v2 =	vand.u32 $0xFFFFFFFA, v2  }
0x15b: {  	v1 =	vmul.f32 v1, v0;
	[tilespmem:s0+$0xFFFFFE80] =	vst v4;
	v2 =	vbroadcast v2, $0x0  }
0x15c: {  	v3 =	vmul.f32 v6, v0;
	[tilespmem:s0+$0xFFFFFED0] =	vst v5  }
0x15d: {  	v4 =	vmul.f32 v7, v0;
	[tilespmem:s0+$0xFFFFFEF0] =	vst v1  }
0x15e: {  	v0 =	vmul.f32 v8, v0;
	[tilespmem:s0+$0xFFFFFEE0] =	vst v3  }
0x15f: {  	[tilespmem:s0+$0xFFFFFEB0] =	vst v4  }
0x160: {  	v1 =	vld [tilespmem:s0+$0xFFFFFF00];
	[tilespmem:s0+$0xFFFFFEA0] =	vst v0  }
0x161: {  	v0 =	vld.idx.msk [tilespmem:v2+s22+$0x0], $0xffff  }
0x162: {  	v2 =	vld [tilespmem:s0+$0xFFFFFF60]  }
0x163: {  	v3 =	vld [tilespmem:s0+$0xFFFFFF10]  }
0x164: {  	v4 =	vld [tilespmem:s0+$0xFFFFFF50]  }
0x165: {  	v5 =	vld [tilespmem:s0+$0xFFFFFF70]  }
0x166: {  	v6 =	vld [tilespmem:s0+$0xFFFFFF20];
	v1 =	vmul.f32 v1, v0  }
0x167: {  	s12 =	simm.s32 $0x3;
	v7 =	vld [tilespmem:s0+$0xFFFFFF30];
	v2 =	vmul.f32 v2, v0  }
0x168: {  	v8 =	vld [tilespmem:s0+$0xFFFFFF40];
	v3 =	vmul.f32 v3, v0;
	[tilespmem:s0+$0xFFFFFF00] =	vst v1;
	v1 =	vmov s12  }
0x169: {  	v4 =	vmul.f32 v4, v0;
	[tilespmem:s0+$0xFFFFFF60] =	vst v2;
	v1 =	vand.u32 $0xFFFFFFFB, v1  }
0x16a: {  	v2 =	vmul.f32 v5, v0;
	[tilespmem:s0+$0xFFFFFF10] =	vst v3;
	v1 =	vbroadcast v1, $0x0  }
0x16b: {  	v3 =	vmul.f32 v6, v0;
	[tilespmem:s0+$0xFFFFFF50] =	vst v4  }
0x16c: {  	v4 =	vmul.f32 v7, v0;
	[tilespmem:s0+$0xFFFFFF70] =	vst v2  }
0x16d: {  	v0 =	vmul.f32 v8, v0;
	[tilespmem:s0+$0xFFFFFF20] =	vst v3  }
0x16e: {  	[tilespmem:s0+$0xFFFFFF30] =	vst v4  }
0x16f: {  	[tilespmem:s0+$0xFFFFFF40] =	vst v0  }
0x170: {  	v0 =	vld.idx.msk [tilespmem:v1+s22+$0x0], $0xffff  }
0x171: {  	v1 =	vld [tilespmem:s0+$0xFFFFFFB0]  }
0x172: {  	v3 =	vld [tilespmem:s0+$0xFFFFFFE0]  }
0x173: {  	v4 =	vld [tilespmem:s0+$0xFFFFFF80]  }
0x174: {  	v5 =	vld [tilespmem:s0+$0xFFFFFFD0]  }
0x175: {  	v2 =	vld [tilespmem:s0+$0xFFFFFFF0]  }
0x176: {  	v7 =	vld [tilespmem:s0+$0xFFFFFFA0];
	v1 =	vmul.f32 v1, v0  }
0x177: {  	s13 =	simm.s32 $0x4;
	v6 =	vld [tilespmem:s0+$0xFFFFFF90];
	v3 =	vmul.f32 v3, v0  }
0x178: {  	v8 =	vld [tilespmem:s0+$0xFFFFFFC0];
	v4 =	vmul.f32 v4, v0;
	[tilespmem:s0+$0xFFFFFFB0] =	vst v1;
	v1 =	vmov s13  }
0x179: {  	v5 =	vmul.f32 v5, v0;
	[tilespmem:s0+$0xFFFFFFE0] =	vst v3;
	v1 =	vand.u32 $0xFFFFFFFC, v1  }
0x17a: {  	v2 =	vmul.f32 v2, v0;
	[tilespmem:s0+$0xFFFFFF80] =	vst v4;
	v1 =	vbroadcast v1, $0x0  }
0x17b: {  	v9 =	vld [tilespmem:s0+$0x40];
	v3 =	vmul.f32 v7, v0;
	[tilespmem:s0+$0xFFFFFFD0] =	vst v5  }
0x17c: {  	v4 =	vmul.f32 v6, v0;
	[tilespmem:s0+$0xFFFFFFF0] =	vst v2;
	v7 =	vld [tilespmem:s0+$0x0]  }
0x17d: {  	v2 =	vmul.f32 v8, v0;
	v0 =	vld [tilespmem:s0+$0x70];
	[tilespmem:s0+$0xFFFFFFA0] =	vst v3  }
0x17e: {  	v6 =	vld [tilespmem:s0+$0x20];
	[tilespmem:s0+$0xFFFFFF90] =	vst v4  }
0x17f: {  	v5 =	vld [tilespmem:s0+$0x30];
	[tilespmem:s0+$0xFFFFFFC0] =	vst v2  }
0x180: {  	v1 =	vld.idx.msk [tilespmem:v1+s22+$0x0], $0xffff  }
0x181: {  	v2 =	vld [tilespmem:s0+$0x50]  }
0x182: {  	v3 =	vld [tilespmem:s0+$0x10]  }
0x183: {  	v4 =	vld [tilespmem:s0+$0x60];
	_ =	sdelay $0x1  }
0x184: {  	s8 =	simm.s32 $0x6C00;
	s9 =	simm.s32 $0x7;
	s10 =	simm.s32 $0xF;
	v8 =	vmul.f32 v7, v1;
	v7 =	vmul.f32 v9, v1  }
.LBB2_5:
0x185: {  	p0 =	sne.s32 s10, $0x7F;
	v6 =	vmul.f32 v6, v1;
	v5 =	vmul.f32 v5, v1;
	s11 =	sadd.s32 $0xFFFFFFFE, s9;
	s0 =	sadd.s32 $0x400, s0  }
0x186: {  	v2 =	vmul.f32 v2, v1;
	[tilespmem:s8+$0x0] =	vst v8;
	v3 =	vmul.f32 v3, v1;
	v8 =	vmov s11;
	s11 =	smov.u32 s10;
	s10 =	sadd.s32 $0x8, s10  }
0x187: {  	v0 =	vmul.f32 v0, v1;
	[tilespmem:s8+$0x40] =	vst v7;
	v4 =	vmul.f32 v4, v1;
	v1 =	vand.u32 $0xFFFFFFFD, v8  }
0x188: {  	[tilespmem:s8+$0x20] =	vst v6;
	v1 =	vbroadcast v1, $0x0  }
0x189: {  	[tilespmem:s8+$0x50] =	vst v2  }
0x18a: {  	[tilespmem:s8+$0x70] =	vst v0;
	v0 =	vld [tilespmem:s8+$0xA0]  }
0x18b: {  	[tilespmem:s8+$0x30] =	vst v5;
	v2 =	vld [tilespmem:s8+$0x80]  }
0x18c: {  	[tilespmem:s8+$0x60] =	vst v4;
	v4 =	vld [tilespmem:s8+$0xD0]  }
0x18d: {  	[tilespmem:s8+$0x10] =	vst v3;
	v3 =	vld [tilespmem:s8+$0xF0]  }
0x18e: {  	v1 =	vld.idx.msk [tilespmem:v1+s22+$0x0], $0xffff  }
0x18f: {  	v5 =	vld [tilespmem:s8+$0xC0]  }
0x190: {  	v6 =	vld [tilespmem:s8+$0xB0]  }
0x191: {  	v7 =	vld [tilespmem:s8+$0x90]  }
0x192: {  	v8 =	vld [tilespmem:s8+$0xE0];
	_ =	sdelay $0x1  }
0x193: {  	v2 =	vmul.f32 v2, v1;
	v5 =	vmul.f32 v5, v1  }
0x194: {  	s12 =	sadd.s32 $0xFFFFFFFF, s9;
	v0 =	vmul.f32 v0, v1;
	v6 =	vmul.f32 v6, v1  }
0x195: {  	v4 =	vmul.f32 v4, v1;
	[tilespmem:s8+$0x80] =	vst v2;
	v2 =	vmul.f32 v7, v1;
	v7 =	vmov s12  }
0x196: {  	[tilespmem:s8+$0xA0] =	vst v0;
	v0 =	vmul.f32 v8, v1;
	v1 =	vmul.f32 v3, v1;
	v3 =	vand.u32 $0xFFFFFFFE, v7  }
0x197: {  	[tilespmem:s8+$0xD0] =	vst v4;
	v3 =	vbroadcast v3, $0x0  }
0x198: {  	[tilespmem:s8+$0xC0] =	vst v5  }
0x199: {  	[tilespmem:s8+$0xF0] =	vst v1;
	v1 =	vld [tilespmem:s8+$0x120]  }
0x19a: {  	[tilespmem:s8+$0xB0] =	vst v6;
	v4 =	vld [tilespmem:s8+$0x100]  }
0x19b: {  	[tilespmem:s8+$0x90] =	vst v2;
	v2 =	vld [tilespmem:s8+$0x140]  }
0x19c: {  	[tilespmem:s8+$0xE0] =	vst v0;
	v0 =	vld [tilespmem:s8+$0x130]  }
0x19d: {  	v3 =	vld.idx.msk [tilespmem:v3+s22+$0x0], $0xffff  }
0x19e: {  	v5 =	vld [tilespmem:s8+$0x110]  }
0x19f: {  	v6 =	vld [tilespmem:s8+$0x160]  }
0x1a0: {  	v7 =	vld [tilespmem:s8+$0x150]  }
0x1a1: {  	v8 =	vld [tilespmem:s8+$0x170];
	_ =	sdelay $0x1  }
0x1a2: {  	v4 =	vmul.f32 v4, v3;
	v5 =	vmul.f32 v5, v3  }
0x1a3: {  	v1 =	vmul.f32 v1, v3;
	v0 =	vmul.f32 v0, v3  }
0x1a4: {  	v2 =	vmul.f32 v2, v3;
	[tilespmem:s8+$0x100] =	vst v4;
	v4 =	vmul.f32 v7, v3  }
0x1a5: {  	[tilespmem:s8+$0x120] =	vst v1;
	v1 =	vmul.f32 v6, v3;
	v3 =	vmul.f32 v8, v3  }
0x1a6: {  	[tilespmem:s8+$0x130] =	vst v0  }
0x1a7: {  	v0 =	vmov s9;
	s9 =	smov.u32 s11;
	[tilespmem:s8+$0x140] =	vst v2  }
0x1a8: {  	[tilespmem:s8+$0x160] =	vst v1;
	v1 =	vld [tilespmem:s8+$0x180]  }
0x1a9: {  	[tilespmem:s8+$0x110] =	vst v5;
	v2 =	vld [tilespmem:s8+$0x1A0]  }
0x1aa: {  	[tilespmem:s8+$0x150] =	vst v4;
	v4 =	vld [tilespmem:s8+$0x1F0]  }
0x1ab: {  	[tilespmem:s8+$0x170] =	vst v3;
	v3 =	vld [tilespmem:s8+$0x1D0]  }
0x1ac: {  	v0 =	vld.idx.msk [tilespmem:v0+s22+$0x0], $0xffff  }
0x1ad: {  	v5 =	vld [tilespmem:s8+$0x190]  }
0x1ae: {  	v6 =	vld [tilespmem:s8+$0x1B0]  }
0x1af: {  	v7 =	vld [tilespmem:s8+$0x1C0]  }
0x1b0: {  	v8 =	vld [tilespmem:s8+$0x1E0];
	_ =	sdelay $0x1  }
0x1b1: {  	v1 =	vmul.f32 v1, v0;
	v5 =	vmul.f32 v5, v0  }
0x1b2: {  	s11 =	sadd.s32 $0xFFFFFFF9, s9;
	v2 =	vmul.f32 v2, v0;
	v6 =	vmul.f32 v6, v0  }
0x1b3: {  	v9 =	vmov s11;
	v3 =	vmul.f32 v3, v0;
	[tilespmem:s8+$0x180] =	vst v1;
	v1 =	vmul.f32 v7, v0  }
0x1b4: {  	v7 =	vand.u32 $0xFFFFFFF8, v9;
	[tilespmem:s8+$0x190] =	vst v5;
	v5 =	vmul.f32 v8, v0;
	v0 =	vmul.f32 v4, v0  }
0x1b5: {  	v4 =	vbroadcast v7, $0x0;
	[tilespmem:s8+$0x1A0] =	vst v2  }
0x1b6: {  	[tilespmem:s8+$0x1F0] =	vst v0  }
0x1b7: {  	v0 =	vld [tilespmem:s0+$0xFFFFFE50];
	[tilespmem:s8+$0x1D0] =	vst v3  }
0x1b8: {  	v2 =	vld [tilespmem:s0+$0xFFFFFE30];
	[tilespmem:s8+$0x1B0] =	vst v6  }
0x1b9: {  	v3 =	vld [tilespmem:s0+$0xFFFFFE60];
	[tilespmem:s8+$0x1E0] =	vst v5  }
0x1ba: {  	v5 =	vld [tilespmem:s0+$0xFFFFFE70];
	[tilespmem:s8+$0x1C0] =	vst v1;
	s8 =	smov.u32 s0  }
0x1bb: {  	v1 =	vld.idx.msk [tilespmem:v4+s22+$0x0], $0xffff  }
0x1bc: {  	v4 =	vld [tilespmem:s0+$0xFFFFFE00]  }
0x1bd: {  	v6 =	vld [tilespmem:s0+$0xFFFFFE20]  }
0x1be: {  	v7 =	vld [tilespmem:s0+$0xFFFFFE10]  }
0x1bf: {  	v8 =	vld [tilespmem:s0+$0xFFFFFE40];
	_ =	sdelay $0x1  }
0x1c0: {  	v5 =	vmul.f32 v5, v1;
	v4 =	vmul.f32 v4, v1  }
0x1c1: {  	s11 =	sadd.s32 $0xFFFFFFFA, s9;
	v3 =	vmul.f32 v3, v1;
	v6 =	vmul.f32 v6, v1  }
0x1c2: {  	v2 =	vmul.f32 v2, v1;
	v7 =	vmul.f32 v7, v1;
	[tilespmem:s0+$0xFFFFFE70] =	vst v5;
	v5 =	vmov s11  }
0x1c3: {  	v0 =	vmul.f32 v0, v1;
	[tilespmem:s0+$0xFFFFFE00] =	vst v4;
	v4 =	vmul.f32 v8, v1;
	v1 =	vand.u32 $0xFFFFFFF9, v5  }
0x1c4: {  	[tilespmem:s0+$0xFFFFFE20] =	vst v6;
	v1 =	vbroadcast v1, $0x0  }
0x1c5: {  	[tilespmem:s0+$0xFFFFFE30] =	vst v2  }
0x1c6: {  	[tilespmem:s0+$0xFFFFFE50] =	vst v0;
	v0 =	vld [tilespmem:s0+$0xFFFFFEF0]  }
0x1c7: {  	[tilespmem:s0+$0xFFFFFE10] =	vst v7;
	v2 =	vld [tilespmem:s0+$0xFFFFFED0]  }
0x1c8: {  	[tilespmem:s0+$0xFFFFFE60] =	vst v3;
	v3 =	vld [tilespmem:s0+$0xFFFFFEB0]  }
0x1c9: {  	[tilespmem:s0+$0xFFFFFE40] =	vst v4;
	v4 =	vld [tilespmem:s0+$0xFFFFFEC0]  }
0x1ca: {  	v1 =	vld.idx.msk [tilespmem:v1+s22+$0x0], $0xffff  }
0x1cb: {  	v5 =	vld [tilespmem:s0+$0xFFFFFE90]  }
0x1cc: {  	v6 =	vld [tilespmem:s0+$0xFFFFFE80]  }
0x1cd: {  	v7 =	vld [tilespmem:s0+$0xFFFFFEA0]  }
0x1ce: {  	v8 =	vld [tilespmem:s0+$0xFFFFFEE0];
	_ =	sdelay $0x1  }
0x1cf: {  	v4 =	vmul.f32 v4, v1;
	v5 =	vmul.f32 v5, v1  }
0x1d0: {  	s11 =	sadd.s32 $0xFFFFFFFB, s9;
	v3 =	vmul.f32 v3, v1;
	v6 =	vmul.f32 v6, v1  }
0x1d1: {  	v2 =	vmul.f32 v2, v1;
	[tilespmem:s0+$0xFFFFFE90] =	vst v5;
	v5 =	vmul.f32 v7, v1;
	v7 =	vmov s11  }
0x1d2: {  	v0 =	vmul.f32 v0, v1;
	[tilespmem:s0+$0xFFFFFEC0] =	vst v4;
	v4 =	vmul.f32 v8, v1;
	v1 =	vand.u32 $0xFFFFFFFA, v7  }
0x1d3: {  	[tilespmem:s0+$0xFFFFFE80] =	vst v6;
	v1 =	vbroadcast v1, $0x0  }
0x1d4: {  	[tilespmem:s0+$0xFFFFFED0] =	vst v2  }
0x1d5: {  	[tilespmem:s0+$0xFFFFFEE0] =	vst v4;
	v2 =	vld [tilespmem:s0+$0xFFFFFF70]  }
0x1d6: {  	[tilespmem:s0+$0xFFFFFEB0] =	vst v3;
	v3 =	vld [tilespmem:s0+$0xFFFFFF50]  }
0x1d7: {  	[tilespmem:s0+$0xFFFFFEF0] =	vst v0;
	v0 =	vld [tilespmem:s0+$0xFFFFFF20]  }
0x1d8: {  	[tilespmem:s0+$0xFFFFFEA0] =	vst v5;
	v4 =	vld [tilespmem:s0+$0xFFFFFF60]  }
0x1d9: {  	v1 =	vld.idx.msk [tilespmem:v1+s22+$0x0], $0xffff  }
0x1da: {  	v5 =	vld [tilespmem:s0+$0xFFFFFF00]  }
0x1db: {  	v6 =	vld [tilespmem:s0+$0xFFFFFF10]  }
0x1dc: {  	v7 =	vld [tilespmem:s0+$0xFFFFFF40]  }
0x1dd: {  	v8 =	vld [tilespmem:s0+$0xFFFFFF30];
	_ =	sdelay $0x1  }
0x1de: {  	v4 =	vmul.f32 v4, v1;
	v5 =	vmul.f32 v5, v1  }
0x1df: {  	s11 =	sadd.s32 $0xFFFFFFFC, s9;
	v0 =	vmul.f32 v0, v1;
	v6 =	vmul.f32 v6, v1  }
0x1e0: {  	v3 =	vmul.f32 v3, v1;
	[tilespmem:s0+$0xFFFFFF00] =	vst v5;
	v5 =	vmul.f32 v7, v1;
	v7 =	vmov s11  }
0x1e1: {  	v8 =	vmul.f32 v8, v1;
	[tilespmem:s0+$0xFFFFFF60] =	vst v4;
	v1 =	vmul.f32 v2, v1;
	v2 =	vand.u32 $0xFFFFFFFB, v7  }
0x1e2: {  	[tilespmem:s0+$0xFFFFFF10] =	vst v6;
	v2 =	vbroadcast v2, $0x0  }
0x1e3: {  	[tilespmem:s0+$0xFFFFFF50] =	vst v3  }
0x1e4: {  	[tilespmem:s0+$0xFFFFFF70] =	vst v1;
	v1 =	vld [tilespmem:s0+$0xFFFFFFF0]  }
0x1e5: {  	[tilespmem:s0+$0xFFFFFF20] =	vst v0;
	v0 =	vld [tilespmem:s0+$0xFFFFFFD0]  }
0x1e6: {  	[tilespmem:s0+$0xFFFFFF30] =	vst v8;
	v3 =	vld [tilespmem:s0+$0xFFFFFF90]  }
0x1e7: {  	[tilespmem:s0+$0xFFFFFF40] =	vst v5;
	v4 =	vld [tilespmem:s0+$0xFFFFFFE0]  }
0x1e8: {  	v2 =	vld.idx.msk [tilespmem:v2+s22+$0x0], $0xffff  }
0x1e9: {  	v5 =	vld [tilespmem:s0+$0xFFFFFFB0]  }
0x1ea: {  	v6 =	vld [tilespmem:s0+$0xFFFFFF80]  }
0x1eb: {  	v7 =	vld [tilespmem:s0+$0xFFFFFFC0]  }
0x1ec: {  	v8 =	vld [tilespmem:s0+$0xFFFFFFA0];
	_ =	sdelay $0x1  }
0x1ed: {  	v4 =	vmul.f32 v4, v2;
	v5 =	vmul.f32 v5, v2  }
0x1ee: {  	s11 =	sadd.s32 $0xFFFFFFFD, s9;
	v3 =	vmul.f32 v3, v2;
	v6 =	vmul.f32 v6, v2  }
0x1ef: {  	v0 =	vmul.f32 v0, v2;
	[tilespmem:s0+$0xFFFFFFB0] =	vst v5;
	v5 =	vmul.f32 v7, v2;
	v7 =	vmov s11  }
0x1f0: {  	v1 =	vmul.f32 v1, v2;
	v8 =	vmul.f32 v8, v2;
	[tilespmem:s0+$0xFFFFFFE0] =	vst v4;
	v2 =	vand.u32 $0xFFFFFFFC, v7  }
0x1f1: {  	[tilespmem:s0+$0xFFFFFF80] =	vst v6;
	v4 =	vbroadcast v2, $0x0  }
0x1f2: {  	[tilespmem:s0+$0xFFFFFFD0] =	vst v0  }
0x1f3: {  	[tilespmem:s0+$0xFFFFFFF0] =	vst v1;
	v7 =	vld [tilespmem:s0+$0x0]  }
0x1f4: {  	[tilespmem:s0+$0xFFFFFFA0] =	vst v8;
	v0 =	vld [tilespmem:s0+$0x70]  }
0x1f5: {  	[tilespmem:s0+$0xFFFFFF90] =	vst v3;
	v2 =	vld [tilespmem:s0+$0x50]  }
0x1f6: {  	[tilespmem:s0+$0xFFFFFFC0] =	vst v5;
	v6 =	vld [tilespmem:s0+$0x20]  }
0x1f7: {  	v1 =	vld.idx.msk [tilespmem:v4+s22+$0x0], $0xffff  }
0x1f8: {  	v9 =	vld [tilespmem:s0+$0x40]  }
.Ltmp1:
0x1f9: {  	v5 =	vld [tilespmem:s0+$0x30];
	(pc) =	sbr.rel @p0 .LBB2_5-.Ltmp1, $3  }
0x1fa: {  	v3 =	vld [tilespmem:s0+$0x10]  }
0x1fb: {  	v4 =	vld [tilespmem:s0+$0x60];
	_ =	sdelay $0x1  }
0x1fc: {  	v8 =	vmul.f32 v7, v1;
	v7 =	vmul.f32 v9, v1  }
0x1fd: {  	s0 =	sadd.s32 $0xFFFFFFFE, s9  }
0x1fe: {  	v6 =	vmul.f32 v6, v1;
	[tilespmem:s8+$0x0] =	vst v8;
	v19 =	vmov s0  }
0x1ff: {  	v2 =	vmul.f32 v2, v1;
	[tilespmem:s8+$0x40] =	vst v7;
	v20 =	vand.u32 $0xFFFFFFFD, v19  }
0x200: {  	v0 =	vmul.f32 v0, v1;
	[tilespmem:s8+$0x20] =	vst v6;
	v21 =	vbroadcast v20, $0x0  }
0x201: {  	v5 =	vmul.f32 v5, v1;
	[tilespmem:s8+$0x50] =	vst v2  }
0x202: {  	v23 =	vmul.f32 v3, v1;
	[tilespmem:s8+$0x70] =	vst v0  }
0x203: {  	v22 =	vmul.f32 v4, v1;
	[tilespmem:s8+$0x30] =	vst v5  }
0x204: {  	[tilespmem:s8+$0x10] =	vst v23  }
0x205: {  	v24 =	vld [tilespmem:s8+$0x80];
	[tilespmem:s8+$0x60] =	vst v22  }
0x206: {  	v0 =	vld.idx.msk [tilespmem:v21+s22+$0x0], $0xffff  }
0x207: {  	v25 =	vld [tilespmem:s8+$0xA0]  }
0x208: {  	v26 =	vld [tilespmem:s8+$0xD0]  }
0x209: {  	v27 =	vld [tilespmem:s8+$0xC0]  }
0x20a: {  	v28 =	vld [tilespmem:s8+$0xF0]  }
0x20b: {  	v29 =	vld [tilespmem:s8+$0xB0];
	v1 =	vmul.f32 v24, v0  }
0x20c: {  	v30 =	vld [tilespmem:s8+$0x90];
	s13 =	sadd.s32 $0xFFFFFFFF, s9;
	v2 =	vmul.f32 v25, v0  }
0x20d: {  	v31 =	vld [tilespmem:s8+$0xE0];
	v33 =	vmov s13;
	v32 =	vmul.f32 v26, v0;
	[tilespmem:s8+$0x80] =	vst v1  }
0x20e: {  	v34 =	vand.u32 $0xFFFFFFFE, v33;
	v4 =	vmul.f32 v27, v0;
	[tilespmem:s8+$0xA0] =	vst v2  }
0x20f: {  	v36 =	vbroadcast v34, $0x0;
	v35 =	vmul.f32 v28, v0;
	[tilespmem:s8+$0xD0] =	vst v32  }
0x210: {  	v37 =	vmul.f32 v29, v0;
	[tilespmem:s8+$0xC0] =	vst v4  }
0x211: {  	v38 =	vmul.f32 v30, v0;
	[tilespmem:s8+$0xF0] =	vst v35  }
0x212: {  	v0 =	vmul.f32 v31, v0;
	[tilespmem:s8+$0xB0] =	vst v37  }
0x213: {  	[tilespmem:s8+$0x90] =	vst v38  }
0x214: {  	v39 =	vld [tilespmem:s8+$0x100];
	[tilespmem:s8+$0xE0] =	vst v0  }
0x215: {  	v0 =	vld.idx.msk [tilespmem:v36+s22+$0x0], $0xffff  }
0x216: {  	v40 =	vld [tilespmem:s8+$0x120]  }
0x217: {  	v41 =	vld [tilespmem:s8+$0x130]  }
0x218: {  	v42 =	vld [tilespmem:s8+$0x140]  }
0x219: {  	v43 =	vld [tilespmem:s8+$0x160]  }
0x21a: {  	v44 =	vld [tilespmem:s8+$0x110];
	v2 =	vmul.f32 v39, v0  }
0x21b: {  	v45 =	vld [tilespmem:s8+$0x150];
	v1 =	vmul.f32 v40, v0  }
0x21c: {  	v46 =	vld [tilespmem:s8+$0x170];
	v3 =	vmul.f32 v41, v0;
	[tilespmem:s8+$0x100] =	vst v2  }
0x21d: {  	v47 =	vmul.f32 v42, v0;
	[tilespmem:s8+$0x120] =	vst v1  }
0x21e: {  	v48 =	vmul.f32 v43, v0;
	[tilespmem:s8+$0x130] =	vst v3  }
0x21f: {  	v50 =	vmov s9;
	v49 =	vmul.f32 v44, v0;
	[tilespmem:s8+$0x140] =	vst v47  }
0x220: {  	v51 =	vmul.f32 v45, v0;
	[tilespmem:s8+$0x160] =	vst v48  }
0x221: {  	v0 =	vmul.f32 v46, v0;
	[tilespmem:s8+$0x110] =	vst v49  }
0x222: {  	[tilespmem:s8+$0x150] =	vst v51  }
0x223: {  	v52 =	vld [tilespmem:s8+$0x180];
	[tilespmem:s8+$0x170] =	vst v0  }
0x224: {  	v0 =	vld.idx.msk [tilespmem:v50+s22+$0x0], $0xffff  }
0x225: {  	v54 =	vld [tilespmem:s8+$0x190]  }
0x226: {  	v53 =	vld [tilespmem:s8+$0x1A0]  }
0x227: {  	v55 =	vld [tilespmem:s8+$0x1F0]  }
0x228: {  	v56 =	vld [tilespmem:s8+$0x1D0]  }
0x229: {  	v57 =	vld [tilespmem:s8+$0x1B0];
	v1 =	vmul.f32 v52, v0  }
0x22a: {  	v58 =	vld [tilespmem:s8+$0x1E0];
	v2 =	vmul.f32 v54, v0  }
0x22b: {  	v59 =	vld [tilespmem:s8+$0x1C0];
	v3 =	vmul.f32 v53, v0;
	[tilespmem:s8+$0x180] =	vst v1  }
0x22c: {  	v60 =	vmul.f32 v55, v0;
	[tilespmem:s8+$0x190] =	vst v2  }
0x22d: {  	s1 =	sadd.s32 $0x1, s1;
	v61 =	vmul.f32 v56, v0;
	[tilespmem:s8+$0x1A0] =	vst v3  }
0x22e: {  	p0 =	sne.s32 s1, $0x28;
	v62 =	vmul.f32 v57, v0;
	[tilespmem:s8+$0x1F0] =	vst v60  }
.Ltmp2:
0x22f: {  	v63 =	vmul.f32 v58, v0;
	[tilespmem:s8+$0x1D0] =	vst v61;
	(pc) =	sbr.rel @p0 .LBB2_2-.Ltmp2, $4  }
0x230: {  	v0 =	vmul.f32 v59, v0;
	[tilespmem:s8+$0x1B0] =	vst v62  }
0x231: {  	[tilespmem:s8+$0x1E0] =	vst v63  }
0x232: {  	[tilespmem:s8+$0x1C0] =	vst v0  }
0x233: {  	[spmem:s2] =	stream.indirect.scatter.add.f32 [tilespmem:s23], [sflag:$0x6], $0x80, s21, s19, $0xb8;
	[tilespmem:$0x1EA00] =	vst v63  }
0x234: {  	_ =	swait.ge [sflag:s29], $0x4000  }
0x235: {  	[sflag:s29] =	ssyncset.done $0x0  }
0x236: {  	[sflag:s29] =	ssyncadd.s32 $0xFFFFC000  }
0x237: {  	_ =	swait.ge [sflag:s30], $0x4000  }
0x238: {  	[sflag:s30] =	ssyncset.done $0x0  }
0x239: {  	[sflag:s30] =	ssyncadd.s32 $0xFFFFC000  }
0x23a: {  	[bflag:$0x0] =	sbarrier.arrive $0xFFFF  }
0x23b: {  	s0 =	rddreg [dreg:$0x7]  }
0x23c: {  	[hbm:s0], [sflag:s15] =	dma.local [spmem:s16], $0x2800  }
0x23d: {  	_ =	swait.ge [sflag:s14], $0x2800  }
0x23e: {  	s31 =	sadd.s32 $0x1, s31;
	s13 =	rddreg [dreg:$0x8]  }
0x23f: {  	p0 =	sne.s32 s31, s13  }
.Ltmp3:
0x240: {  	_ = 	snop;
	(pc) =	sbr.rel @p0 .LBB2_1-.Ltmp3, $3  }
0x241: {  	_ =	sdelay $0x1  }
0x242: {  	[sflag:s14] =	ssyncset.done $0x0  }
0x243: {  	[sflag:s14] =	ssyncadd.s32 $0xFFFFD800  }
0x244: {  	_ =	sfence.sel $0x180000  }
0x245: {  	[bflag:$0x0] =	sbarrier.arrive $0xFFFF  }
0x246: {  	_ =	strace $0x9000004A  }
0x247: {  	s0 =	stileid.u32;
	[bflag:$0x2] =	sbarrier.arrive $0xFFFF  }
0x248: {  	p0 =	sne.s32 s0, $0x0;
	s0 =	rddreg [dreg:$0x2]  }
0x249: {  	s0 =	sadd.s32 @!p0 $0x100000, s0  }
0x24a: {  	[sflag:s0] =	ssyncadd.tile.s32 @!p0 $0x1;
	_ =	shalt  }
.Lfunc_end2:
_tile_overlayer_lowered:
.L_overlay_start_2:
0x24b: {  	(tag) =	ssettag $0x2  }
0x24c: {  	s0 =	rddreg [dreg:$0x0];
	s2 =	stileid.u32  }
0x24d: {  	s1 =	rddreg [dreg:$0x1];
	p0 =	sne.s32 s2, $0x0  }
0x24e: {  	s3 =	rddreg [dreg:$0x2];
	[bflag:$0x3] =	sbarrier.arrive $0xFFFF;
	s2 =	simm.s32 @!p0 $0x1C07  }
0x24f: {  	[timem:s3], [sflag:s2] =	dma.local @!p0 [hbm:s0], s1  }
0x250: {  	s0 =	simm.s32 @!p0 $0x7  }
0x251: {  	_ =	swait.ge @!p0 [sflag:s0], s1  }
0x252: {  	s1 =	ssub.s32 @!p0 $0x0, s1;
	[sflag:s0] =	ssyncset.done @!p0 $0x0  }
0x253: {  	[sflag:s0] =	ssyncadd.s32 @!p0 s1  }
0x254: {  	[bflag:$0x3] =	sbarrier.arrive $0xFFFF  }
0x255: {  	_ =	shalt  }

</sc_bundles>
